<compile_context>
chip_gen: v7x
topology: tpu7x:2x2x1
jax: 0.10.2.dev20260603
libtpu: 0.0.44.dev20260713+nightly
codegen_flags: <defaults>
</compile_context>

<pallas_src>
import functools

import jax
import jax.numpy as jnp
from jax import lax
from jax.experimental import pallas as pl
from jax.experimental.pallas import tpu as pltpu
from jax.experimental.pallas import tpu_sc as plsc

N = 10000
E = 320000
IN = 128
H = 128
CH = 64
L = 4
TAU0 = 1.0

NW = 32
CHUNK = 128
CPW = 80
NBUF = 2
NCH = NW * CPW
EPAD = NCH * CHUNK
NR = 10112
RPS = NR // 16

BLK = 512
GRID = (N + BLK - 1) // BLK


def _sc_mesh():
    return plsc.VectorSubcoreMesh(core_axis_name="c", subcore_axis_name="s",
                                  num_cores=2, num_subcores=16)


def _mm_t(a, b):
    return lax.dot_general(a, b, (((1,), (1,)), ((), ())))



def _colp_body(row_ref, col_ref, colp_ref):
    r = row_ref[...]
    c = col_ref[...]
    colp_ref[...] = jnp.where(r == c, N, c)


def _colp_call(row2d, col2d):
    return pl.pallas_call(
        _colp_body,
        out_shape=jax.ShapeDtypeStruct((NCH, CHUNK), jnp.int32),
    )(row2d, col2d)



def _deg_body(colp_hbm, deg_hbm, cidx_v, ones_v, zb_v, deg_sh):
    cid = lax.axis_index("c")
    sid = lax.axis_index("s")
    wid = cid * 16 + sid

    def init_bufs(i, _):
        for j in range(H // 16):
            ones_v[i, pl.ds(j * 16, 16)] = jnp.full((16,), 1.0, jnp.float32)
            zb_v[i, pl.ds(j * 16, 16)] = jnp.zeros((16,), jnp.float32)
        return 0
    lax.fori_loop(0, CHUNK, init_bufs, 0)
    for t in range(RPS // CHUNK):
        pltpu.sync_copy(zb_v, deg_sh.at[pl.ds(sid * RPS + t * CHUNK, CHUNK)])
    rem = RPS % CHUNK
    pltpu.sync_copy(zb_v.at[pl.ds(0, rem)],
                    deg_sh.at[pl.ds(sid * RPS + (RPS - rem), rem)])
    plsc.subcore_barrier()

    def body(k, _):
        ci = wid * CPW + k
        pltpu.sync_copy(colp_hbm.at[ci], cidx_v)
        pltpu.sync_copy(ones_v, deg_sh.at[cidx_v], add=True)
        return 0
    lax.fori_loop(0, CPW, body, 0)
    plsc.subcore_barrier()
    pltpu.sync_copy(deg_sh.at[pl.ds(sid * RPS, RPS)],
                    deg_hbm.at[cid, pl.ds(sid * RPS, RPS)])


@functools.lru_cache(maxsize=1)
def _deg_kernel():
    return pl.kernel(
        _deg_body,
        out_type=jax.ShapeDtypeStruct((2, NR, H), jnp.float32),
        mesh=_sc_mesh(),
        scratch_types=[
            pltpu.VMEM((CHUNK,), jnp.int32),
            pltpu.VMEM((CHUNK, H), jnp.float32),
            pltpu.VMEM((CHUNK, H), jnp.float32),
            pltpu.VMEM_SHARED((NR, H), jnp.float32),
        ],
    )


def _deg_call(colp2d):
    return _deg_kernel()(colp2d)



def _agg_body(out_hbm, row_hbm, colp_hbm, part_hbm,
              ridx_v, cidx_v, rows_v, sem, agg_sh):
    cid = lax.axis_index("c")
    sid = lax.axis_index("s")
    wid = cid * 16 + sid
    base = wid * CPW

    def zb(i, _):
        for j in range(H // 16):
            rows_v[i, pl.ds(j * 16, 16)] = jnp.zeros((16,), jnp.float32)
        return 0
    lax.fori_loop(0, CHUNK, zb, 0)
    for t in range(RPS // CHUNK):
        pltpu.sync_copy(rows_v, agg_sh.at[pl.ds(sid * RPS + t * CHUNK, CHUNK)])
    rem = RPS % CHUNK
    pltpu.sync_copy(rows_v.at[pl.ds(0, rem)],
                    agg_sh.at[pl.ds(sid * RPS + (RPS - rem), rem)])
    plsc.subcore_barrier()

    def body(k, _):
        ci = base + k
        pltpu.sync_copy(row_hbm.at[ci], ridx_v)
        pltpu.sync_copy(colp_hbm.at[ci], cidx_v)
        pltpu.async_copy(out_hbm.at[ridx_v], rows_v, sem).wait()
        pltpu.sync_copy(rows_v, agg_sh.at[cidx_v], add=True)
        return 0
    lax.fori_loop(0, CPW, body, 0)
    plsc.subcore_barrier()
    pltpu.sync_copy(agg_sh.at[pl.ds(sid * RPS, RPS)],
                    part_hbm.at[cid, pl.ds(sid * RPS, RPS)])


@functools.lru_cache(maxsize=1)
def _agg_kernel():
    return pl.kernel(
        _agg_body,
        out_type=jax.ShapeDtypeStruct((2, NR, H), jnp.float32),
        mesh=_sc_mesh(),
        scratch_types=[
            pltpu.VMEM((CHUNK,), jnp.int32),
            pltpu.VMEM((CHUNK,), jnp.int32),
            pltpu.VMEM((CHUNK, H), jnp.float32),
            pltpu.SemaphoreType.DMA,
            pltpu.VMEM_SHARED((NR, H), jnp.float32),
        ],
    )


def _agg_call(out, row2d, colp2d):
    return _agg_kernel()(out, row2d, colp2d)



def _node_spec(d):
    return pl.BlockSpec((BLK, d), lambda i: (i, 0))


def _full_spec(shape):
    return pl.BlockSpec(shape, lambda i: (0,) * len(shape))


def _proj_body(x_ref, wp_ref, bp_ref, pre_ref):
    pre_ref[...] = _mm_t(x_ref[...], wp_ref[...]) + bp_ref[...]


def _proj_call(x, wp, bp2):
    return pl.pallas_call(
        _proj_body,
        grid=(GRID,),
        in_specs=[_node_spec(IN), _full_spec((H, IN)), _full_spec((1, H))],
        out_specs=[_node_spec(H)],
        out_shape=(jax.ShapeDtypeStruct((N, H), jnp.float32),),
    )(x, wp, bp2)[0]


def _mm4_body(h_ref, dis_ref, wc1_ref, bc1_ref, wt_ref, wsym_ref, anti_ref,
              ba_ref, prec_ref, pret_ref, out_ref, ha_ref):
    h = h_ref[...]
    prec_ref[...] = _mm_t(h, wc1_ref[...]) + bc1_ref[...]
    pret_ref[...] = _mm_t(h, wt_ref[...])
    out_ref[...] = _mm_t(h, wsym_ref[...]) * dis_ref[...]
    ha_ref[...] = _mm_t(h, anti_ref[...]) + ba_ref[...]


def _mm4_call(h, dis, wc1, bc12, wt, wsym, anti, ba2):
    return pl.pallas_call(
        _mm4_body,
        grid=(GRID,),
        in_specs=[
            _node_spec(H), _node_spec(1),
            _full_spec((CH, H)), _full_spec((1, CH)),
            _full_spec((1, H)), _full_spec((H, H)), _full_spec((H, H)),
            _full_spec((1, H)),
        ],
        out_specs=[_node_spec(CH), _node_spec(1), _node_spec(H),
                   _node_spec(H)],
        out_shape=(
            jax.ShapeDtypeStruct((N, CH), jnp.float32),
            jax.ShapeDtypeStruct((N, 1), jnp.float32),
            jax.ShapeDtypeStruct((N, H), jnp.float32),
            jax.ShapeDtypeStruct((N, H), jnp.float32),
        ),
    )(h, dis, wc1, bc12, wt, wsym, anti, ba2)


def _logits_body(h1n_ref, wc2_ref, bc2_ref, lg_ref):
    lg_ref[...] = _mm_t(h1n_ref[...], wc2_ref[...]) + bc2_ref[...]


def _logits_call(h1n, wc2, bc22):
    return pl.pallas_call(
        _logits_body,
        grid=(GRID,),
        in_specs=[_node_spec(CH), _full_spec((2, CH)), _full_spec((1, 2))],
        out_specs=[_node_spec(2)],
        out_shape=(jax.ShapeDtypeStruct((N, 2), jnp.float32),),
    )(h1n, wc2, bc22)[0]



def kernel(x, edge_index, Wp, bp, Wa, ba, Wpair, Wc1, bc1, ln_g, ln_b,
           Wc2, bc2, Wt):
    row = edge_index[0]
    col = edge_index[1]
    pad = EPAD - E
    row2d = jnp.concatenate(
        [row, jnp.zeros((pad,), jnp.int32)]).reshape(NCH, CHUNK)
    col2d = jnp.concatenate(
        [col, jnp.full((pad,), N, jnp.int32)]).reshape(NCH, CHUNK)

    W0 = jnp.triu(Wpair[:, :-2], 1)
    W0 = W0 + W0.T
    q = Wpair[:, -2]
    r = Wpair[:, -1]
    wsym = W0 + jnp.diag(q * jnp.sum(jnp.abs(W0), axis=1) + r)
    anti = Wa - Wa.T

    bp2 = bp.reshape(1, H)
    ba2 = ba.reshape(1, H)
    bc12 = bc1.reshape(1, CH)
    bc22 = bc2.reshape(1, 2)
    wt2 = Wt.reshape(1, H)

    colp2d = _colp_call(row2d, col2d)
    degp = _deg_call(colp2d)
    deg = degp[0, :N, 0] + degp[1, :N, 0]
    dis = jnp.where(deg > 0, deg ** -0.5, 0.0)
    dis2 = dis.reshape(N, 1)

    h = jax.nn.gelu(_proj_call(x, Wp, bp2), approximate=False)

    z = jnp.zeros_like(h)
    cont = jnp.ones((N,), dtype=bool)
    step = jnp.ones((N, 1), dtype=h.dtype)
    exit_layers = jnp.full((N,), L, dtype=jnp.int32)
    nkey = jax.random.key(42)
    for li in range(L):
        pre_c, pre_t, out, ha = _mm4_call(h, dis2, Wc1, bc12, wt2, wsym,
                                          anti, ba2)
        h1 = jax.nn.gelu(pre_c, approximate=False)
        mu = jnp.mean(h1, axis=-1, keepdims=True)
        var = jnp.mean((h1 - mu) ** 2, axis=-1, keepdims=True)
        h1n = (h1 - mu) / jnp.sqrt(var + 1e-5) * ln_g + ln_b
        logits = _logits_call(h1n, Wc2, bc22)
        temp = 1.0 / (jax.nn.softplus(pre_t) + TAU0)
        u = jax.random.uniform(jax.random.fold_in(nkey, li), (N, 2),
                               minval=1e-10, maxval=1.0)
        g = -jnp.log(-jnp.log(u))
        gum = (logits + g) / temp
        ys = jax.nn.softmax(gum, axis=-1)
        yh = jax.nn.one_hot(jnp.argmax(ys, axis=-1), 2, dtype=ys.dtype)
        y = yh - jax.lax.stop_gradient(ys) + ys
        step = step * y[:, 0:1]
        ed = y[:, 1] > y[:, 0]
        newly = ed & cont
        z = z + h * newly[:, None].astype(h.dtype)
        exit_layers = jnp.where(newly, li, exit_layers)
        cont = cont & (~ed)
        parts = _agg_call(out, row2d, colp2d)
        agg = (parts[0, :N] + parts[1, :N]) * dis2
        delta = -ha + agg
        h = h + step * jax.nn.gelu(delta, approximate=False)
    z = z + h * cont[:, None].astype(h.dtype)
    return (z, exit_layers)

# --- scband reference (transcript-rebuilt; emitter-appended) ---
"""Pipeline reference for scband-node-adaptive-exit-77129022702250 (READ-ONLY COPY).

The authoritative reference and input builder live on the scoring server;
editing this copy changes nothing except your own understanding.
"""

import jax, jax.numpy as jnp
import numpy as np

N = 10000
E = 320000
IN = 128
H = 128
CH = 64
L = 4
TAU0 = 1.0


def setup_inputs(seed: int = 0):
    key = jax.random.key(seed)
    ks = jax.random.split(key, 20)

    def rn(k, shape, s=0.05):
        return jax.random.normal(k, shape, dtype=jnp.float32) * s

    inp = {}
    inp["x"] = jax.random.normal(ks[0], (N, IN), dtype=jnp.float32)
    inp["edge_index"] = jax.random.randint(ks[1], (2, E), 0, N, dtype=jnp.int32)
    inp["Wp"] = rn(ks[2], (H, IN))
    inp["bp"] = rn(ks[3], (H,))
    inp["Wa"] = rn(ks[4], (H, H))
    inp["ba"] = rn(ks[5], (H,))
    inp["Wpair"] = rn(ks[6], (H, H + 2))
    inp["Wc1"] = rn(ks[7], (CH, H))
    inp["bc1"] = rn(ks[8], (CH,))
    inp["ln_g"] = jnp.ones((CH,), dtype=jnp.float32)
    inp["ln_b"] = jnp.zeros((CH,), dtype=jnp.float32)
    inp["Wc2"] = rn(ks[9], (2, CH))
    inp["bc2"] = rn(ks[10], (2,))
    inp["Wt"] = rn(ks[11], (1, H))
    return inp


def _gelu(v):
    return jax.nn.gelu(v, approximate=False)


def reference(x, edge_index, Wp, bp, Wa, ba, Wpair, Wc1, bc1, ln_g, ln_b, Wc2, bc2, Wt):
    n = x.shape[0]
    # remove self loops
    mask = edge_index[0] != edge_index[1]
    row = edge_index[0]
    col = edge_index[1]
    # symmetric degree normalization (deg computed over dst/col)
    deg = jnp.zeros((n,), dtype=x.dtype).at[col].add(mask.astype(x.dtype))
    dis = jnp.where(deg > 0, deg ** -0.5, 0.0)
    norm = dis[row] * dis[col] * mask.astype(x.dtype)
    # Pairwise parametrization: symmetric weight with controlled diagonal
    W0 = jnp.triu(Wpair[:, :-2], 1)
    W0 = W0 + W0.T
    q = Wpair[:, -2]
    r = Wpair[:, -1]
    Wsym = W0 + jnp.diag(q * jnp.sum(jnp.abs(W0), axis=1) + r)
    # antisymmetric weight
    anti = Wa - Wa.T
    # input projection (dropout p=0.0, eval)
    h = _gelu(x @ Wp.T + bp)
    z = jnp.zeros_like(h)
    cont = jnp.ones((n,), dtype=bool)
    step = jnp.ones((n, 1), dtype=h.dtype)
    exit_layers = jnp.full((n,), L, dtype=jnp.int32)
    nkey = jax.random.key(42)
    active_nodes_per_layer = []
    for li in range(L):
        active_nodes_per_layer.append(jnp.sum(cont))
        # confidence head
        h1 = _gelu(h @ Wc1.T + bc1)
        mu = jnp.mean(h1, axis=-1, keepdims=True)
        var = jnp.mean((h1 - mu) ** 2, axis=-1, keepdims=True)
        h1n = (h1 - mu) / jnp.sqrt(var + 1e-5) * ln_g + ln_b
        logits = h1n @ Wc2.T + bc2
        # temperature head
        temp = 1.0 / (jax.nn.softplus(h @ Wt.T) + TAU0)
        # gumbel-softmax (hard, straight-through)
        u = jax.random.uniform(jax.random.fold_in(nkey, li), (n, 2), minval=1e-10, maxval=1.0)
        g = -jnp.log(-jnp.log(u))
        gum = (logits + g) / temp
        ys = jax.nn.softmax(gum, axis=-1)
        yh = jax.nn.one_hot(jnp.argmax(ys, axis=-1), 2, dtype=ys.dtype)
        y = yh - jax.lax.stop_gradient(ys) + ys
        step = step * y[:, 0:1]
        ed = y[:, 1] > y[:, 0]
        newly = ed & cont
        z = z + h * newly[:, None].astype(h.dtype)
        exit_layers = jnp.where(newly, li, exit_layers)
        cont = cont & (~ed)
        # SASConv: symmetric aggregation + antisymmetric update
        out = h @ Wsym.T
        msg = norm[:, None] * out[row]
        agg = jnp.zeros_like(h).at[col].add(msg)
        delta = -(h @ anti.T + ba) + agg
        h = h + step * _gelu(delta)
    z = z + h * cont[:, None].astype(h.dtype)
    return (z, exit_layers)

if __name__ == "__main__":
    import jax
    _d = setup_inputs()
    print(jax.jit(kernel)(*tuple(_d.values())))

</pallas_src>

<mosaic_0001>
#map = affine_map<(d0, d1) -> (0, 0)>
#map1 = affine_map<(d0, d1) -> (0, 0, 0)>
module attributes {stable_mosaic.version = 14 : i64} {
  func.func @_agg_body(%arg0: i32, %arg1: i32, %arg2: memref<10000x128xf32, #tpu.memory_space<hbm>>, %arg3: memref<2560x128xi32, #tpu.memory_space<hbm>>, %arg4: memref<2560x128xi32, #tpu.memory_space<hbm>>, %arg5: memref<2x10112x128xf32, #tpu.memory_space<hbm>>, %arg6: memref<128xi32, #tpu.memory_space<vmem>>, %arg7: memref<128xi32, #tpu.memory_space<vmem>>, %arg8: memref<128x128xf32, #tpu.memory_space<vmem>>, %arg9: memref<!tpu.dma_semaphore, #tpu.memory_space<semaphore_mem>>, %arg10: memref<10112x128xf32, #tpu.memory_space<vmem_shared>>) attributes {dimension_semantics = [#tpu.dimension_semantics<core_parallel>, #tpu.dimension_semantics<subcore_parallel>], iteration_bounds = array<i64: 2, 16>, scalar_prefetch = 0 : i64, scratch_operands = 5 : i64, tpu.core_type = #tpu.core_type<sc_vector_subcore>, window_params = [{transform_indices = #map}, {transform_indices = #map}, {transform_indices = #map}, {transform_indices = #map1}]} {
    %mul3A = arith.constant 16 : i32
    %mul3A_0 = arith.muli %arg0, %mul3A : i32
    %add3A = arith.addi %mul3A_0, %arg1 : i32
    %mul3A_1 = arith.constant 80 : i32
    %mul3A_2 = arith.muli %add3A, %mul3A_1 : i32
    %scan3A = arith.constant 0 : i32
    %scan3A_3 = arith.constant 0 : i32
    %scan3A_4 = arith.constant 128 : i32
    %scan3A_5 = arith.addi %scan3A_3, %scan3A_4 : i32
    %scan3A_6 = arith.constant 1 : i32
    %scan3A_7 = scf.for %scan3A_41 = %scan3A_3 to %scan3A_5 step %scan3A_6 iter_args(%scan3A_42 = %scan3A) -> (i32)  : i32 {
      %broadcast_in_dim3A = arith.constant 0.000000e+00 : f32
      %broadcast_in_dim3A_43 = vector.broadcast %broadcast_in_dim3A : f32 to vector<16xf32>
      %swap3A = arith.index_cast %scan3A_41 : i32 to index
      %swap3A_44 = arith.constant 0 : index
      %swap3A_45 = tpu.vector_load %arg8[%swap3A, %swap3A_44] {strides = array<i32>} : memref<128x128xf32, #tpu.memory_space<vmem>>, vector<1x16xf32>,
      %swap3A_46 = vector.shape_cast %swap3A_45 : vector<1x16xf32> to vector<16xf32>
      %swap3A_47 = vector.shape_cast %broadcast_in_dim3A_43 : vector<16xf32> to vector<1x16xf32>
      tpu.vector_store %arg8[%swap3A, %swap3A_44], %swap3A_47 {strides = array<i32>} : memref<128x128xf32, #tpu.memory_space<vmem>>, vector<1x16xf32>,
      %broadcast_in_dim3A_48 = arith.constant 0.000000e+00 : f32
      %broadcast_in_dim3A_49 = vector.broadcast %broadcast_in_dim3A_48 : f32 to vector<16xf32>
      %swap3A_50 = arith.index_cast %scan3A_41 : i32 to index
      %swap3A_51 = arith.constant 16 : index
      %swap3A_52 = tpu.vector_load %arg8[%swap3A_50, %swap3A_51] {strides = array<i32>} : memref<128x128xf32, #tpu.memory_space<vmem>>, vector<1x16xf32>,
      %swap3A_53 = vector.shape_cast %swap3A_52 : vector<1x16xf32> to vector<16xf32>
      %swap3A_54 = vector.shape_cast %broadcast_in_dim3A_49 : vector<16xf32> to vector<1x16xf32>
      tpu.vector_store %arg8[%swap3A_50, %swap3A_51], %swap3A_54 {strides = array<i32>} : memref<128x128xf32, #tpu.memory_space<vmem>>, vector<1x16xf32>,
      %broadcast_in_dim3A_55 = arith.constant 0.000000e+00 : f32
      %broadcast_in_dim3A_56 = vector.broadcast %broadcast_in_dim3A_55 : f32 to vector<16xf32>
      %swap3A_57 = arith.index_cast %scan3A_41 : i32 to index
      %swap3A_58 = arith.constant 32 : index
      %swap3A_59 = tpu.vector_load %arg8[%swap3A_57, %swap3A_58] {strides = array<i32>} : memref<128x128xf32, #tpu.memory_space<vmem>>, vector<1x16xf32>,
      %swap3A_60 = vector.shape_cast %swap3A_59 : vector<1x16xf32> to vector<16xf32>
      %swap3A_61 = vector.shape_cast %broadcast_in_dim3A_56 : vector<16xf32> to vector<1x16xf32>
      tpu.vector_store %arg8[%swap3A_57, %swap3A_58], %swap3A_61 {strides = array<i32>} : memref<128x128xf32, #tpu.memory_space<vmem>>, vector<1x16xf32>,
      %broadcast_in_dim3A_62 = arith.constant 0.000000e+00 : f32
      %broadcast_in_dim3A_63 = vector.broadcast %broadcast_in_dim3A_62 : f32 to vector<16xf32>
      %swap3A_64 = arith.index_cast %scan3A_41 : i32 to index
      %swap3A_65 = arith.constant 48 : index
      %swap3A_66 = tpu.vector_load %arg8[%swap3A_64, %swap3A_65] {strides = array<i32>} : memref<128x128xf32, #tpu.memory_space<vmem>>, vector<1x16xf32>,
      %swap3A_67 = vector.shape_cast %swap3A_66 : vector<1x16xf32> to vector<16xf32>
      %swap3A_68 = vector.shape_cast %broadcast_in_dim3A_63 : vector<16xf32> to vector<1x16xf32>
      tpu.vector_store %arg8[%swap3A_64, %swap3A_65], %swap3A_68 {strides = array<i32>} : memref<128x128xf32, #tpu.memory_space<vmem>>, vector<1x16xf32>,
      %broadcast_in_dim3A_69 = arith.constant 0.000000e+00 : f32
      %broadcast_in_dim3A_70 = vector.broadcast %broadcast_in_dim3A_69 : f32 to vector<16xf32>
      %swap3A_71 = arith.index_cast %scan3A_41 : i32 to index
      %swap3A_72 = arith.constant 64 : index
      %swap3A_73 = tpu.vector_load %arg8[%swap3A_71, %swap3A_72] {strides = array<i32>} : memref<128x128xf32, #tpu.memory_space<vmem>>, vector<1x16xf32>,
      %swap3A_74 = vector.shape_cast %swap3A_73 : vector<1x16xf32> to vector<16xf32>
      %swap3A_75 = vector.shape_cast %broadcast_in_dim3A_70 : vector<16xf32> to vector<1x16xf32>
      tpu.vector_store %arg8[%swap3A_71, %swap3A_72], %swap3A_75 {strides = array<i32>} : memref<128x128xf32, #tpu.memory_space<vmem>>, vector<1x16xf32>,
      %broadcast_in_dim3A_76 = arith.constant 0.000000e+00 : f32
      %broadcast_in_dim3A_77 = vector.broadcast %broadcast_in_dim3A_76 : f32 to vector<16xf32>
      %swap3A_78 = arith.index_cast %scan3A_41 : i32 to index
      %swap3A_79 = arith.constant 80 : index
      %swap3A_80 = tpu.vector_load %arg8[%swap3A_78, %swap3A_79] {strides = array<i32>} : memref<128x128xf32, #tpu.memory_space<vmem>>, vector<1x16xf32>,
      %swap3A_81 = vector.shape_cast %swap3A_80 : vector<1x16xf32> to vector<16xf32>
      %swap3A_82 = vector.shape_cast %broadcast_in_dim3A_77 : vector<16xf32> to vector<1x16xf32>
      tpu.vector_store %arg8[%swap3A_78, %swap3A_79], %swap3A_82 {strides = array<i32>} : memref<128x128xf32, #tpu.memory_space<vmem>>, vector<1x16xf32>,
      %broadcast_in_dim3A_83 = arith.constant 0.000000e+00 : f32
      %broadcast_in_dim3A_84 = vector.broadcast %broadcast_in_dim3A_83 : f32 to vector<16xf32>
      %swap3A_85 = arith.index_cast %scan3A_41 : i32 to index
      %swap3A_86 = arith.constant 96 : index
      %swap3A_87 = tpu.vector_load %arg8[%swap3A_85, %swap3A_86] {strides = array<i32>} : memref<128x128xf32, #tpu.memory_space<vmem>>, vector<1x16xf32>,
      %swap3A_88 = vector.shape_cast %swap3A_87 : vector<1x16xf32> to vector<16xf32>
      %swap3A_89 = vector.shape_cast %broadcast_in_dim3A_84 : vector<16xf32> to vector<1x16xf32>
      tpu.vector_store %arg8[%swap3A_85, %swap3A_86], %swap3A_89 {strides = array<i32>} : memref<128x128xf32, #tpu.memory_space<vmem>>, vector<1x16xf32>,
      %broadcast_in_dim3A_90 = arith.constant 0.000000e+00 : f32
      %broadcast_in_dim3A_91 = vector.broadcast %broadcast_in_dim3A_90 : f32 to vector<16xf32>
      %swap3A_92 = arith.index_cast %scan3A_41 : i32 to index
      %swap3A_93 = arith.constant 112 : index
      %swap3A_94 = tpu.vector_load %arg8[%swap3A_92, %swap3A_93] {strides = array<i32>} : memref<128x128xf32, #tpu.memory_space<vmem>>, vector<1x16xf32>,
      %swap3A_95 = vector.shape_cast %swap3A_94 : vector<1x16xf32> to vector<16xf32>
      %swap3A_96 = vector.shape_cast %broadcast_in_dim3A_91 : vector<16xf32> to vector<1x16xf32>
      tpu.vector_store %arg8[%swap3A_92, %swap3A_93], %swap3A_96 {strides = array<i32>} : memref<128x128xf32, #tpu.memory_space<vmem>>, vector<1x16xf32>,
      %scan3A_97 = arith.constant 0 : i32
      scf.yield %scan3A_97 : i32
    }
    %scan3A_8 = arith.constant 128 : i32
    %mul3A_9 = arith.constant 632 : i32
    %mul3A_10 = arith.muli %arg1, %mul3A_9 : i32
    %add3A_11 = arith.constant 0 : i32
    %add3A_12 = arith.addi %mul3A_10, %add3A_11 : i32
    "tpu.region"() ({
      %run_scoped3A = tpu.sem_alloc : memref<!tpu.dma_semaphore, #tpu.memory_space<semaphore_mem>>
      %dma_start3A = arith.constant 0 : i32
      %dma_start3A_41 = tpu.memref_slice %arg10[%add3A_12, %dma_start3A] : memref<10112x128xf32, #tpu.memory_space<vmem_shared>> -> memref<128x128xf32, #tpu.memory_space<vmem_shared>>
      %dma_start3A_42 = arith.constant 0 : i32
      %dma_start3A_43 = tpu.memref_slice %arg10[%add3A_12, %dma_start3A_42] : memref<10112x128xf32, #tpu.memory_space<vmem_shared>> -> memref<128x128xf32, #tpu.memory_space<vmem_shared>>
      tpu.enqueue_dma source(%arg8 : memref<128x128xf32, #tpu.memory_space<vmem>>) target(%dma_start3A_43 : memref<128x128xf32, #tpu.memory_space<vmem_shared>>) target_semaphore(%run_scoped3A : memref<!tpu.dma_semaphore, #tpu.memory_space<semaphore_mem>>)
      %dma_wait3A = arith.constant 0 : i32
      %dma_wait3A_44 = tpu.memref_slice %arg10[%add3A_12, %dma_wait3A] : memref<10112x128xf32, #tpu.memory_space<vmem_shared>> -> memref<128x128xf32, #tpu.memory_space<vmem_shared>>
      %dma_wait3A_45 = arith.constant 0 : i32
      %dma_wait3A_46 = tpu.memref_slice %arg10[%add3A_12, %dma_wait3A_45] : memref<10112x128xf32, #tpu.memory_space<vmem_shared>> -> memref<128x128xf32, #tpu.memory_space<vmem_shared>>
      tpu.wait_dma2 semaphore(%run_scoped3A : memref<!tpu.dma_semaphore, #tpu.memory_space<semaphore_mem>>) src(%arg8 : memref<128x128xf32, #tpu.memory_space<vmem>>) dst(%dma_wait3A_46 : memref<128x128xf32, #tpu.memory_space<vmem_shared>>)
      tpu.yield
    }) : () -> ()
    %mul3A_13 = arith.constant 632 : i32
    %mul3A_14 = arith.muli %arg1, %mul3A_13 : i32
    %add3A_15 = arith.constant 128 : i32
    %add3A_16 = arith.addi %mul3A_14, %add3A_15 : i32
    "tpu.region"() ({
      %run_scoped3A = tpu.sem_alloc : memref<!tpu.dma_semaphore, #tpu.memory_space<semaphore_mem>>
      %dma_start3A = arith.constant 0 : i32
      %dma_start3A_41 = tpu.memref_slice %arg10[%add3A_16, %dma_start3A] : memref<10112x128xf32, #tpu.memory_space<vmem_shared>> -> memref<128x128xf32, #tpu.memory_space<vmem_shared>>
      %dma_start3A_42 = arith.constant 0 : i32
      %dma_start3A_43 = tpu.memref_slice %arg10[%add3A_16, %dma_start3A_42] : memref<10112x128xf32, #tpu.memory_space<vmem_shared>> -> memref<128x128xf32, #tpu.memory_space<vmem_shared>>
      tpu.enqueue_dma source(%arg8 : memref<128x128xf32, #tpu.memory_space<vmem>>) target(%dma_start3A_43 : memref<128x128xf32, #tpu.memory_space<vmem_shared>>) target_semaphore(%run_scoped3A : memref<!tpu.dma_semaphore, #tpu.memory_space<semaphore_mem>>)
      %dma_wait3A = arith.constant 0 : i32
      %dma_wait3A_44 = tpu.memref_slice %arg10[%add3A_16, %dma_wait3A] : memref<10112x128xf32, #tpu.memory_space<vmem_shared>> -> memref<128x128xf32, #tpu.memory_space<vmem_shared>>
      %dma_wait3A_45 = arith.constant 0 : i32
      %dma_wait3A_46 = tpu.memref_slice %arg10[%add3A_16, %dma_wait3A_45] : memref<10112x128xf32, #tpu.memory_space<vmem_shared>> -> memref<128x128xf32, #tpu.memory_space<vmem_shared>>
      tpu.wait_dma2 semaphore(%run_scoped3A : memref<!tpu.dma_semaphore, #tpu.memory_space<semaphore_mem>>) src(%arg8 : memref<128x128xf32, #tpu.memory_space<vmem>>) dst(%dma_wait3A_46 : memref<128x128xf32, #tpu.memory_space<vmem_shared>>)
      tpu.yield
    }) : () -> ()
    %mul3A_17 = arith.constant 632 : i32
    %mul3A_18 = arith.muli %arg1, %mul3A_17 : i32
    %add3A_19 = arith.constant 256 : i32
    %add3A_20 = arith.addi %mul3A_18, %add3A_19 : i32
    "tpu.region"() ({
      %run_scoped3A = tpu.sem_alloc : memref<!tpu.dma_semaphore, #tpu.memory_space<semaphore_mem>>
      %dma_start3A = arith.constant 0 : i32
      %dma_start3A_41 = tpu.memref_slice %arg10[%add3A_20, %dma_start3A] : memref<10112x128xf32, #tpu.memory_space<vmem_shared>> -> memref<128x128xf32, #tpu.memory_space<vmem_shared>>
      %dma_start3A_42 = arith.constant 0 : i32
      %dma_start3A_43 = tpu.memref_slice %arg10[%add3A_20, %dma_start3A_42] : memref<10112x128xf32, #tpu.memory_space<vmem_shared>> -> memref<128x128xf32, #tpu.memory_space<vmem_shared>>
      tpu.enqueue_dma source(%arg8 : memref<128x128xf32, #tpu.memory_space<vmem>>) target(%dma_start3A_43 : memref<128x128xf32, #tpu.memory_space<vmem_shared>>) target_semaphore(%run_scoped3A : memref<!tpu.dma_semaphore, #tpu.memory_space<semaphore_mem>>)
      %dma_wait3A = arith.constant 0 : i32
      %dma_wait3A_44 = tpu.memref_slice %arg10[%add3A_20, %dma_wait3A] : memref<10112x128xf32, #tpu.memory_space<vmem_shared>> -> memref<128x128xf32, #tpu.memory_space<vmem_shared>>
      %dma_wait3A_45 = arith.constant 0 : i32
      %dma_wait3A_46 = tpu.memref_slice %arg10[%add3A_20, %dma_wait3A_45] : memref<10112x128xf32, #tpu.memory_space<vmem_shared>> -> memref<128x128xf32, #tpu.memory_space<vmem_shared>>
      tpu.wait_dma2 semaphore(%run_scoped3A : memref<!tpu.dma_semaphore, #tpu.memory_space<semaphore_mem>>) src(%arg8 : memref<128x128xf32, #tpu.memory_space<vmem>>) dst(%dma_wait3A_46 : memref<128x128xf32, #tpu.memory_space<vmem_shared>>)
      tpu.yield
    }) : () -> ()
    %mul3A_21 = arith.constant 632 : i32
    %mul3A_22 = arith.muli %arg1, %mul3A_21 : i32
    %add3A_23 = arith.constant 384 : i32
    %add3A_24 = arith.addi %mul3A_22, %add3A_23 : i32
    "tpu.region"() ({
      %run_scoped3A = tpu.sem_alloc : memref<!tpu.dma_semaphore, #tpu.memory_space<semaphore_mem>>
      %dma_start3A = arith.constant 0 : i32
      %dma_start3A_41 = tpu.memref_slice %arg10[%add3A_24, %dma_start3A] : memref<10112x128xf32, #tpu.memory_space<vmem_shared>> -> memref<128x128xf32, #tpu.memory_space<vmem_shared>>
      %dma_start3A_42 = arith.constant 0 : i32
      %dma_start3A_43 = tpu.memref_slice %arg10[%add3A_24, %dma_start3A_42] : memref<10112x128xf32, #tpu.memory_space<vmem_shared>> -> memref<128x128xf32, #tpu.memory_space<vmem_shared>>
      tpu.enqueue_dma source(%arg8 : memref<128x128xf32, #tpu.memory_space<vmem>>) target(%dma_start3A_43 : memref<128x128xf32, #tpu.memory_space<vmem_shared>>) target_semaphore(%run_scoped3A : memref<!tpu.dma_semaphore, #tpu.memory_space<semaphore_mem>>)
      %dma_wait3A = arith.constant 0 : i32
      %dma_wait3A_44 = tpu.memref_slice %arg10[%add3A_24, %dma_wait3A] : memref<10112x128xf32, #tpu.memory_space<vmem_shared>> -> memref<128x128xf32, #tpu.memory_space<vmem_shared>>
      %dma_wait3A_45 = arith.constant 0 : i32
      %dma_wait3A_46 = tpu.memref_slice %arg10[%add3A_24, %dma_wait3A_45] : memref<10112x128xf32, #tpu.memory_space<vmem_shared>> -> memref<128x128xf32, #tpu.memory_space<vmem_shared>>
      tpu.wait_dma2 semaphore(%run_scoped3A : memref<!tpu.dma_semaphore, #tpu.memory_space<semaphore_mem>>) src(%arg8 : memref<128x128xf32, #tpu.memory_space<vmem>>) dst(%dma_wait3A_46 : memref<128x128xf32, #tpu.memory_space<vmem_shared>>)
      tpu.yield
    }) : () -> ()
    %mul3A_25 = arith.constant 632 : i32
    %mul3A_26 = arith.muli %arg1, %mul3A_25 : i32
    %add3A_27 = arith.constant 512 : i32
    %add3A_28 = arith.addi %mul3A_26, %add3A_27 : i32
    "tpu.region"() ({
      %run_scoped3A = tpu.sem_alloc : memref<!tpu.dma_semaphore, #tpu.memory_space<semaphore_mem>>
      %dma_start3A = arith.constant 0 : i32
      %dma_start3A_41 = arith.constant 0 : i32
      %dma_start3A_42 = tpu.memref_slice %arg8[%dma_start3A, %dma_start3A_41] : memref<128x128xf32, #tpu.memory_space<vmem>> -> memref<120x128xf32, #tpu.memory_space<vmem>>
      %dma_start3A_43 = arith.constant 0 : i32
      %dma_start3A_44 = tpu.memref_slice %arg10[%add3A_28, %dma_start3A_43] : memref<10112x128xf32, #tpu.memory_space<vmem_shared>> -> memref<120x128xf32, #tpu.memory_space<vmem_shared>>
      %dma_start3A_45 = arith.constant 0 : i32
      %dma_start3A_46 = tpu.memref_slice %arg10[%add3A_28, %dma_start3A_45] : memref<10112x128xf32, #tpu.memory_space<vmem_shared>> -> memref<120x128xf32, #tpu.memory_space<vmem_shared>>
      %dma_start3A_47 = arith.constant 0 : i32
      %dma_start3A_48 = arith.constant 0 : i32
      %dma_start3A_49 = tpu.memref_slice %arg8[%dma_start3A_47, %dma_start3A_48] : memref<128x128xf32, #tpu.memory_space<vmem>> -> memref<120x128xf32, #tpu.memory_space<vmem>>
      tpu.enqueue_dma source(%dma_start3A_49 : memref<120x128xf32, #tpu.memory_space<vmem>>) target(%dma_start3A_46 : memref<120x128xf32, #tpu.memory_space<vmem_shared>>) target_semaphore(%run_scoped3A : memref<!tpu.dma_semaphore, #tpu.memory_space<semaphore_mem>>)
      %dma_wait3A = arith.constant 0 : i32
      %dma_wait3A_50 = arith.constant 0 : i32
      %dma_wait3A_51 = tpu.memref_slice %arg8[%dma_wait3A, %dma_wait3A_50] : memref<128x128xf32, #tpu.memory_space<vmem>> -> memref<120x128xf32, #tpu.memory_space<vmem>>
      %dma_wait3A_52 = arith.constant 0 : i32
      %dma_wait3A_53 = tpu.memref_slice %arg10[%add3A_28, %dma_wait3A_52] : memref<10112x128xf32, #tpu.memory_space<vmem_shared>> -> memref<120x128xf32, #tpu.memory_space<vmem_shared>>
      %dma_wait3A_54 = arith.constant 0 : i32
      %dma_wait3A_55 = tpu.memref_slice %arg10[%add3A_28, %dma_wait3A_54] : memref<10112x128xf32, #tpu.memory_space<vmem_shared>> -> memref<120x128xf32, #tpu.memory_space<vmem_shared>>
      %dma_wait3A_56 = arith.constant 0 : i32
      %dma_wait3A_57 = arith.constant 0 : i32
      %dma_wait3A_58 = tpu.memref_slice %arg8[%dma_wait3A_56, %dma_wait3A_57] : memref<128x128xf32, #tpu.memory_space<vmem>> -> memref<120x128xf32, #tpu.memory_space<vmem>>
      tpu.wait_dma2 semaphore(%run_scoped3A : memref<!tpu.dma_semaphore, #tpu.memory_space<semaphore_mem>>) src(%dma_wait3A_58 : memref<120x128xf32, #tpu.memory_space<vmem>>) dst(%dma_wait3A_55 : memref<120x128xf32, #tpu.memory_space<vmem_shared>>)
      tpu.yield
    }) : () -> ()
    %barrier3A = arith.constant 0 : index
    tpu.barrier barrier_id(%barrier3A)
    %scan3A_29 = arith.constant 0 : i32
    %scan3A_30 = arith.constant 0 : i32
    %scan3A_31 = arith.constant 80 : i32
    %scan3A_32 = arith.addi %scan3A_30, %scan3A_31 : i32
    %scan3A_33 = arith.constant 1 : i32
    %scan3A_34 = scf.for %scan3A_41 = %scan3A_30 to %scan3A_32 step %scan3A_33 iter_args(%scan3A_42 = %scan3A_29) -> (i32)  : i32 {
      %add3A_43 = arith.addi %mul3A_2, %scan3A_41 : i32
      "tpu.region"() ({
        %run_scoped3A = tpu.sem_alloc : memref<!tpu.dma_semaphore, #tpu.memory_space<semaphore_mem>>
        %dma_start3A_49 = arith.constant 0 : i32
        %dma_start3A_50 = tpu.memref_slice %arg3[%add3A_43, %dma_start3A_49] : memref<2560x128xi32, #tpu.memory_space<hbm>> -> memref<1x128xi32, #tpu.memory_space<hbm>>
        %dma_start3A_51 = tpu.memref_squeeze %dma_start3A_50 : memref<1x128xi32, #tpu.memory_space<hbm>> -> memref<128xi32, #tpu.memory_space<hbm>>
        %dma_start3A_52 = arith.constant 0 : i32
        %dma_start3A_53 = tpu.memref_slice %arg3[%add3A_43, %dma_start3A_52] : memref<2560x128xi32, #tpu.memory_space<hbm>> -> memref<1x128xi32, #tpu.memory_space<hbm>>
        %dma_start3A_54 = tpu.memref_squeeze %dma_start3A_53 : memref<1x128xi32, #tpu.memory_space<hbm>> -> memref<128xi32, #tpu.memory_space<hbm>>
        tpu.enqueue_dma source(%dma_start3A_54 : memref<128xi32, #tpu.memory_space<hbm>>) target(%arg6 : memref<128xi32, #tpu.memory_space<vmem>>) target_semaphore(%run_scoped3A : memref<!tpu.dma_semaphore, #tpu.memory_space<semaphore_mem>>)
        %dma_wait3A_55 = arith.constant 0 : i32
        %dma_wait3A_56 = tpu.memref_slice %arg3[%add3A_43, %dma_wait3A_55] : memref<2560x128xi32, #tpu.memory_space<hbm>> -> memref<1x128xi32, #tpu.memory_space<hbm>>
        %dma_wait3A_57 = tpu.memref_squeeze %dma_wait3A_56 : memref<1x128xi32, #tpu.memory_space<hbm>> -> memref<128xi32, #tpu.memory_space<hbm>>
        %dma_wait3A_58 = arith.constant 0 : i32
        %dma_wait3A_59 = tpu.memref_slice %arg3[%add3A_43, %dma_wait3A_58] : memref<2560x128xi32, #tpu.memory_space<hbm>> -> memref<1x128xi32, #tpu.memory_space<hbm>>
        %dma_wait3A_60 = tpu.memref_squeeze %dma_wait3A_59 : memref<1x128xi32, #tpu.memory_space<hbm>> -> memref<128xi32, #tpu.memory_space<hbm>>
        tpu.wait_dma2 semaphore(%run_scoped3A : memref<!tpu.dma_semaphore, #tpu.memory_space<semaphore_mem>>) src(%dma_wait3A_60 : memref<128xi32, #tpu.memory_space<hbm>>) dst(%arg6 : memref<128xi32, #tpu.memory_space<vmem>>)
        tpu.yield
      }) : () -> ()
      "tpu.region"() ({
        %run_scoped3A = tpu.sem_alloc : memref<!tpu.dma_semaphore, #tpu.memory_space<semaphore_mem>>
        %dma_start3A_49 = arith.constant 0 : i32
        %dma_start3A_50 = tpu.memref_slice %arg4[%add3A_43, %dma_start3A_49] : memref<2560x128xi32, #tpu.memory_space<hbm>> -> memref<1x128xi32, #tpu.memory_space<hbm>>
        %dma_start3A_51 = tpu.memref_squeeze %dma_start3A_50 : memref<1x128xi32, #tpu.memory_space<hbm>> -> memref<128xi32, #tpu.memory_space<hbm>>
        %dma_start3A_52 = arith.constant 0 : i32
        %dma_start3A_53 = tpu.memref_slice %arg4[%add3A_43, %dma_start3A_52] : memref<2560x128xi32, #tpu.memory_space<hbm>> -> memref<1x128xi32, #tpu.memory_space<hbm>>
        %dma_start3A_54 = tpu.memref_squeeze %dma_start3A_53 : memref<1x128xi32, #tpu.memory_space<hbm>> -> memref<128xi32, #tpu.memory_space<hbm>>
        tpu.enqueue_dma source(%dma_start3A_54 : memref<128xi32, #tpu.memory_space<hbm>>) target(%arg7 : memref<128xi32, #tpu.memory_space<vmem>>) target_semaphore(%run_scoped3A : memref<!tpu.dma_semaphore, #tpu.memory_space<semaphore_mem>>)
        %dma_wait3A_55 = arith.constant 0 : i32
        %dma_wait3A_56 = tpu.memref_slice %arg4[%add3A_43, %dma_wait3A_55] : memref<2560x128xi32, #tpu.memory_space<hbm>> -> memref<1x128xi32, #tpu.memory_space<hbm>>
        %dma_wait3A_57 = tpu.memref_squeeze %dma_wait3A_56 : memref<1x128xi32, #tpu.memory_space<hbm>> -> memref<128xi32, #tpu.memory_space<hbm>>
        %dma_wait3A_58 = arith.constant 0 : i32
        %dma_wait3A_59 = tpu.memref_slice %arg4[%add3A_43, %dma_wait3A_58] : memref<2560x128xi32, #tpu.memory_space<hbm>> -> memref<1x128xi32, #tpu.memory_space<hbm>>
        %dma_wait3A_60 = tpu.memref_squeeze %dma_wait3A_59 : memref<1x128xi32, #tpu.memory_space<hbm>> -> memref<128xi32, #tpu.memory_space<hbm>>
        tpu.wait_dma2 semaphore(%run_scoped3A : memref<!tpu.dma_semaphore, #tpu.memory_space<semaphore_mem>>) src(%dma_wait3A_60 : memref<128xi32, #tpu.memory_space<hbm>>) dst(%arg7 : memref<128xi32, #tpu.memory_space<vmem>>)
        tpu.yield
      }) : () -> ()
      %dma_start3A = arith.constant 0 : i32
      %dma_start3A_44 = arith.constant 0 : i32
      %dma_start3A_45 = tpu.memref_slice %arg2[%dma_start3A, %dma_start3A_44] : memref<10000x128xf32, #tpu.memory_space<hbm>> -> memref<10000x128xf32, #tpu.memory_space<hbm>>
      tpu.enqueue_indirect_dma source(%dma_start3A_45 : memref<10000x128xf32, #tpu.memory_space<hbm>>) target(%arg8 : memref<128x128xf32, #tpu.memory_space<vmem>>) offsets(%arg6 : memref<128xi32, #tpu.memory_space<vmem>>) semaphore(%arg9 : memref<!tpu.dma_semaphore, #tpu.memory_space<semaphore_mem>>)
      %dma_wait3A = arith.constant 0 : i32
      %dma_wait3A_46 = arith.constant 0 : i32
      %dma_wait3A_47 = tpu.memref_slice %arg2[%dma_wait3A, %dma_wait3A_46] : memref<10000x128xf32, #tpu.memory_space<hbm>> -> memref<10000x128xf32, #tpu.memory_space<hbm>>
      tpu.wait_indirect_dma semaphore(%arg9 : memref<!tpu.dma_semaphore, #tpu.memory_space<semaphore_mem>>) src(%dma_wait3A_47 : memref<10000x128xf32, #tpu.memory_space<hbm>>) dst(%arg8 : memref<128x128xf32, #tpu.memory_space<vmem>>)
      "tpu.region"() ({
        %run_scoped3A = tpu.sem_alloc : memref<!tpu.dma_semaphore, #tpu.memory_space<semaphore_mem>>
        %dma_start3A_49 = arith.constant 0 : i32
        %dma_start3A_50 = arith.constant 0 : i32
        %dma_start3A_51 = tpu.memref_slice %arg10[%dma_start3A_49, %dma_start3A_50] : memref<10112x128xf32, #tpu.memory_space<vmem_shared>> -> memref<10112x128xf32, #tpu.memory_space<vmem_shared>>
        tpu.enqueue_indirect_dma source(%arg8 : memref<128x128xf32, #tpu.memory_space<vmem>>) target(%dma_start3A_51 : memref<10112x128xf32, #tpu.memory_space<vmem_shared>>) offsets(%arg7 : memref<128xi32, #tpu.memory_space<vmem>>) semaphore(%run_scoped3A : memref<!tpu.dma_semaphore, #tpu.memory_space<semaphore_mem>>) {add = true}
        %dma_wait3A_52 = arith.constant 0 : i32
        %dma_wait3A_53 = arith.constant 0 : i32
        %dma_wait3A_54 = tpu.memref_slice %arg10[%dma_wait3A_52, %dma_wait3A_53] : memref<10112x128xf32, #tpu.memory_space<vmem_shared>> -> memref<10112x128xf32, #tpu.memory_space<vmem_shared>>
        tpu.wait_indirect_dma semaphore(%run_scoped3A : memref<!tpu.dma_semaphore, #tpu.memory_space<semaphore_mem>>) src(%arg8 : memref<128x128xf32, #tpu.memory_space<vmem>>) dst(%dma_wait3A_54 : memref<10112x128xf32, #tpu.memory_space<vmem_shared>>)
        tpu.yield
      }) : () -> ()
      %scan3A_48 = arith.constant 0 : i32
      scf.yield %scan3A_48 : i32
    }
    %scan3A_35 = arith.constant 80 : i32
    %barrier3A_36 = arith.constant 0 : index
    tpu.barrier barrier_id(%barrier3A_36)
    %mul3A_37 = arith.constant 632 : i32
    %mul3A_38 = arith.muli %arg1, %mul3A_37 : i32
    %mul3A_39 = arith.constant 632 : i32
    %mul3A_40 = arith.muli %arg1, %mul3A_39 : i32
    "tpu.region"() ({
      %run_scoped3A = tpu.sem_alloc : memref<!tpu.dma_semaphore, #tpu.memory_space<semaphore_mem>>
      %dma_start3A = arith.constant 0 : i32
      %dma_start3A_41 = tpu.memref_slice %arg5[%arg0, %mul3A_40, %dma_start3A] : memref<2x10112x128xf32, #tpu.memory_space<hbm>> -> memref<1x632x128xf32, #tpu.memory_space<hbm>>
      %dma_start3A_42 = tpu.memref_squeeze %dma_start3A_41 : memref<1x632x128xf32, #tpu.memory_space<hbm>> -> memref<632x128xf32, #tpu.memory_space<hbm>>
      %dma_start3A_43 = arith.constant 0 : i32
      %dma_start3A_44 = tpu.memref_slice %arg10[%mul3A_38, %dma_start3A_43] : memref<10112x128xf32, #tpu.memory_space<vmem_shared>> -> memref<632x128xf32, #tpu.memory_space<vmem_shared>>
      tpu.enqueue_dma source(%dma_start3A_44 : memref<632x128xf32, #tpu.memory_space<vmem_shared>>) target(%dma_start3A_42 : memref<632x128xf32, #tpu.memory_space<hbm>>) target_semaphore(%run_scoped3A : memref<!tpu.dma_semaphore, #tpu.memory_space<semaphore_mem>>)
      %dma_wait3A = arith.constant 0 : i32
      %dma_wait3A_45 = tpu.memref_slice %arg5[%arg0, %mul3A_40, %dma_wait3A] : memref<2x10112x128xf32, #tpu.memory_space<hbm>> -> memref<1x632x128xf32, #tpu.memory_space<hbm>>
      %dma_wait3A_46 = tpu.memref_squeeze %dma_wait3A_45 : memref<1x632x128xf32, #tpu.memory_space<hbm>> -> memref<632x128xf32, #tpu.memory_space<hbm>>
      %dma_wait3A_47 = arith.constant 0 : i32
      %dma_wait3A_48 = tpu.memref_slice %arg10[%mul3A_38, %dma_wait3A_47] : memref<10112x128xf32, #tpu.memory_space<vmem_shared>> -> memref<632x128xf32, #tpu.memory_space<vmem_shared>>
      tpu.wait_dma2 semaphore(%run_scoped3A : memref<!tpu.dma_semaphore, #tpu.memory_space<semaphore_mem>>) src(%dma_wait3A_48 : memref<632x128xf32, #tpu.memory_space<vmem_shared>>) dst(%dma_wait3A_46 : memref<632x128xf32, #tpu.memory_space<hbm>>)
      tpu.yield
    }) : () -> ()
    return
  }
}

#map = affine_map<(d0, d1) -> (0, 0)>
#map1 = affine_map<(d0, d1) -> (0, 0, 0)>
module attributes {stable_mosaic.version = 14 : i64} {
  func.func @_agg_body(%arg0: i32, %arg1: i32, %arg2: memref<10000x128xf32, #tpu.memory_space<hbm>>, %arg3: memref<2560x128xi32, #tpu.memory_space<hbm>>, %arg4: memref<2560x128xi32, #tpu.memory_space<hbm>>, %arg5: memref<2x10112x128xf32, #tpu.memory_space<hbm>>, %arg6: memref<128xi32, #tpu.memory_space<vmem>>, %arg7: memref<128xi32, #tpu.memory_space<vmem>>, %arg8: memref<128x128xf32, #tpu.memory_space<vmem>>, %arg9: memref<!tpu.dma_semaphore, #tpu.memory_space<semaphore_mem>>, %arg10: memref<10112x128xf32, #tpu.memory_space<vmem_shared>>) attributes {dimension_semantics = [#tpu.dimension_semantics<core_parallel>, #tpu.dimension_semantics<subcore_parallel>], iteration_bounds = array<i64: 2, 16>, scalar_prefetch = 0 : i64, scratch_operands = 5 : i64, tpu.core_type = #tpu.core_type<sc_vector_subcore>, window_params = [{transform_indices = #map}, {transform_indices = #map}, {transform_indices = #map}, {transform_indices = #map1}]} {
    %mul3A = arith.constant 16 : i32
    %mul3A_0 = arith.muli %arg0, %mul3A : i32
    %add3A = arith.addi %mul3A_0, %arg1 : i32
    %mul3A_1 = arith.constant 80 : i32
    %mul3A_2 = arith.muli %add3A, %mul3A_1 : i32
    %scan3A = arith.constant 0 : i32
    %scan3A_3 = arith.constant 0 : i32
    %scan3A_4 = arith.constant 128 : i32
    %scan3A_5 = arith.addi %scan3A_3, %scan3A_4 : i32
    %scan3A_6 = arith.constant 1 : i32
    %scan3A_7 = scf.for %scan3A_41 = %scan3A_3 to %scan3A_5 step %scan3A_6 iter_args(%scan3A_42 = %scan3A) -> (i32)  : i32 {
      %broadcast_in_dim3A = arith.constant 0.000000e+00 : f32
      %broadcast_in_dim3A_43 = vector.broadcast %broadcast_in_dim3A : f32 to vector<16xf32>
      %swap3A = arith.index_cast %scan3A_41 : i32 to index
      %swap3A_44 = arith.constant 0 : index
      %swap3A_45 = tpu.vector_load %arg8[%swap3A, %swap3A_44] {strides = array<i32>} : memref<128x128xf32, #tpu.memory_space<vmem>>, vector<1x16xf32>,
      %swap3A_46 = vector.shape_cast %swap3A_45 : vector<1x16xf32> to vector<16xf32>
      %swap3A_47 = vector.shape_cast %broadcast_in_dim3A_43 : vector<16xf32> to vector<1x16xf32>
      tpu.vector_store %arg8[%swap3A, %swap3A_44], %swap3A_47 {strides = array<i32>} : memref<128x128xf32, #tpu.memory_space<vmem>>, vector<1x16xf32>,
      %broadcast_in_dim3A_48 = arith.constant 0.000000e+00 : f32
      %broadcast_in_dim3A_49 = vector.broadcast %broadcast_in_dim3A_48 : f32 to vector<16xf32>
      %swap3A_50 = arith.index_cast %scan3A_41 : i32 to index
      %swap3A_51 = arith.constant 16 : index
      %swap3A_52 = tpu.vector_load %arg8[%swap3A_50, %swap3A_51] {strides = array<i32>} : memref<128x128xf32, #tpu.memory_space<vmem>>, vector<1x16xf32>,
      %swap3A_53 = vector.shape_cast %swap3A_52 : vector<1x16xf32> to vector<16xf32>
      %swap3A_54 = vector.shape_cast %broadcast_in_dim3A_49 : vector<16xf32> to vector<1x16xf32>
      tpu.vector_store %arg8[%swap3A_50, %swap3A_51], %swap3A_54 {strides = array<i32>} : memref<128x128xf32, #tpu.memory_space<vmem>>, vector<1x16xf32>,
      %broadcast_in_dim3A_55 = arith.constant 0.000000e+00 : f32
      %broadcast_in_dim3A_56 = vector.broadcast %broadcast_in_dim3A_55 : f32 to vector<16xf32>
      %swap3A_57 = arith.index_cast %scan3A_41 : i32 to index
      %swap3A_58 = arith.constant 32 : index
      %swap3A_59 = tpu.vector_load %arg8[%swap3A_57, %swap3A_58] {strides = array<i32>} : memref<128x128xf32, #tpu.memory_space<vmem>>, vector<1x16xf32>,
      %swap3A_60 = vector.shape_cast %swap3A_59 : vector<1x16xf32> to vector<16xf32>
      %swap3A_61 = vector.shape_cast %broadcast_in_dim3A_56 : vector<16xf32> to vector<1x16xf32>
      tpu.vector_store %arg8[%swap3A_57, %swap3A_58], %swap3A_61 {strides = array<i32>} : memref<128x128xf32, #tpu.memory_space<vmem>>, vector<1x16xf32>,
      %broadcast_in_dim3A_62 = arith.constant 0.000000e+00 : f32
      %broadcast_in_dim3A_63 = vector.broadcast %broadcast_in_dim3A_62 : f32 to vector<16xf32>
      %swap3A_64 = arith.index_cast %scan3A_41 : i32 to index
      %swap3A_65 = arith.constant 48 : index
      %swap3A_66 = tpu.vector_load %arg8[%swap3A_64, %swap3A_65] {strides = array<i32>} : memref<128x128xf32, #tpu.memory_space<vmem>>, vector<1x16xf32>,
      %swap3A_67 = vector.shape_cast %swap3A_66 : vector<1x16xf32> to vector<16xf32>
      %swap3A_68 = vector.shape_cast %broadcast_in_dim3A_63 : vector<16xf32> to vector<1x16xf32>
      tpu.vector_store %arg8[%swap3A_64, %swap3A_65], %swap3A_68 {strides = array<i32>} : memref<128x128xf32, #tpu.memory_space<vmem>>, vector<1x16xf32>,
      %broadcast_in_dim3A_69 = arith.constant 0.000000e+00 : f32
      %broadcast_in_dim3A_70 = vector.broadcast %broadcast_in_dim3A_69 : f32 to vector<16xf32>
      %swap3A_71 = arith.index_cast %scan3A_41 : i32 to index
      %swap3A_72 = arith.constant 64 : index
      %swap3A_73 = tpu.vector_load %arg8[%swap3A_71, %swap3A_72] {strides = array<i32>} : memref<128x128xf32, #tpu.memory_space<vmem>>, vector<1x16xf32>,
      %swap3A_74 = vector.shape_cast %swap3A_73 : vector<1x16xf32> to vector<16xf32>
      %swap3A_75 = vector.shape_cast %broadcast_in_dim3A_70 : vector<16xf32> to vector<1x16xf32>
      tpu.vector_store %arg8[%swap3A_71, %swap3A_72], %swap3A_75 {strides = array<i32>} : memref<128x128xf32, #tpu.memory_space<vmem>>, vector<1x16xf32>,
      %broadcast_in_dim3A_76 = arith.constant 0.000000e+00 : f32
      %broadcast_in_dim3A_77 = vector.broadcast %broadcast_in_dim3A_76 : f32 to vector<16xf32>
      %swap3A_78 = arith.index_cast %scan3A_41 : i32 to index
      %swap3A_79 = arith.constant 80 : index
      %swap3A_80 = tpu.vector_load %arg8[%swap3A_78, %swap3A_79] {strides = array<i32>} : memref<128x128xf32, #tpu.memory_space<vmem>>, vector<1x16xf32>,
      %swap3A_81 = vector.shape_cast %swap3A_80 : vector<1x16xf32> to vector<16xf32>
      %swap3A_82 = vector.shape_cast %broadcast_in_dim3A_77 : vector<16xf32> to vector<1x16xf32>
      tpu.vector_store %arg8[%swap3A_78, %swap3A_79], %swap3A_82 {strides = array<i32>} : memref<128x128xf32, #tpu.memory_space<vmem>>, vector<1x16xf32>,
      %broadcast_in_dim3A_83 = arith.constant 0.000000e+00 : f32
      %broadcast_in_dim3A_84 = vector.broadcast %broadcast_in_dim3A_83 : f32 to vector<16xf32>
      %swap3A_85 = arith.index_cast %scan3A_41 : i32 to index
      %swap3A_86 = arith.constant 96 : index
      %swap3A_87 = tpu.vector_load %arg8[%swap3A_85, %swap3A_86] {strides = array<i32>} : memref<128x128xf32, #tpu.memory_space<vmem>>, vector<1x16xf32>,
      %swap3A_88 = vector.shape_cast %swap3A_87 : vector<1x16xf32> to vector<16xf32>
      %swap3A_89 = vector.shape_cast %broadcast_in_dim3A_84 : vector<16xf32> to vector<1x16xf32>
      tpu.vector_store %arg8[%swap3A_85, %swap3A_86], %swap3A_89 {strides = array<i32>} : memref<128x128xf32, #tpu.memory_space<vmem>>, vector<1x16xf32>,
      %broadcast_in_dim3A_90 = arith.constant 0.000000e+00 : f32
      %broadcast_in_dim3A_91 = vector.broadcast %broadcast_in_dim3A_90 : f32 to vector<16xf32>
      %swap3A_92 = arith.index_cast %scan3A_41 : i32 to index
      %swap3A_93 = arith.constant 112 : index
      %swap3A_94 = tpu.vector_load %arg8[%swap3A_92, %swap3A_93] {strides = array<i32>} : memref<128x128xf32, #tpu.memory_space<vmem>>, vector<1x16xf32>,
      %swap3A_95 = vector.shape_cast %swap3A_94 : vector<1x16xf32> to vector<16xf32>
      %swap3A_96 = vector.shape_cast %broadcast_in_dim3A_91 : vector<16xf32> to vector<1x16xf32>
      tpu.vector_store %arg8[%swap3A_92, %swap3A_93], %swap3A_96 {strides = array<i32>} : memref<128x128xf32, #tpu.memory_space<vmem>>, vector<1x16xf32>,
      %scan3A_97 = arith.constant 0 : i32
      scf.yield %scan3A_97 : i32
    }
    %scan3A_8 = arith.constant 128 : i32
    %mul3A_9 = arith.constant 632 : i32
    %mul3A_10 = arith.muli %arg1, %mul3A_9 : i32
    %add3A_11 = arith.constant 0 : i32
    %add3A_12 = arith.addi %mul3A_10, %add3A_11 : i32
    "tpu.region"() ({
      %run_scoped3A = tpu.sem_alloc : memref<!tpu.dma_semaphore, #tpu.memory_space<semaphore_mem>>
      %dma_start3A = arith.constant 0 : i32
      %dma_start3A_41 = tpu.memref_slice %arg10[%add3A_12, %dma_start3A] : memref<10112x128xf32, #tpu.memory_space<vmem_shared>> -> memref<128x128xf32, #tpu.memory_space<vmem_shared>>
      %dma_start3A_42 = arith.constant 0 : i32
      %dma_start3A_43 = tpu.memref_slice %arg10[%add3A_12, %dma_start3A_42] : memref<10112x128xf32, #tpu.memory_space<vmem_shared>> -> memref<128x128xf32, #tpu.memory_space<vmem_shared>>
      tpu.enqueue_dma source(%arg8 : memref<128x128xf32, #tpu.memory_space<vmem>>) target(%dma_start3A_43 : memref<128x128xf32, #tpu.memory_space<vmem_shared>>) target_semaphore(%run_scoped3A : memref<!tpu.dma_semaphore, #tpu.memory_space<semaphore_mem>>)
      %dma_wait3A = arith.constant 0 : i32
      %dma_wait3A_44 = tpu.memref_slice %arg10[%add3A_12, %dma_wait3A] : memref<10112x128xf32, #tpu.memory_space<vmem_shared>> -> memref<128x128xf32, #tpu.memory_space<vmem_shared>>
      %dma_wait3A_45 = arith.constant 0 : i32
      %dma_wait3A_46 = tpu.memref_slice %arg10[%add3A_12, %dma_wait3A_45] : memref<10112x128xf32, #tpu.memory_space<vmem_shared>> -> memref<128x128xf32, #tpu.memory_space<vmem_shared>>
      tpu.wait_dma2 semaphore(%run_scoped3A : memref<!tpu.dma_semaphore, #tpu.memory_space<semaphore_mem>>) src(%arg8 : memref<128x128xf32, #tpu.memory_space<vmem>>) dst(%dma_wait3A_46 : memref<128x128xf32, #tpu.memory_space<vmem_shared>>)
      tpu.yield
    }) : () -> ()
    %mul3A_13 = arith.constant 632 : i32
    %mul3A_14 = arith.muli %arg1, %mul3A_13 : i32
    %add3A_15 = arith.constant 128 : i32
    %add3A_16 = arith.addi %mul3A_14, %add3A_15 : i32
    "tpu.region"() ({
      %run_scoped3A = tpu.sem_alloc : memref<!tpu.dma_semaphore, #tpu.memory_space<semaphore_mem>>
      %dma_start3A = arith.constant 0 : i32
      %dma_start3A_41 = tpu.memref_slice %arg10[%add3A_16, %dma_start3A] : memref<10112x128xf32, #tpu.memory_space<vmem_shared>> -> memref<128x128xf32, #tpu.memory_space<vmem_shared>>
      %dma_start3A_42 = arith.constant 0 : i32
      %dma_start3A_43 = tpu.memref_slice %arg10[%add3A_16, %dma_start3A_42] : memref<10112x128xf32, #tpu.memory_space<vmem_shared>> -> memref<128x128xf32, #tpu.memory_space<vmem_shared>>
      tpu.enqueue_dma source(%arg8 : memref<128x128xf32, #tpu.memory_space<vmem>>) target(%dma_start3A_43 : memref<128x128xf32, #tpu.memory_space<vmem_shared>>) target_semaphore(%run_scoped3A : memref<!tpu.dma_semaphore, #tpu.memory_space<semaphore_mem>>)
      %dma_wait3A = arith.constant 0 : i32
      %dma_wait3A_44 = tpu.memref_slice %arg10[%add3A_16, %dma_wait3A] : memref<10112x128xf32, #tpu.memory_space<vmem_shared>> -> memref<128x128xf32, #tpu.memory_space<vmem_shared>>
      %dma_wait3A_45 = arith.constant 0 : i32
      %dma_wait3A_46 = tpu.memref_slice %arg10[%add3A_16, %dma_wait3A_45] : memref<10112x128xf32, #tpu.memory_space<vmem_shared>> -> memref<128x128xf32, #tpu.memory_space<vmem_shared>>
      tpu.wait_dma2 semaphore(%run_scoped3A : memref<!tpu.dma_semaphore, #tpu.memory_space<semaphore_mem>>) src(%arg8 : memref<128x128xf32, #tpu.memory_space<vmem>>) dst(%dma_wait3A_46 : memref<128x128xf32, #tpu.memory_space<vmem_shared>>)
      tpu.yield
    }) : () -> ()
    %mul3A_17 = arith.constant 632 : i32
    %mul3A_18 = arith.muli %arg1, %mul3A_17 : i32
    %add3A_19 = arith.constant 256 : i32
    %add3A_20 = arith.addi %mul3A_18, %add3A_19 : i32
    "tpu.region"() ({
      %run_scoped3A = tpu.sem_alloc : memref<!tpu.dma_semaphore, #tpu.memory_space<semaphore_mem>>
      %dma_start3A = arith.constant 0 : i32
      %dma_start3A_41 = tpu.memref_slice %arg10[%add3A_20, %dma_start3A] : memref<10112x128xf32, #tpu.memory_space<vmem_shared>> -> memref<128x128xf32, #tpu.memory_space<vmem_shared>>
      %dma_start3A_42 = arith.constant 0 : i32
      %dma_start3A_43 = tpu.memref_slice %arg10[%add3A_20, %dma_start3A_42] : memref<10112x128xf32, #tpu.memory_space<vmem_shared>> -> memref<128x128xf32, #tpu.memory_space<vmem_shared>>
      tpu.enqueue_dma source(%arg8 : memref<128x128xf32, #tpu.memory_space<vmem>>) target(%dma_start3A_43 : memref<128x128xf32, #tpu.memory_space<vmem_shared>>) target_semaphore(%run_scoped3A : memref<!tpu.dma_semaphore, #tpu.memory_space<semaphore_mem>>)
      %dma_wait3A = arith.constant 0 : i32
      %dma_wait3A_44 = tpu.memref_slice %arg10[%add3A_20, %dma_wait3A] : memref<10112x128xf32, #tpu.memory_space<vmem_shared>> -> memref<128x128xf32, #tpu.memory_space<vmem_shared>>
      %dma_wait3A_45 = arith.constant 0 : i32
      %dma_wait3A_46 = tpu.memref_slice %arg10[%add3A_20, %dma_wait3A_45] : memref<10112x128xf32, #tpu.memory_space<vmem_shared>> -> memref<128x128xf32, #tpu.memory_space<vmem_shared>>
      tpu.wait_dma2 semaphore(%run_scoped3A : memref<!tpu.dma_semaphore, #tpu.memory_space<semaphore_mem>>) src(%arg8 : memref<128x128xf32, #tpu.memory_space<vmem>>) dst(%dma_wait3A_46 : memref<128x128xf32, #tpu.memory_space<vmem_shared>>)
      tpu.yield
    }) : () -> ()
    %mul3A_21 = arith.constant 632 : i32
    %mul3A_22 = arith.muli %arg1, %mul3A_21 : i32
    %add3A_23 = arith.constant 384 : i32
    %add3A_24 = arith.addi %mul3A_22, %add3A_23 : i32
    "tpu.region"() ({
      %run_scoped3A = tpu.sem_alloc : memref<!tpu.dma_semaphore, #tpu.memory_space<semaphore_mem>>
      %dma_start3A = arith.constant 0 : i32
      %dma_start3A_41 = tpu.memref_slice %arg10[%add3A_24, %dma_start3A] : memref<10112x128xf32, #tpu.memory_space<vmem_shared>> -> memref<128x128xf32, #tpu.memory_space<vmem_shared>>
      %dma_start3A_42 = arith.constant 0 : i32
      %dma_start3A_43 = tpu.memref_slice %arg10[%add3A_24, %dma_start3A_42] : memref<10112x128xf32, #tpu.memory_space<vmem_shared>> -> memref<128x128xf32, #tpu.memory_space<vmem_shared>>
      tpu.enqueue_dma source(%arg8 : memref<128x128xf32, #tpu.memory_space<vmem>>) target(%dma_start3A_43 : memref<128x128xf32, #tpu.memory_space<vmem_shared>>) target_semaphore(%run_scoped3A : memref<!tpu.dma_semaphore, #tpu.memory_space<semaphore_mem>>)
      %dma_wait3A = arith.constant 0 : i32
      %dma_wait3A_44 = tpu.memref_slice %arg10[%add3A_24, %dma_wait3A] : memref<10112x128xf32, #tpu.memory_space<vmem_shared>> -> memref<128x128xf32, #tpu.memory_space<vmem_shared>>
      %dma_wait3A_45 = arith.constant 0 : i32
      %dma_wait3A_46 = tpu.memref_slice %arg10[%add3A_24, %dma_wait3A_45] : memref<10112x128xf32, #tpu.memory_space<vmem_shared>> -> memref<128x128xf32, #tpu.memory_space<vmem_shared>>
      tpu.wait_dma2 semaphore(%run_scoped3A : memref<!tpu.dma_semaphore, #tpu.memory_space<semaphore_mem>>) src(%arg8 : memref<128x128xf32, #tpu.memory_space<vmem>>) dst(%dma_wait3A_46 : memref<128x128xf32, #tpu.memory_space<vmem_shared>>)
      tpu.yield
    }) : () -> ()
    %mul3A_25 = arith.constant 632 : i32
    %mul3A_26 = arith.muli %arg1, %mul3A_25 : i32
    %add3A_27 = arith.constant 512 : i32
    %add3A_28 = arith.addi %mul3A_26, %add3A_27 : i32
    "tpu.region"() ({
      %run_scoped3A = tpu.sem_alloc : memref<!tpu.dma_semaphore, #tpu.memory_space<semaphore_mem>>
      %dma_start3A = arith.constant 0 : i32
      %dma_start3A_41 = arith.constant 0 : i32
      %dma_start3A_42 = tpu.memref_slice %arg8[%dma_start3A, %dma_start3A_41] : memref<128x128xf32, #tpu.memory_space<vmem>> -> memref<120x128xf32, #tpu.memory_space<vmem>>
      %dma_start3A_43 = arith.constant 0 : i32
      %dma_start3A_44 = tpu.memref_slice %arg10[%add3A_28, %dma_start3A_43] : memref<10112x128xf32, #tpu.memory_space<vmem_shared>> -> memref<120x128xf32, #tpu.memory_space<vmem_shared>>
      %dma_start3A_45 = arith.constant 0 : i32
      %dma_start3A_46 = tpu.memref_slice %arg10[%add3A_28, %dma_start3A_45] : memref<10112x128xf32, #tpu.memory_space<vmem_shared>> -> memref<120x128xf32, #tpu.memory_space<vmem_shared>>
      %dma_start3A_47 = arith.constant 0 : i32
      %dma_start3A_48 = arith.constant 0 : i32
      %dma_start3A_49 = tpu.memref_slice %arg8[%dma_start3A_47, %dma_start3A_48] : memref<128x128xf32, #tpu.memory_space<vmem>> -> memref<120x128xf32, #tpu.memory_space<vmem>>
      tpu.enqueue_dma source(%dma_start3A_49 : memref<120x128xf32, #tpu.memory_space<vmem>>) target(%dma_start3A_46 : memref<120x128xf32, #tpu.memory_space<vmem_shared>>) target_semaphore(%run_scoped3A : memref<!tpu.dma_semaphore, #tpu.memory_space<semaphore_mem>>)
      %dma_wait3A = arith.constant 0 : i32
      %dma_wait3A_50 = arith.constant 0 : i32
      %dma_wait3A_51 = tpu.memref_slice %arg8[%dma_wait3A, %dma_wait3A_50] : memref<128x128xf32, #tpu.memory_space<vmem>> -> memref<120x128xf32, #tpu.memory_space<vmem>>
      %dma_wait3A_52 = arith.constant 0 : i32
      %dma_wait3A_53 = tpu.memref_slice %arg10[%add3A_28, %dma_wait3A_52] : memref<10112x128xf32, #tpu.memory_space<vmem_shared>> -> memref<120x128xf32, #tpu.memory_space<vmem_shared>>
      %dma_wait3A_54 = arith.constant 0 : i32
      %dma_wait3A_55 = tpu.memref_slice %arg10[%add3A_28, %dma_wait3A_54] : memref<10112x128xf32, #tpu.memory_space<vmem_shared>> -> memref<120x128xf32, #tpu.memory_space<vmem_shared>>
      %dma_wait3A_56 = arith.constant 0 : i32
      %dma_wait3A_57 = arith.constant 0 : i32
      %dma_wait3A_58 = tpu.memref_slice %arg8[%dma_wait3A_56, %dma_wait3A_57] : memref<128x128xf32, #tpu.memory_space<vmem>> -> memref<120x128xf32, #tpu.memory_space<vmem>>
      tpu.wait_dma2 semaphore(%run_scoped3A : memref<!tpu.dma_semaphore, #tpu.memory_space<semaphore_mem>>) src(%dma_wait3A_58 : memref<120x128xf32, #tpu.memory_space<vmem>>) dst(%dma_wait3A_55 : memref<120x128xf32, #tpu.memory_space<vmem_shared>>)
      tpu.yield
    }) : () -> ()
    %barrier3A = arith.constant 0 : index
    tpu.barrier barrier_id(%barrier3A)
    %scan3A_29 = arith.constant 0 : i32
    %scan3A_30 = arith.constant 0 : i32
    %scan3A_31 = arith.constant 80 : i32
    %scan3A_32 = arith.addi %scan3A_30, %scan3A_31 : i32
    %scan3A_33 = arith.constant 1 : i32
    %scan3A_34 = scf.for %scan3A_41 = %scan3A_30 to %scan3A_32 step %scan3A_33 iter_args(%scan3A_42 = %scan3A_29) -> (i32)  : i32 {
      %add3A_43 = arith.addi %mul3A_2, %scan3A_41 : i32
      "tpu.region"() ({
        %run_scoped3A = tpu.sem_alloc : memref<!tpu.dma_semaphore, #tpu.memory_space<semaphore_mem>>
        %dma_start3A_49 = arith.constant 0 : i32
        %dma_start3A_50 = tpu.memref_slice %arg3[%add3A_43, %dma_start3A_49] : memref<2560x128xi32, #tpu.memory_space<hbm>> -> memref<1x128xi32, #tpu.memory_space<hbm>>
        %dma_start3A_51 = tpu.memref_squeeze %dma_start3A_50 : memref<1x128xi32, #tpu.memory_space<hbm>> -> memref<128xi32, #tpu.memory_space<hbm>>
        %dma_start3A_52 = arith.constant 0 : i32
        %dma_start3A_53 = tpu.memref_slice %arg3[%add3A_43, %dma_start3A_52] : memref<2560x128xi32, #tpu.memory_space<hbm>> -> memref<1x128xi32, #tpu.memory_space<hbm>>
        %dma_start3A_54 = tpu.memref_squeeze %dma_start3A_53 : memref<1x128xi32, #tpu.memory_space<hbm>> -> memref<128xi32, #tpu.memory_space<hbm>>
        tpu.enqueue_dma source(%dma_start3A_54 : memref<128xi32, #tpu.memory_space<hbm>>) target(%arg6 : memref<128xi32, #tpu.memory_space<vmem>>) target_semaphore(%run_scoped3A : memref<!tpu.dma_semaphore, #tpu.memory_space<semaphore_mem>>)
        %dma_wait3A_55 = arith.constant 0 : i32
        %dma_wait3A_56 = tpu.memref_slice %arg3[%add3A_43, %dma_wait3A_55] : memref<2560x128xi32, #tpu.memory_space<hbm>> -> memref<1x128xi32, #tpu.memory_space<hbm>>
        %dma_wait3A_57 = tpu.memref_squeeze %dma_wait3A_56 : memref<1x128xi32, #tpu.memory_space<hbm>> -> memref<128xi32, #tpu.memory_space<hbm>>
        %dma_wait3A_58 = arith.constant 0 : i32
        %dma_wait3A_59 = tpu.memref_slice %arg3[%add3A_43, %dma_wait3A_58] : memref<2560x128xi32, #tpu.memory_space<hbm>> -> memref<1x128xi32, #tpu.memory_space<hbm>>
        %dma_wait3A_60 = tpu.memref_squeeze %dma_wait3A_59 : memref<1x128xi32, #tpu.memory_space<hbm>> -> memref<128xi32, #tpu.memory_space<hbm>>
        tpu.wait_dma2 semaphore(%run_scoped3A : memref<!tpu.dma_semaphore, #tpu.memory_space<semaphore_mem>>) src(%dma_wait3A_60 : memref<128xi32, #tpu.memory_space<hbm>>) dst(%arg6 : memref<128xi32, #tpu.memory_space<vmem>>)
        tpu.yield
      }) : () -> ()
      "tpu.region"() ({
        %run_scoped3A = tpu.sem_alloc : memref<!tpu.dma_semaphore, #tpu.memory_space<semaphore_mem>>
        %dma_start3A_49 = arith.constant 0 : i32
        %dma_start3A_50 = tpu.memref_slice %arg4[%add3A_43, %dma_start3A_49] : memref<2560x128xi32, #tpu.memory_space<hbm>> -> memref<1x128xi32, #tpu.memory_space<hbm>>
        %dma_start3A_51 = tpu.memref_squeeze %dma_start3A_50 : memref<1x128xi32, #tpu.memory_space<hbm>> -> memref<128xi32, #tpu.memory_space<hbm>>
        %dma_start3A_52 = arith.constant 0 : i32
        %dma_start3A_53 = tpu.memref_slice %arg4[%add3A_43, %dma_start3A_52] : memref<2560x128xi32, #tpu.memory_space<hbm>> -> memref<1x128xi32, #tpu.memory_space<hbm>>
        %dma_start3A_54 = tpu.memref_squeeze %dma_start3A_53 : memref<1x128xi32, #tpu.memory_space<hbm>> -> memref<128xi32, #tpu.memory_space<hbm>>
        tpu.enqueue_dma source(%dma_start3A_54 : memref<128xi32, #tpu.memory_space<hbm>>) target(%arg7 : memref<128xi32, #tpu.memory_space<vmem>>) target_semaphore(%run_scoped3A : memref<!tpu.dma_semaphore, #tpu.memory_space<semaphore_mem>>)
        %dma_wait3A_55 = arith.constant 0 : i32
        %dma_wait3A_56 = tpu.memref_slice %arg4[%add3A_43, %dma_wait3A_55] : memref<2560x128xi32, #tpu.memory_space<hbm>> -> memref<1x128xi32, #tpu.memory_space<hbm>>
        %dma_wait3A_57 = tpu.memref_squeeze %dma_wait3A_56 : memref<1x128xi32, #tpu.memory_space<hbm>> -> memref<128xi32, #tpu.memory_space<hbm>>
        %dma_wait3A_58 = arith.constant 0 : i32
        %dma_wait3A_59 = tpu.memref_slice %arg4[%add3A_43, %dma_wait3A_58] : memref<2560x128xi32, #tpu.memory_space<hbm>> -> memref<1x128xi32, #tpu.memory_space<hbm>>
        %dma_wait3A_60 = tpu.memref_squeeze %dma_wait3A_59 : memref<1x128xi32, #tpu.memory_space<hbm>> -> memref<128xi32, #tpu.memory_space<hbm>>
        tpu.wait_dma2 semaphore(%run_scoped3A : memref<!tpu.dma_semaphore, #tpu.memory_space<semaphore_mem>>) src(%dma_wait3A_60 : memref<128xi32, #tpu.memory_space<hbm>>) dst(%arg7 : memref<128xi32, #tpu.memory_space<vmem>>)
        tpu.yield
      }) : () -> ()
      %dma_start3A = arith.constant 0 : i32
      %dma_start3A_44 = arith.constant 0 : i32
      %dma_start3A_45 = tpu.memref_slice %arg2[%dma_start3A, %dma_start3A_44] : memref<10000x128xf32, #tpu.memory_space<hbm>> -> memref<10000x128xf32, #tpu.memory_space<hbm>>
      tpu.enqueue_indirect_dma source(%dma_start3A_45 : memref<10000x128xf32, #tpu.memory_space<hbm>>) target(%arg8 : memref<128x128xf32, #tpu.memory_space<vmem>>) offsets(%arg6 : memref<128xi32, #tpu.memory_space<vmem>>) semaphore(%arg9 : memref<!tpu.dma_semaphore, #tpu.memory_space<semaphore_mem>>)
      %dma_wait3A = arith.constant 0 : i32
      %dma_wait3A_46 = arith.constant 0 : i32
      %dma_wait3A_47 = tpu.memref_slice %arg2[%dma_wait3A, %dma_wait3A_46] : memref<10000x128xf32, #tpu.memory_space<hbm>> -> memref<10000x128xf32, #tpu.memory_space<hbm>>
      tpu.wait_indirect_dma semaphore(%arg9 : memref<!tpu.dma_semaphore, #tpu.memory_space<semaphore_mem>>) src(%dma_wait3A_47 : memref<10000x128xf32, #tpu.memory_space<hbm>>) dst(%arg8 : memref<128x128xf32, #tpu.memory_space<vmem>>)
      "tpu.region"() ({
        %run_scoped3A = tpu.sem_alloc : memref<!tpu.dma_semaphore, #tpu.memory_space<semaphore_mem>>
        %dma_start3A_49 = arith.constant 0 : i32
        %dma_start3A_50 = arith.constant 0 : i32
        %dma_start3A_51 = tpu.memref_slice %arg10[%dma_start3A_49, %dma_start3A_50] : memref<10112x128xf32, #tpu.memory_space<vmem_shared>> -> memref<10112x128xf32, #tpu.memory_space<vmem_shared>>
        tpu.enqueue_indirect_dma source(%arg8 : memref<128x128xf32, #tpu.memory_space<vmem>>) target(%dma_start3A_51 : memref<10112x128xf32, #tpu.memory_space<vmem_shared>>) offsets(%arg7 : memref<128xi32, #tpu.memory_space<vmem>>) semaphore(%run_scoped3A : memref<!tpu.dma_semaphore, #tpu.memory_space<semaphore_mem>>) {add = true}
        %dma_wait3A_52 = arith.constant 0 : i32
        %dma_wait3A_53 = arith.constant 0 : i32
        %dma_wait3A_54 = tpu.memref_slice %arg10[%dma_wait3A_52, %dma_wait3A_53] : memref<10112x128xf32, #tpu.memory_space<vmem_shared>> -> memref<10112x128xf32, #tpu.memory_space<vmem_shared>>
        tpu.wait_indirect_dma semaphore(%run_scoped3A : memref<!tpu.dma_semaphore, #tpu.memory_space<semaphore_mem>>) src(%arg8 : memref<128x128xf32, #tpu.memory_space<vmem>>) dst(%dma_wait3A_54 : memref<10112x128xf32, #tpu.memory_space<vmem_shared>>)
        tpu.yield
      }) : () -> ()
      %scan3A_48 = arith.constant 0 : i32
      scf.yield %scan3A_48 : i32
    }
    %scan3A_35 = arith.constant 80 : i32
    %barrier3A_36 = arith.constant 0 : index
    tpu.barrier barrier_id(%barrier3A_36)
    %mul3A_37 = arith.constant 632 : i32
    %mul3A_38 = arith.muli %arg1, %mul3A_37 : i32
    %mul3A_39 = arith.constant 632 : i32
    %mul3A_40 = arith.muli %arg1, %mul3A_39 : i32
    "tpu.region"() ({
      %run_scoped3A = tpu.sem_alloc : memref<!tpu.dma_semaphore, #tpu.memory_space<semaphore_mem>>
      %dma_start3A = arith.constant 0 : i32
      %dma_start3A_41 = tpu.memref_slice %arg5[%arg0, %mul3A_40, %dma_start3A] : memref<2x10112x128xf32, #tpu.memory_space<hbm>> -> memref<1x632x128xf32, #tpu.memory_space<hbm>>
      %dma_start3A_42 = tpu.memref_squeeze %dma_start3A_41 : memref<1x632x128xf32, #tpu.memory_space<hbm>> -> memref<632x128xf32, #tpu.memory_space<hbm>>
      %dma_start3A_43 = arith.constant 0 : i32
      %dma_start3A_44 = tpu.memref_slice %arg10[%mul3A_38, %dma_start3A_43] : memref<10112x128xf32, #tpu.memory_space<vmem_shared>> -> memref<632x128xf32, #tpu.memory_space<vmem_shared>>
      tpu.enqueue_dma source(%dma_start3A_44 : memref<632x128xf32, #tpu.memory_space<vmem_shared>>) target(%dma_start3A_42 : memref<632x128xf32, #tpu.memory_space<hbm>>) target_semaphore(%run_scoped3A : memref<!tpu.dma_semaphore, #tpu.memory_space<semaphore_mem>>)
      %dma_wait3A = arith.constant 0 : i32
      %dma_wait3A_45 = tpu.memref_slice %arg5[%arg0, %mul3A_40, %dma_wait3A] : memref<2x10112x128xf32, #tpu.memory_space<hbm>> -> memref<1x632x128xf32, #tpu.memory_space<hbm>>
      %dma_wait3A_46 = tpu.memref_squeeze %dma_wait3A_45 : memref<1x632x128xf32, #tpu.memory_space<hbm>> -> memref<632x128xf32, #tpu.memory_space<hbm>>
      %dma_wait3A_47 = arith.constant 0 : i32
      %dma_wait3A_48 = tpu.memref_slice %arg10[%mul3A_38, %dma_wait3A_47] : memref<10112x128xf32, #tpu.memory_space<vmem_shared>> -> memref<632x128xf32, #tpu.memory_space<vmem_shared>>
      tpu.wait_dma2 semaphore(%run_scoped3A : memref<!tpu.dma_semaphore, #tpu.memory_space<semaphore_mem>>) src(%dma_wait3A_48 : memref<632x128xf32, #tpu.memory_space<vmem_shared>>) dst(%dma_wait3A_46 : memref<632x128xf32, #tpu.memory_space<hbm>>)
      tpu.yield
    }) : () -> ()
    return
  }
}

#map = affine_map<(d0, d1) -> (0, 0)>
#map1 = affine_map<(d0, d1) -> (0, 0, 0)>
module attributes {stable_mosaic.version = 14 : i64} {
  func.func @_agg_body(%arg0: i32, %arg1: i32, %arg2: memref<10000x128xf32, #tpu.memory_space<hbm>>, %arg3: memref<2560x128xi32, #tpu.memory_space<hbm>>, %arg4: memref<2560x128xi32, #tpu.memory_space<hbm>>, %arg5: memref<2x10112x128xf32, #tpu.memory_space<hbm>>, %arg6: memref<128xi32, #tpu.memory_space<vmem>>, %arg7: memref<128xi32, #tpu.memory_space<vmem>>, %arg8: memref<128x128xf32, #tpu.memory_space<vmem>>, %arg9: memref<!tpu.dma_semaphore, #tpu.memory_space<semaphore_mem>>, %arg10: memref<10112x128xf32, #tpu.memory_space<vmem_shared>>) attributes {dimension_semantics = [#tpu.dimension_semantics<core_parallel>, #tpu.dimension_semantics<subcore_parallel>], iteration_bounds = array<i64: 2, 16>, scalar_prefetch = 0 : i64, scratch_operands = 5 : i64, tpu.core_type = #tpu.core_type<sc_vector_subcore>, window_params = [{transform_indices = #map}, {transform_indices = #map}, {transform_indices = #map}, {transform_indices = #map1}]} {
    %mul3A = arith.constant 16 : i32
    %mul3A_0 = arith.muli %arg0, %mul3A : i32
    %add3A = arith.addi %mul3A_0, %arg1 : i32
    %mul3A_1 = arith.constant 80 : i32
    %mul3A_2 = arith.muli %add3A, %mul3A_1 : i32
    %scan3A = arith.constant 0 : i32
    %scan3A_3 = arith.constant 0 : i32
    %scan3A_4 = arith.constant 128 : i32
    %scan3A_5 = arith.addi %scan3A_3, %scan3A_4 : i32
    %scan3A_6 = arith.constant 1 : i32
    %scan3A_7 = scf.for %scan3A_41 = %scan3A_3 to %scan3A_5 step %scan3A_6 iter_args(%scan3A_42 = %scan3A) -> (i32)  : i32 {
      %broadcast_in_dim3A = arith.constant 0.000000e+00 : f32
      %broadcast_in_dim3A_43 = vector.broadcast %broadcast_in_dim3A : f32 to vector<16xf32>
      %swap3A = arith.index_cast %scan3A_41 : i32 to index
      %swap3A_44 = arith.constant 0 : index
      %swap3A_45 = tpu.vector_load %arg8[%swap3A, %swap3A_44] {strides = array<i32>} : memref<128x128xf32, #tpu.memory_space<vmem>>, vector<1x16xf32>,
      %swap3A_46 = vector.shape_cast %swap3A_45 : vector<1x16xf32> to vector<16xf32>
      %swap3A_47 = vector.shape_cast %broadcast_in_dim3A_43 : vector<16xf32> to vector<1x16xf32>
      tpu.vector_store %arg8[%swap3A, %swap3A_44], %swap3A_47 {strides = array<i32>} : memref<128x128xf32, #tpu.memory_space<vmem>>, vector<1x16xf32>,
      %broadcast_in_dim3A_48 = arith.constant 0.000000e+00 : f32
      %broadcast_in_dim3A_49 = vector.broadcast %broadcast_in_dim3A_48 : f32 to vector<16xf32>
      %swap3A_50 = arith.index_cast %scan3A_41 : i32 to index
      %swap3A_51 = arith.constant 16 : index
      %swap3A_52 = tpu.vector_load %arg8[%swap3A_50, %swap3A_51] {strides = array<i32>} : memref<128x128xf32, #tpu.memory_space<vmem>>, vector<1x16xf32>,
      %swap3A_53 = vector.shape_cast %swap3A_52 : vector<1x16xf32> to vector<16xf32>
      %swap3A_54 = vector.shape_cast %broadcast_in_dim3A_49 : vector<16xf32> to vector<1x16xf32>
      tpu.vector_store %arg8[%swap3A_50, %swap3A_51], %swap3A_54 {strides = array<i32>} : memref<128x128xf32, #tpu.memory_space<vmem>>, vector<1x16xf32>,
      %broadcast_in_dim3A_55 = arith.constant 0.000000e+00 : f32
      %broadcast_in_dim3A_56 = vector.broadcast %broadcast_in_dim3A_55 : f32 to vector<16xf32>
      %swap3A_57 = arith.index_cast %scan3A_41 : i32 to index
      %swap3A_58 = arith.constant 32 : index
      %swap3A_59 = tpu.vector_load %arg8[%swap3A_57, %swap3A_58] {strides = array<i32>} : memref<128x128xf32, #tpu.memory_space<vmem>>, vector<1x16xf32>,
      %swap3A_60 = vector.shape_cast %swap3A_59 : vector<1x16xf32> to vector<16xf32>
      %swap3A_61 = vector.shape_cast %broadcast_in_dim3A_56 : vector<16xf32> to vector<1x16xf32>
      tpu.vector_store %arg8[%swap3A_57, %swap3A_58], %swap3A_61 {strides = array<i32>} : memref<128x128xf32, #tpu.memory_space<vmem>>, vector<1x16xf32>,
      %broadcast_in_dim3A_62 = arith.constant 0.000000e+00 : f32
      %broadcast_in_dim3A_63 = vector.broadcast %broadcast_in_dim3A_62 : f32 to vector<16xf32>
      %swap3A_64 = arith.index_cast %scan3A_41 : i32 to index
      %swap3A_65 = arith.constant 48 : index
      %swap3A_66 = tpu.vector_load %arg8[%swap3A_64, %swap3A_65] {strides = array<i32>} : memref<128x128xf32, #tpu.memory_space<vmem>>, vector<1x16xf32>,
      %swap3A_67 = vector.shape_cast %swap3A_66 : vector<1x16xf32> to vector<16xf32>
      %swap3A_68 = vector.shape_cast %broadcast_in_dim3A_63 : vector<16xf32> to vector<1x16xf32>
      tpu.vector_store %arg8[%swap3A_64, %swap3A_65], %swap3A_68 {strides = array<i32>} : memref<128x128xf32, #tpu.memory_space<vmem>>, vector<1x16xf32>,
      %broadcast_in_dim3A_69 = arith.constant 0.000000e+00 : f32
      %broadcast_in_dim3A_70 = vector.broadcast %broadcast_in_dim3A_69 : f32 to vector<16xf32>
      %swap3A_71 = arith.index_cast %scan3A_41 : i32 to index
      %swap3A_72 = arith.constant 64 : index
      %swap3A_73 = tpu.vector_load %arg8[%swap3A_71, %swap3A_72] {strides = array<i32>} : memref<128x128xf32, #tpu.memory_space<vmem>>, vector<1x16xf32>,
      %swap3A_74 = vector.shape_cast %swap3A_73 : vector<1x16xf32> to vector<16xf32>
      %swap3A_75 = vector.shape_cast %broadcast_in_dim3A_70 : vector<16xf32> to vector<1x16xf32>
      tpu.vector_store %arg8[%swap3A_71, %swap3A_72], %swap3A_75 {strides = array<i32>} : memref<128x128xf32, #tpu.memory_space<vmem>>, vector<1x16xf32>,
      %broadcast_in_dim3A_76 = arith.constant 0.000000e+00 : f32
      %broadcast_in_dim3A_77 = vector.broadcast %broadcast_in_dim3A_76 : f32 to vector<16xf32>
      %swap3A_78 = arith.index_cast %scan3A_41 : i32 to index
      %swap3A_79 = arith.constant 80 : index
      %swap3A_80 = tpu.vector_load %arg8[%swap3A_78, %swap3A_79] {strides = array<i32>} : memref<128x128xf32, #tpu.memory_space<vmem>>, vector<1x16xf32>,
      %swap3A_81 = vector.shape_cast %swap3A_80 : vector<1x16xf32> to vector<16xf32>
      %swap3A_82 = vector.shape_cast %broadcast_in_dim3A_77 : vector<16xf32> to vector<1x16xf32>
      tpu.vector_store %arg8[%swap3A_78, %swap3A_79], %swap3A_82 {strides = array<i32>} : memref<128x128xf32, #tpu.memory_space<vmem>>, vector<1x16xf32>,
      %broadcast_in_dim3A_83 = arith.constant 0.000000e+00 : f32
      %broadcast_in_dim3A_84 = vector.broadcast %broadcast_in_dim3A_83 : f32 to vector<16xf32>
      %swap3A_85 = arith.index_cast %scan3A_41 : i32 to index
      %swap3A_86 = arith.constant 96 : index
      %swap3A_87 = tpu.vector_load %arg8[%swap3A_85, %swap3A_86] {strides = array<i32>} : memref<128x128xf32, #tpu.memory_space<vmem>>, vector<1x16xf32>,
      %swap3A_88 = vector.shape_cast %swap3A_87 : vector<1x16xf32> to vector<16xf32>
      %swap3A_89 = vector.shape_cast %broadcast_in_dim3A_84 : vector<16xf32> to vector<1x16xf32>
      tpu.vector_store %arg8[%swap3A_85, %swap3A_86], %swap3A_89 {strides = array<i32>} : memref<128x128xf32, #tpu.memory_space<vmem>>, vector<1x16xf32>,
      %broadcast_in_dim3A_90 = arith.constant 0.000000e+00 : f32
      %broadcast_in_dim3A_91 = vector.broadcast %broadcast_in_dim3A_90 : f32 to vector<16xf32>
      %swap3A_92 = arith.index_cast %scan3A_41 : i32 to index
      %swap3A_93 = arith.constant 112 : index
      %swap3A_94 = tpu.vector_load %arg8[%swap3A_92, %swap3A_93] {strides = array<i32>} : memref<128x128xf32, #tpu.memory_space<vmem>>, vector<1x16xf32>,
      %swap3A_95 = vector.shape_cast %swap3A_94 : vector<1x16xf32> to vector<16xf32>
      %swap3A_96 = vector.shape_cast %broadcast_in_dim3A_91 : vector<16xf32> to vector<1x16xf32>
      tpu.vector_store %arg8[%swap3A_92, %swap3A_93], %swap3A_96 {strides = array<i32>} : memref<128x128xf32, #tpu.memory_space<vmem>>, vector<1x16xf32>,
      %scan3A_97 = arith.constant 0 : i32
      scf.yield %scan3A_97 : i32
    }
    %scan3A_8 = arith.constant 128 : i32
    %mul3A_9 = arith.constant 632 : i32
    %mul3A_10 = arith.muli %arg1, %mul3A_9 : i32
    %add3A_11 = arith.constant 0 : i32
    %add3A_12 = arith.addi %mul3A_10, %add3A_11 : i32
    "tpu.region"() ({
      %run_scoped3A = tpu.sem_alloc : memref<!tpu.dma_semaphore, #tpu.memory_space<semaphore_mem>>
      %dma_start3A = arith.constant 0 : i32
      %dma_start3A_41 = tpu.memref_slice %arg10[%add3A_12, %dma_start3A] : memref<10112x128xf32, #tpu.memory_space<vmem_shared>> -> memref<128x128xf32, #tpu.memory_space<vmem_shared>>
      %dma_start3A_42 = arith.constant 0 : i32
      %dma_start3A_43 = tpu.memref_slice %arg10[%add3A_12, %dma_start3A_42] : memref<10112x128xf32, #tpu.memory_space<vmem_shared>> -> memref<128x128xf32, #tpu.memory_space<vmem_shared>>
      tpu.enqueue_dma source(%arg8 : memref<128x128xf32, #tpu.memory_space<vmem>>) target(%dma_start3A_43 : memref<128x128xf32, #tpu.memory_space<vmem_shared>>) target_semaphore(%run_scoped3A : memref<!tpu.dma_semaphore, #tpu.memory_space<semaphore_mem>>)
      %dma_wait3A = arith.constant 0 : i32
      %dma_wait3A_44 = tpu.memref_slice %arg10[%add3A_12, %dma_wait3A] : memref<10112x128xf32, #tpu.memory_space<vmem_shared>> -> memref<128x128xf32, #tpu.memory_space<vmem_shared>>
      %dma_wait3A_45 = arith.constant 0 : i32
      %dma_wait3A_46 = tpu.memref_slice %arg10[%add3A_12, %dma_wait3A_45] : memref<10112x128xf32, #tpu.memory_space<vmem_shared>> -> memref<128x128xf32, #tpu.memory_space<vmem_shared>>
      tpu.wait_dma2 semaphore(%run_scoped3A : memref<!tpu.dma_semaphore, #tpu.memory_space<semaphore_mem>>) src(%arg8 : memref<128x128xf32, #tpu.memory_space<vmem>>) dst(%dma_wait3A_46 : memref<128x128xf32, #tpu.memory_space<vmem_shared>>)
      tpu.yield
    }) : () -> ()
    %mul3A_13 = arith.constant 632 : i32
    %mul3A_14 = arith.muli %arg1, %mul3A_13 : i32
    %add3A_15 = arith.constant 128 : i32
    %add3A_16 = arith.addi %mul3A_14, %add3A_15 : i32
    "tpu.region"() ({
      %run_scoped3A = tpu.sem_alloc : memref<!tpu.dma_semaphore, #tpu.memory_space<semaphore_mem>>
      %dma_start3A = arith.constant 0 : i32
      %dma_start3A_41 = tpu.memref_slice %arg10[%add3A_16, %dma_start3A] : memref<10112x128xf32, #tpu.memory_space<vmem_shared>> -> memref<128x128xf32, #tpu.memory_space<vmem_shared>>
      %dma_start3A_42 = arith.constant 0 : i32
      %dma_start3A_43 = tpu.memref_slice %arg10[%add3A_16, %dma_start3A_42] : memref<10112x128xf32, #tpu.memory_space<vmem_shared>> -> memref<128x128xf32, #tpu.memory_space<vmem_shared>>
      tpu.enqueue_dma source(%arg8 : memref<128x128xf32, #tpu.memory_space<vmem>>) target(%dma_start3A_43 : memref<128x128xf32, #tpu.memory_space<vmem_shared>>) target_semaphore(%run_scoped3A : memref<!tpu.dma_semaphore, #tpu.memory_space<semaphore_mem>>)
      %dma_wait3A = arith.constant 0 : i32
      %dma_wait3A_44 = tpu.memref_slice %arg10[%add3A_16, %dma_wait3A] : memref<10112x128xf32, #tpu.memory_space<vmem_shared>> -> memref<128x128xf32, #tpu.memory_space<vmem_shared>>
      %dma_wait3A_45 = arith.constant 0 : i32
      %dma_wait3A_46 = tpu.memref_slice %arg10[%add3A_16, %dma_wait3A_45] : memref<10112x128xf32, #tpu.memory_space<vmem_shared>> -> memref<128x128xf32, #tpu.memory_space<vmem_shared>>
      tpu.wait_dma2 semaphore(%run_scoped3A : memref<!tpu.dma_semaphore, #tpu.memory_space<semaphore_mem>>) src(%arg8 : memref<128x128xf32, #tpu.memory_space<vmem>>) dst(%dma_wait3A_46 : memref<128x128xf32, #tpu.memory_space<vmem_shared>>)
      tpu.yield
    }) : () -> ()
    %mul3A_17 = arith.constant 632 : i32
    %mul3A_18 = arith.muli %arg1, %mul3A_17 : i32
    %add3A_19 = arith.constant 256 : i32
    %add3A_20 = arith.addi %mul3A_18, %add3A_19 : i32
    "tpu.region"() ({
      %run_scoped3A = tpu.sem_alloc : memref<!tpu.dma_semaphore, #tpu.memory_space<semaphore_mem>>
      %dma_start3A = arith.constant 0 : i32
      %dma_start3A_41 = tpu.memref_slice %arg10[%add3A_20, %dma_start3A] : memref<10112x128xf32, #tpu.memory_space<vmem_shared>> -> memref<128x128xf32, #tpu.memory_space<vmem_shared>>
      %dma_start3A_42 = arith.constant 0 : i32
      %dma_start3A_43 = tpu.memref_slice %arg10[%add3A_20, %dma_start3A_42] : memref<10112x128xf32, #tpu.memory_space<vmem_shared>> -> memref<128x128xf32, #tpu.memory_space<vmem_shared>>
      tpu.enqueue_dma source(%arg8 : memref<128x128xf32, #tpu.memory_space<vmem>>) target(%dma_start3A_43 : memref<128x128xf32, #tpu.memory_space<vmem_shared>>) target_semaphore(%run_scoped3A : memref<!tpu.dma_semaphore, #tpu.memory_space<semaphore_mem>>)
      %dma_wait3A = arith.constant 0 : i32
      %dma_wait3A_44 = tpu.memref_slice %arg10[%add3A_20, %dma_wait3A] : memref<10112x128xf32, #tpu.memory_space<vmem_shared>> -> memref<128x128xf32, #tpu.memory_space<vmem_shared>>
      %dma_wait3A_45 = arith.constant 0 : i32
      %dma_wait3A_46 = tpu.memref_slice %arg10[%add3A_20, %dma_wait3A_45] : memref<10112x128xf32, #tpu.memory_space<vmem_shared>> -> memref<128x128xf32, #tpu.memory_space<vmem_shared>>
      tpu.wait_dma2 semaphore(%run_scoped3A : memref<!tpu.dma_semaphore, #tpu.memory_space<semaphore_mem>>) src(%arg8 : memref<128x128xf32, #tpu.memory_space<vmem>>) dst(%dma_wait3A_46 : memref<128x128xf32, #tpu.memory_space<vmem_shared>>)
      tpu.yield
    }) : () -> ()
    %mul3A_21 = arith.constant 632 : i32
    %mul3A_22 = arith.muli %arg1, %mul3A_21 : i32
    %add3A_23 = arith.constant 384 : i32
    %add3A_24 = arith.addi %mul3A_22, %add3A_23 : i32
    "tpu.region"() ({
      %run_scoped3A = tpu.sem_alloc : memref<!tpu.dma_semaphore, #tpu.memory_space<semaphore_mem>>
      %dma_start3A = arith.constant 0 : i32
      %dma_start3A_41 = tpu.memref_slice %arg10[%add3A_24, %dma_start3A] : memref<10112x128xf32, #tpu.memory_space<vmem_shared>> -> memref<128x128xf32, #tpu.memory_space<vmem_shared>>
      %dma_start3A_42 = arith.constant 0 : i32
      %dma_start3A_43 = tpu.memref_slice %arg10[%add3A_24, %dma_start3A_42] : memref<10112x128xf32, #tpu.memory_space<vmem_shared>> -> memref<128x128xf32, #tpu.memory_space<vmem_shared>>
      tpu.enqueue_dma source(%arg8 : memref<128x128xf32, #tpu.memory_space<vmem>>) target(%dma_start3A_43 : memref<128x128xf32, #tpu.memory_space<vmem_shared>>) target_semaphore(%run_scoped3A : memref<!tpu.dma_semaphore, #tpu.memory_space<semaphore_mem>>)
      %dma_wait3A = arith.constant 0 : i32
      %dma_wait3A_44 = tpu.memref_slice %arg10[%add3A_24, %dma_wait3A] : memref<10112x128xf32, #tpu.memory_space<vmem_shared>> -> memref<128x128xf32, #tpu.memory_space<vmem_shared>>
      %dma_wait3A_45 = arith.constant 0 : i32
      %dma_wait3A_46 = tpu.memref_slice %arg10[%add3A_24, %dma_wait3A_45] : memref<10112x128xf32, #tpu.memory_space<vmem_shared>> -> memref<128x128xf32, #tpu.memory_space<vmem_shared>>
      tpu.wait_dma2 semaphore(%run_scoped3A : memref<!tpu.dma_semaphore, #tpu.memory_space<semaphore_mem>>) src(%arg8 : memref<128x128xf32, #tpu.memory_space<vmem>>) dst(%dma_wait3A_46 : memref<128x128xf32, #tpu.memory_space<vmem_shared>>)
      tpu.yield
    }) : () -> ()
    %mul3A_25 = arith.constant 632 : i32
    %mul3A_26 = arith.muli %arg1, %mul3A_25 : i32
    %add3A_27 = arith.constant 512 : i32
    %add3A_28 = arith.addi %mul3A_26, %add3A_27 : i32
    "tpu.region"() ({
      %run_scoped3A = tpu.sem_alloc : memref<!tpu.dma_semaphore, #tpu.memory_space<semaphore_mem>>
      %dma_start3A = arith.constant 0 : i32
      %dma_start3A_41 = arith.constant 0 : i32
      %dma_start3A_42 = tpu.memref_slice %arg8[%dma_start3A, %dma_start3A_41] : memref<128x128xf32, #tpu.memory_space<vmem>> -> memref<120x128xf32, #tpu.memory_space<vmem>>
      %dma_start3A_43 = arith.constant 0 : i32
      %dma_start3A_44 = tpu.memref_slice %arg10[%add3A_28, %dma_start3A_43] : memref<10112x128xf32, #tpu.memory_space<vmem_shared>> -> memref<120x128xf32, #tpu.memory_space<vmem_shared>>
      %dma_start3A_45 = arith.constant 0 : i32
      %dma_start3A_46 = tpu.memref_slice %arg10[%add3A_28, %dma_start3A_45] : memref<10112x128xf32, #tpu.memory_space<vmem_shared>> -> memref<120x128xf32, #tpu.memory_space<vmem_shared>>
      %dma_start3A_47 = arith.constant 0 : i32
      %dma_start3A_48 = arith.constant 0 : i32
      %dma_start3A_49 = tpu.memref_slice %arg8[%dma_start3A_47, %dma_start3A_48] : memref<128x128xf32, #tpu.memory_space<vmem>> -> memref<120x128xf32, #tpu.memory_space<vmem>>
      tpu.enqueue_dma source(%dma_start3A_49 : memref<120x128xf32, #tpu.memory_space<vmem>>) target(%dma_start3A_46 : memref<120x128xf32, #tpu.memory_space<vmem_shared>>) target_semaphore(%run_scoped3A : memref<!tpu.dma_semaphore, #tpu.memory_space<semaphore_mem>>)
      %dma_wait3A = arith.constant 0 : i32
      %dma_wait3A_50 = arith.constant 0 : i32
      %dma_wait3A_51 = tpu.memref_slice %arg8[%dma_wait3A, %dma_wait3A_50] : memref<128x128xf32, #tpu.memory_space<vmem>> -> memref<120x128xf32, #tpu.memory_space<vmem>>
      %dma_wait3A_52 = arith.constant 0 : i32
      %dma_wait3A_53 = tpu.memref_slice %arg10[%add3A_28, %dma_wait3A_52] : memref<10112x128xf32, #tpu.memory_space<vmem_shared>> -> memref<120x128xf32, #tpu.memory_space<vmem_shared>>
      %dma_wait3A_54 = arith.constant 0 : i32
      %dma_wait3A_55 = tpu.memref_slice %arg10[%add3A_28, %dma_wait3A_54] : memref<10112x128xf32, #tpu.memory_space<vmem_shared>> -> memref<120x128xf32, #tpu.memory_space<vmem_shared>>
      %dma_wait3A_56 = arith.constant 0 : i32
      %dma_wait3A_57 = arith.constant 0 : i32
      %dma_wait3A_58 = tpu.memref_slice %arg8[%dma_wait3A_56, %dma_wait3A_57] : memref<128x128xf32, #tpu.memory_space<vmem>> -> memref<120x128xf32, #tpu.memory_space<vmem>>
      tpu.wait_dma2 semaphore(%run_scoped3A : memref<!tpu.dma_semaphore, #tpu.memory_space<semaphore_mem>>) src(%dma_wait3A_58 : memref<120x128xf32, #tpu.memory_space<vmem>>) dst(%dma_wait3A_55 : memref<120x128xf32, #tpu.memory_space<vmem_shared>>)
      tpu.yield
    }) : () -> ()
    %barrier3A = arith.constant 0 : index
    tpu.barrier barrier_id(%barrier3A)
    %scan3A_29 = arith.constant 0 : i32
    %scan3A_30 = arith.constant 0 : i32
    %scan3A_31 = arith.constant 80 : i32
    %scan3A_32 = arith.addi %scan3A_30, %scan3A_31 : i32
    %scan3A_33 = arith.constant 1 : i32
    %scan3A_34 = scf.for %scan3A_41 = %scan3A_30 to %scan3A_32 step %scan3A_33 iter_args(%scan3A_42 = %scan3A_29) -> (i32)  : i32 {
      %add3A_43 = arith.addi %mul3A_2, %scan3A_41 : i32
      "tpu.region"() ({
        %run_scoped3A = tpu.sem_alloc : memref<!tpu.dma_semaphore, #tpu.memory_space<semaphore_mem>>
        %dma_start3A_49 = arith.constant 0 : i32
        %dma_start3A_50 = tpu.memref_slice %arg3[%add3A_43, %dma_start3A_49] : memref<2560x128xi32, #tpu.memory_space<hbm>> -> memref<1x128xi32, #tpu.memory_space<hbm>>
        %dma_start3A_51 = tpu.memref_squeeze %dma_start3A_50 : memref<1x128xi32, #tpu.memory_space<hbm>> -> memref<128xi32, #tpu.memory_space<hbm>>
        %dma_start3A_52 = arith.constant 0 : i32
        %dma_start3A_53 = tpu.memref_slice %arg3[%add3A_43, %dma_start3A_52] : memref<2560x128xi32, #tpu.memory_space<hbm>> -> memref<1x128xi32, #tpu.memory_space<hbm>>
        %dma_start3A_54 = tpu.memref_squeeze %dma_start3A_53 : memref<1x128xi32, #tpu.memory_space<hbm>> -> memref<128xi32, #tpu.memory_space<hbm>>
        tpu.enqueue_dma source(%dma_start3A_54 : memref<128xi32, #tpu.memory_space<hbm>>) target(%arg6 : memref<128xi32, #tpu.memory_space<vmem>>) target_semaphore(%run_scoped3A : memref<!tpu.dma_semaphore, #tpu.memory_space<semaphore_mem>>)
        %dma_wait3A_55 = arith.constant 0 : i32
        %dma_wait3A_56 = tpu.memref_slice %arg3[%add3A_43, %dma_wait3A_55] : memref<2560x128xi32, #tpu.memory_space<hbm>> -> memref<1x128xi32, #tpu.memory_space<hbm>>
        %dma_wait3A_57 = tpu.memref_squeeze %dma_wait3A_56 : memref<1x128xi32, #tpu.memory_space<hbm>> -> memref<128xi32, #tpu.memory_space<hbm>>
        %dma_wait3A_58 = arith.constant 0 : i32
        %dma_wait3A_59 = tpu.memref_slice %arg3[%add3A_43, %dma_wait3A_58] : memref<2560x128xi32, #tpu.memory_space<hbm>> -> memref<1x128xi32, #tpu.memory_space<hbm>>
        %dma_wait3A_60 = tpu.memref_squeeze %dma_wait3A_59 : memref<1x128xi32, #tpu.memory_space<hbm>> -> memref<128xi32, #tpu.memory_space<hbm>>
        tpu.wait_dma2 semaphore(%run_scoped3A : memref<!tpu.dma_semaphore, #tpu.memory_space<semaphore_mem>>) src(%dma_wait3A_60 : memref<128xi32, #tpu.memory_space<hbm>>) dst(%arg6 : memref<128xi32, #tpu.memory_space<vmem>>)
        tpu.yield
      }) : () -> ()
      "tpu.region"() ({
        %run_scoped3A = tpu.sem_alloc : memref<!tpu.dma_semaphore, #tpu.memory_space<semaphore_mem>>
        %dma_start3A_49 = arith.constant 0 : i32
        %dma_start3A_50 = tpu.memref_slice %arg4[%add3A_43, %dma_start3A_49] : memref<2560x128xi32, #tpu.memory_space<hbm>> -> memref<1x128xi32, #tpu.memory_space<hbm>>
        %dma_start3A_51 = tpu.memref_squeeze %dma_start3A_50 : memref<1x128xi32, #tpu.memory_space<hbm>> -> memref<128xi32, #tpu.memory_space<hbm>>
        %dma_start3A_52 = arith.constant 0 : i32
        %dma_start3A_53 = tpu.memref_slice %arg4[%add3A_43, %dma_start3A_52] : memref<2560x128xi32, #tpu.memory_space<hbm>> -> memref<1x128xi32, #tpu.memory_space<hbm>>
        %dma_start3A_54 = tpu.memref_squeeze %dma_start3A_53 : memref<1x128xi32, #tpu.memory_space<hbm>> -> memref<128xi32, #tpu.memory_space<hbm>>
        tpu.enqueue_dma source(%dma_start3A_54 : memref<128xi32, #tpu.memory_space<hbm>>) target(%arg7 : memref<128xi32, #tpu.memory_space<vmem>>) target_semaphore(%run_scoped3A : memref<!tpu.dma_semaphore, #tpu.memory_space<semaphore_mem>>)
        %dma_wait3A_55 = arith.constant 0 : i32
        %dma_wait3A_56 = tpu.memref_slice %arg4[%add3A_43, %dma_wait3A_55] : memref<2560x128xi32, #tpu.memory_space<hbm>> -> memref<1x128xi32, #tpu.memory_space<hbm>>
        %dma_wait3A_57 = tpu.memref_squeeze %dma_wait3A_56 : memref<1x128xi32, #tpu.memory_space<hbm>> -> memref<128xi32, #tpu.memory_space<hbm>>
        %dma_wait3A_58 = arith.constant 0 : i32
        %dma_wait3A_59 = tpu.memref_slice %arg4[%add3A_43, %dma_wait3A_58] : memref<2560x128xi32, #tpu.memory_space<hbm>> -> memref<1x128xi32, #tpu.memory_space<hbm>>
        %dma_wait3A_60 = tpu.memref_squeeze %dma_wait3A_59 : memref<1x128xi32, #tpu.memory_space<hbm>> -> memref<128xi32, #tpu.memory_space<hbm>>
        tpu.wait_dma2 semaphore(%run_scoped3A : memref<!tpu.dma_semaphore, #tpu.memory_space<semaphore_mem>>) src(%dma_wait3A_60 : memref<128xi32, #tpu.memory_space<hbm>>) dst(%arg7 : memref<128xi32, #tpu.memory_space<vmem>>)
        tpu.yield
      }) : () -> ()
      %dma_start3A = arith.constant 0 : i32
      %dma_start3A_44 = arith.constant 0 : i32
      %dma_start3A_45 = tpu.memref_slice %arg2[%dma_start3A, %dma_start3A_44] : memref<10000x128xf32, #tpu.memory_space<hbm>> -> memref<10000x128xf32, #tpu.memory_space<hbm>>
      tpu.enqueue_indirect_dma source(%dma_start3A_45 : memref<10000x128xf32, #tpu.memory_space<hbm>>) target(%arg8 : memref<128x128xf32, #tpu.memory_space<vmem>>) offsets(%arg6 : memref<128xi32, #tpu.memory_space<vmem>>) semaphore(%arg9 : memref<!tpu.dma_semaphore, #tpu.memory_space<semaphore_mem>>)
      %dma_wait3A = arith.constant 0 : i32
      %dma_wait3A_46 = arith.constant 0 : i32
      %dma_wait3A_47 = tpu.memref_slice %arg2[%dma_wait3A, %dma_wait3A_46] : memref<10000x128xf32, #tpu.memory_space<hbm>> -> memref<10000x128xf32, #tpu.memory_space<hbm>>
      tpu.wait_indirect_dma semaphore(%arg9 : memref<!tpu.dma_semaphore, #tpu.memory_space<semaphore_mem>>) src(%dma_wait3A_47 : memref<10000x128xf32, #tpu.memory_space<hbm>>) dst(%arg8 : memref<128x128xf32, #tpu.memory_space<vmem>>)
      "tpu.region"() ({
        %run_scoped3A = tpu.sem_alloc : memref<!tpu.dma_semaphore, #tpu.memory_space<semaphore_mem>>
        %dma_start3A_49 = arith.constant 0 : i32
        %dma_start3A_50 = arith.constant 0 : i32
        %dma_start3A_51 = tpu.memref_slice %arg10[%dma_start3A_49, %dma_start3A_50] : memref<10112x128xf32, #tpu.memory_space<vmem_shared>> -> memref<10112x128xf32, #tpu.memory_space<vmem_shared>>
        tpu.enqueue_indirect_dma source(%arg8 : memref<128x128xf32, #tpu.memory_space<vmem>>) target(%dma_start3A_51 : memref<10112x128xf32, #tpu.memory_space<vmem_shared>>) offsets(%arg7 : memref<128xi32, #tpu.memory_space<vmem>>) semaphore(%run_scoped3A : memref<!tpu.dma_semaphore, #tpu.memory_space<semaphore_mem>>) {add = true}
        %dma_wait3A_52 = arith.constant 0 : i32
        %dma_wait3A_53 = arith.constant 0 : i32
        %dma_wait3A_54 = tpu.memref_slice %arg10[%dma_wait3A_52, %dma_wait3A_53] : memref<10112x128xf32, #tpu.memory_space<vmem_shared>> -> memref<10112x128xf32, #tpu.memory_space<vmem_shared>>
        tpu.wait_indirect_dma semaphore(%run_scoped3A : memref<!tpu.dma_semaphore, #tpu.memory_space<semaphore_mem>>) src(%arg8 : memref<128x128xf32, #tpu.memory_space<vmem>>) dst(%dma_wait3A_54 : memref<10112x128xf32, #tpu.memory_space<vmem_shared>>)
        tpu.yield
      }) : () -> ()
      %scan3A_48 = arith.constant 0 : i32
      scf.yield %scan3A_48 : i32
    }
    %scan3A_35 = arith.constant 80 : i32
    %barrier3A_36 = arith.constant 0 : index
    tpu.barrier barrier_id(%barrier3A_36)
    %mul3A_37 = arith.constant 632 : i32
    %mul3A_38 = arith.muli %arg1, %mul3A_37 : i32
    %mul3A_39 = arith.constant 632 : i32
    %mul3A_40 = arith.muli %arg1, %mul3A_39 : i32
    "tpu.region"() ({
      %run_scoped3A = tpu.sem_alloc : memref<!tpu.dma_semaphore, #tpu.memory_space<semaphore_mem>>
      %dma_start3A = arith.constant 0 : i32
      %dma_start3A_41 = tpu.memref_slice %arg5[%arg0, %mul3A_40, %dma_start3A] : memref<2x10112x128xf32, #tpu.memory_space<hbm>> -> memref<1x632x128xf32, #tpu.memory_space<hbm>>
      %dma_start3A_42 = tpu.memref_squeeze %dma_start3A_41 : memref<1x632x128xf32, #tpu.memory_space<hbm>> -> memref<632x128xf32, #tpu.memory_space<hbm>>
      %dma_start3A_43 = arith.constant 0 : i32
      %dma_start3A_44 = tpu.memref_slice %arg10[%mul3A_38, %dma_start3A_43] : memref<10112x128xf32, #tpu.memory_space<vmem_shared>> -> memref<632x128xf32, #tpu.memory_space<vmem_shared>>
      tpu.enqueue_dma source(%dma_start3A_44 : memref<632x128xf32, #tpu.memory_space<vmem_shared>>) target(%dma_start3A_42 : memref<632x128xf32, #tpu.memory_space<hbm>>) target_semaphore(%run_scoped3A : memref<!tpu.dma_semaphore, #tpu.memory_space<semaphore_mem>>)
      %dma_wait3A = arith.constant 0 : i32
      %dma_wait3A_45 = tpu.memref_slice %arg5[%arg0, %mul3A_40, %dma_wait3A] : memref<2x10112x128xf32, #tpu.memory_space<hbm>> -> memref<1x632x128xf32, #tpu.memory_space<hbm>>
      %dma_wait3A_46 = tpu.memref_squeeze %dma_wait3A_45 : memref<1x632x128xf32, #tpu.memory_space<hbm>> -> memref<632x128xf32, #tpu.memory_space<hbm>>
      %dma_wait3A_47 = arith.constant 0 : i32
      %dma_wait3A_48 = tpu.memref_slice %arg10[%mul3A_38, %dma_wait3A_47] : memref<10112x128xf32, #tpu.memory_space<vmem_shared>> -> memref<632x128xf32, #tpu.memory_space<vmem_shared>>
      tpu.wait_dma2 semaphore(%run_scoped3A : memref<!tpu.dma_semaphore, #tpu.memory_space<semaphore_mem>>) src(%dma_wait3A_48 : memref<632x128xf32, #tpu.memory_space<vmem_shared>>) dst(%dma_wait3A_46 : memref<632x128xf32, #tpu.memory_space<hbm>>)
      tpu.yield
    }) : () -> ()
    return
  }
}

#map = affine_map<(d0, d1) -> (0, 0)>
#map1 = affine_map<(d0, d1) -> (0, 0, 0)>
module attributes {stable_mosaic.version = 14 : i64} {
  func.func @_deg_body(%arg0: i32, %arg1: i32, %arg2: memref<2560x128xi32, #tpu.memory_space<hbm>>, %arg3: memref<2x10112x128xf32, #tpu.memory_space<hbm>>, %arg4: memref<128xi32, #tpu.memory_space<vmem>>, %arg5: memref<128x128xf32, #tpu.memory_space<vmem>>, %arg6: memref<128x128xf32, #tpu.memory_space<vmem>>, %arg7: memref<10112x128xf32, #tpu.memory_space<vmem_shared>>) attributes {dimension_semantics = [#tpu.dimension_semantics<core_parallel>, #tpu.dimension_semantics<subcore_parallel>], iteration_bounds = array<i64: 2, 16>, scalar_prefetch = 0 : i64, scratch_operands = 4 : i64, tpu.core_type = #tpu.core_type<sc_vector_subcore>, window_params = [{transform_indices = #map}, {transform_indices = #map1}]} {
    %mul3A = arith.constant 16 : i32
    %mul3A_0 = arith.muli %arg0, %mul3A : i32
    %add3A = arith.addi %mul3A_0, %arg1 : i32
    %scan3A = arith.constant 0 : i32
    %scan3A_1 = arith.constant 0 : i32
    %scan3A_2 = arith.constant 128 : i32
    %scan3A_3 = arith.addi %scan3A_1, %scan3A_2 : i32
    %scan3A_4 = arith.constant 1 : i32
    %scan3A_5 = scf.for %scan3A_39 = %scan3A_1 to %scan3A_3 step %scan3A_4 iter_args(%scan3A_40 = %scan3A) -> (i32)  : i32 {
      %broadcast_in_dim3A = arith.constant 1.000000e+00 : f32
      %broadcast_in_dim3A_41 = vector.broadcast %broadcast_in_dim3A : f32 to vector<16xf32>
      %swap3A = arith.index_cast %scan3A_39 : i32 to index
      %swap3A_42 = arith.constant 0 : index
      %swap3A_43 = tpu.vector_load %arg5[%swap3A, %swap3A_42] {strides = array<i32>} : memref<128x128xf32, #tpu.memory_space<vmem>>, vector<1x16xf32>,
      %swap3A_44 = vector.shape_cast %swap3A_43 : vector<1x16xf32> to vector<16xf32>
      %swap3A_45 = vector.shape_cast %broadcast_in_dim3A_41 : vector<16xf32> to vector<1x16xf32>
      tpu.vector_store %arg5[%swap3A, %swap3A_42], %swap3A_45 {strides = array<i32>} : memref<128x128xf32, #tpu.memory_space<vmem>>, vector<1x16xf32>,
      %broadcast_in_dim3A_46 = arith.constant 0.000000e+00 : f32
      %broadcast_in_dim3A_47 = vector.broadcast %broadcast_in_dim3A_46 : f32 to vector<16xf32>
      %swap3A_48 = arith.index_cast %scan3A_39 : i32 to index
      %swap3A_49 = arith.constant 0 : index
      %swap3A_50 = tpu.vector_load %arg6[%swap3A_48, %swap3A_49] {strides = array<i32>} : memref<128x128xf32, #tpu.memory_space<vmem>>, vector<1x16xf32>,
      %swap3A_51 = vector.shape_cast %swap3A_50 : vector<1x16xf32> to vector<16xf32>
      %swap3A_52 = vector.shape_cast %broadcast_in_dim3A_47 : vector<16xf32> to vector<1x16xf32>
      tpu.vector_store %arg6[%swap3A_48, %swap3A_49], %swap3A_52 {strides = array<i32>} : memref<128x128xf32, #tpu.memory_space<vmem>>, vector<1x16xf32>,
      %broadcast_in_dim3A_53 = arith.constant 1.000000e+00 : f32
      %broadcast_in_dim3A_54 = vector.broadcast %broadcast_in_dim3A_53 : f32 to vector<16xf32>
      %swap3A_55 = arith.index_cast %scan3A_39 : i32 to index
      %swap3A_56 = arith.constant 16 : index
      %swap3A_57 = tpu.vector_load %arg5[%swap3A_55, %swap3A_56] {strides = array<i32>} : memref<128x128xf32, #tpu.memory_space<vmem>>, vector<1x16xf32>,
      %swap3A_58 = vector.shape_cast %swap3A_57 : vector<1x16xf32> to vector<16xf32>
      %swap3A_59 = vector.shape_cast %broadcast_in_dim3A_54 : vector<16xf32> to vector<1x16xf32>
      tpu.vector_store %arg5[%swap3A_55, %swap3A_56], %swap3A_59 {strides = array<i32>} : memref<128x128xf32, #tpu.memory_space<vmem>>, vector<1x16xf32>,
      %broadcast_in_dim3A_60 = arith.constant 0.000000e+00 : f32
      %broadcast_in_dim3A_61 = vector.broadcast %broadcast_in_dim3A_60 : f32 to vector<16xf32>
      %swap3A_62 = arith.index_cast %scan3A_39 : i32 to index
      %swap3A_63 = arith.constant 16 : index
      %swap3A_64 = tpu.vector_load %arg6[%swap3A_62, %swap3A_63] {strides = array<i32>} : memref<128x128xf32, #tpu.memory_space<vmem>>, vector<1x16xf32>,
      %swap3A_65 = vector.shape_cast %swap3A_64 : vector<1x16xf32> to vector<16xf32>
      %swap3A_66 = vector.shape_cast %broadcast_in_dim3A_61 : vector<16xf32> to vector<1x16xf32>
      tpu.vector_store %arg6[%swap3A_62, %swap3A_63], %swap3A_66 {strides = array<i32>} : memref<128x128xf32, #tpu.memory_space<vmem>>, vector<1x16xf32>,
      %broadcast_in_dim3A_67 = arith.constant 1.000000e+00 : f32
      %broadcast_in_dim3A_68 = vector.broadcast %broadcast_in_dim3A_67 : f32 to vector<16xf32>
      %swap3A_69 = arith.index_cast %scan3A_39 : i32 to index
      %swap3A_70 = arith.constant 32 : index
      %swap3A_71 = tpu.vector_load %arg5[%swap3A_69, %swap3A_70] {strides = array<i32>} : memref<128x128xf32, #tpu.memory_space<vmem>>, vector<1x16xf32>,
      %swap3A_72 = vector.shape_cast %swap3A_71 : vector<1x16xf32> to vector<16xf32>
      %swap3A_73 = vector.shape_cast %broadcast_in_dim3A_68 : vector<16xf32> to vector<1x16xf32>
      tpu.vector_store %arg5[%swap3A_69, %swap3A_70], %swap3A_73 {strides = array<i32>} : memref<128x128xf32, #tpu.memory_space<vmem>>, vector<1x16xf32>,
      %broadcast_in_dim3A_74 = arith.constant 0.000000e+00 : f32
      %broadcast_in_dim3A_75 = vector.broadcast %broadcast_in_dim3A_74 : f32 to vector<16xf32>
      %swap3A_76 = arith.index_cast %scan3A_39 : i32 to index
      %swap3A_77 = arith.constant 32 : index
      %swap3A_78 = tpu.vector_load %arg6[%swap3A_76, %swap3A_77] {strides = array<i32>} : memref<128x128xf32, #tpu.memory_space<vmem>>, vector<1x16xf32>,
      %swap3A_79 = vector.shape_cast %swap3A_78 : vector<1x16xf32> to vector<16xf32>
      %swap3A_80 = vector.shape_cast %broadcast_in_dim3A_75 : vector<16xf32> to vector<1x16xf32>
      tpu.vector_store %arg6[%swap3A_76, %swap3A_77], %swap3A_80 {strides = array<i32>} : memref<128x128xf32, #tpu.memory_space<vmem>>, vector<1x16xf32>,
      %broadcast_in_dim3A_81 = arith.constant 1.000000e+00 : f32
      %broadcast_in_dim3A_82 = vector.broadcast %broadcast_in_dim3A_81 : f32 to vector<16xf32>
      %swap3A_83 = arith.index_cast %scan3A_39 : i32 to index
      %swap3A_84 = arith.constant 48 : index
      %swap3A_85 = tpu.vector_load %arg5[%swap3A_83, %swap3A_84] {strides = array<i32>} : memref<128x128xf32, #tpu.memory_space<vmem>>, vector<1x16xf32>,
      %swap3A_86 = vector.shape_cast %swap3A_85 : vector<1x16xf32> to vector<16xf32>
      %swap3A_87 = vector.shape_cast %broadcast_in_dim3A_82 : vector<16xf32> to vector<1x16xf32>
      tpu.vector_store %arg5[%swap3A_83, %swap3A_84], %swap3A_87 {strides = array<i32>} : memref<128x128xf32, #tpu.memory_space<vmem>>, vector<1x16xf32>,
      %broadcast_in_dim3A_88 = arith.constant 0.000000e+00 : f32
      %broadcast_in_dim3A_89 = vector.broadcast %broadcast_in_dim3A_88 : f32 to vector<16xf32>
      %swap3A_90 = arith.index_cast %scan3A_39 : i32 to index
      %swap3A_91 = arith.constant 48 : index
      %swap3A_92 = tpu.vector_load %arg6[%swap3A_90, %swap3A_91] {strides = array<i32>} : memref<128x128xf32, #tpu.memory_space<vmem>>, vector<1x16xf32>,
      %swap3A_93 = vector.shape_cast %swap3A_92 : vector<1x16xf32> to vector<16xf32>
      %swap3A_94 = vector.shape_cast %broadcast_in_dim3A_89 : vector<16xf32> to vector<1x16xf32>
      tpu.vector_store %arg6[%swap3A_90, %swap3A_91], %swap3A_94 {strides = array<i32>} : memref<128x128xf32, #tpu.memory_space<vmem>>, vector<1x16xf32>,
      %broadcast_in_dim3A_95 = arith.constant 1.000000e+00 : f32
      %broadcast_in_dim3A_96 = vector.broadcast %broadcast_in_dim3A_95 : f32 to vector<16xf32>
      %swap3A_97 = arith.index_cast %scan3A_39 : i32 to index
      %swap3A_98 = arith.constant 64 : index
      %swap3A_99 = tpu.vector_load %arg5[%swap3A_97, %swap3A_98] {strides = array<i32>} : memref<128x128xf32, #tpu.memory_space<vmem>>, vector<1x16xf32>,
      %swap3A_100 = vector.shape_cast %swap3A_99 : vector<1x16xf32> to vector<16xf32>
      %swap3A_101 = vector.shape_cast %broadcast_in_dim3A_96 : vector<16xf32> to vector<1x16xf32>
      tpu.vector_store %arg5[%swap3A_97, %swap3A_98], %swap3A_101 {strides = array<i32>} : memref<128x128xf32, #tpu.memory_space<vmem>>, vector<1x16xf32>,
      %broadcast_in_dim3A_102 = arith.constant 0.000000e+00 : f32
      %broadcast_in_dim3A_103 = vector.broadcast %broadcast_in_dim3A_102 : f32 to vector<16xf32>
      %swap3A_104 = arith.index_cast %scan3A_39 : i32 to index
      %swap3A_105 = arith.constant 64 : index
      %swap3A_106 = tpu.vector_load %arg6[%swap3A_104, %swap3A_105] {strides = array<i32>} : memref<128x128xf32, #tpu.memory_space<vmem>>, vector<1x16xf32>,
      %swap3A_107 = vector.shape_cast %swap3A_106 : vector<1x16xf32> to vector<16xf32>
      %swap3A_108 = vector.shape_cast %broadcast_in_dim3A_103 : vector<16xf32> to vector<1x16xf32>
      tpu.vector_store %arg6[%swap3A_104, %swap3A_105], %swap3A_108 {strides = array<i32>} : memref<128x128xf32, #tpu.memory_space<vmem>>, vector<1x16xf32>,
      %broadcast_in_dim3A_109 = arith.constant 1.000000e+00 : f32
      %broadcast_in_dim3A_110 = vector.broadcast %broadcast_in_dim3A_109 : f32 to vector<16xf32>
      %swap3A_111 = arith.index_cast %scan3A_39 : i32 to index
      %swap3A_112 = arith.constant 80 : index
      %swap3A_113 = tpu.vector_load %arg5[%swap3A_111, %swap3A_112] {strides = array<i32>} : memref<128x128xf32, #tpu.memory_space<vmem>>, vector<1x16xf32>,
      %swap3A_114 = vector.shape_cast %swap3A_113 : vector<1x16xf32> to vector<16xf32>
      %swap3A_115 = vector.shape_cast %broadcast_in_dim3A_110 : vector<16xf32> to vector<1x16xf32>
      tpu.vector_store %arg5[%swap3A_111, %swap3A_112], %swap3A_115 {strides = array<i32>} : memref<128x128xf32, #tpu.memory_space<vmem>>, vector<1x16xf32>,
      %broadcast_in_dim3A_116 = arith.constant 0.000000e+00 : f32
      %broadcast_in_dim3A_117 = vector.broadcast %broadcast_in_dim3A_116 : f32 to vector<16xf32>
      %swap3A_118 = arith.index_cast %scan3A_39 : i32 to index
      %swap3A_119 = arith.constant 80 : index
      %swap3A_120 = tpu.vector_load %arg6[%swap3A_118, %swap3A_119] {strides = array<i32>} : memref<128x128xf32, #tpu.memory_space<vmem>>, vector<1x16xf32>,
      %swap3A_121 = vector.shape_cast %swap3A_120 : vector<1x16xf32> to vector<16xf32>
      %swap3A_122 = vector.shape_cast %broadcast_in_dim3A_117 : vector<16xf32> to vector<1x16xf32>
      tpu.vector_store %arg6[%swap3A_118, %swap3A_119], %swap3A_122 {strides = array<i32>} : memref<128x128xf32, #tpu.memory_space<vmem>>, vector<1x16xf32>,
      %broadcast_in_dim3A_123 = arith.constant 1.000000e+00 : f32
      %broadcast_in_dim3A_124 = vector.broadcast %broadcast_in_dim3A_123 : f32 to vector<16xf32>
      %swap3A_125 = arith.index_cast %scan3A_39 : i32 to index
      %swap3A_126 = arith.constant 96 : index
      %swap3A_127 = tpu.vector_load %arg5[%swap3A_125, %swap3A_126] {strides = array<i32>} : memref<128x128xf32, #tpu.memory_space<vmem>>, vector<1x16xf32>,
      %swap3A_128 = vector.shape_cast %swap3A_127 : vector<1x16xf32> to vector<16xf32>
      %swap3A_129 = vector.shape_cast %broadcast_in_dim3A_124 : vector<16xf32> to vector<1x16xf32>
      tpu.vector_store %arg5[%swap3A_125, %swap3A_126], %swap3A_129 {strides = array<i32>} : memref<128x128xf32, #tpu.memory_space<vmem>>, vector<1x16xf32>,
      %broadcast_in_dim3A_130 = arith.constant 0.000000e+00 : f32
      %broadcast_in_dim3A_131 = vector.broadcast %broadcast_in_dim3A_130 : f32 to vector<16xf32>
      %swap3A_132 = arith.index_cast %scan3A_39 : i32 to index
      %swap3A_133 = arith.constant 96 : index
      %swap3A_134 = tpu.vector_load %arg6[%swap3A_132, %swap3A_133] {strides = array<i32>} : memref<128x128xf32, #tpu.memory_space<vmem>>, vector<1x16xf32>,
      %swap3A_135 = vector.shape_cast %swap3A_134 : vector<1x16xf32> to vector<16xf32>
      %swap3A_136 = vector.shape_cast %broadcast_in_dim3A_131 : vector<16xf32> to vector<1x16xf32>
      tpu.vector_store %arg6[%swap3A_132, %swap3A_133], %swap3A_136 {strides = array<i32>} : memref<128x128xf32, #tpu.memory_space<vmem>>, vector<1x16xf32>,
      %broadcast_in_dim3A_137 = arith.constant 1.000000e+00 : f32
      %broadcast_in_dim3A_138 = vector.broadcast %broadcast_in_dim3A_137 : f32 to vector<16xf32>
      %swap3A_139 = arith.index_cast %scan3A_39 : i32 to index
      %swap3A_140 = arith.constant 112 : index
      %swap3A_141 = tpu.vector_load %arg5[%swap3A_139, %swap3A_140] {strides = array<i32>} : memref<128x128xf32, #tpu.memory_space<vmem>>, vector<1x16xf32>,
      %swap3A_142 = vector.shape_cast %swap3A_141 : vector<1x16xf32> to vector<16xf32>
      %swap3A_143 = vector.shape_cast %broadcast_in_dim3A_138 : vector<16xf32> to vector<1x16xf32>
      tpu.vector_store %arg5[%swap3A_139, %swap3A_140], %swap3A_143 {strides = array<i32>} : memref<128x128xf32, #tpu.memory_space<vmem>>, vector<1x16xf32>,
      %broadcast_in_dim3A_144 = arith.constant 0.000000e+00 : f32
      %broadcast_in_dim3A_145 = vector.broadcast %broadcast_in_dim3A_144 : f32 to vector<16xf32>
      %swap3A_146 = arith.index_cast %scan3A_39 : i32 to index
      %swap3A_147 = arith.constant 112 : index
      %swap3A_148 = tpu.vector_load %arg6[%swap3A_146, %swap3A_147] {strides = array<i32>} : memref<128x128xf32, #tpu.memory_space<vmem>>, vector<1x16xf32>,
      %swap3A_149 = vector.shape_cast %swap3A_148 : vector<1x16xf32> to vector<16xf32>
      %swap3A_150 = vector.shape_cast %broadcast_in_dim3A_145 : vector<16xf32> to vector<1x16xf32>
      tpu.vector_store %arg6[%swap3A_146, %swap3A_147], %swap3A_150 {strides = array<i32>} : memref<128x128xf32, #tpu.memory_space<vmem>>, vector<1x16xf32>,
      %scan3A_151 = arith.constant 0 : i32
      scf.yield %scan3A_151 : i32
    }
    %scan3A_6 = arith.constant 128 : i32
    %mul3A_7 = arith.constant 632 : i32
    %mul3A_8 = arith.muli %arg1, %mul3A_7 : i32
    %add3A_9 = arith.constant 0 : i32
    %add3A_10 = arith.addi %mul3A_8, %add3A_9 : i32
    "tpu.region"() ({
      %run_scoped3A = tpu.sem_alloc : memref<!tpu.dma_semaphore, #tpu.memory_space<semaphore_mem>>
      %dma_start3A = arith.constant 0 : i32
      %dma_start3A_39 = tpu.memref_slice %arg7[%add3A_10, %dma_start3A] : memref<10112x128xf32, #tpu.memory_space<vmem_shared>> -> memref<128x128xf32, #tpu.memory_space<vmem_shared>>
      %dma_start3A_40 = arith.constant 0 : i32
      %dma_start3A_41 = tpu.memref_slice %arg7[%add3A_10, %dma_start3A_40] : memref<10112x128xf32, #tpu.memory_space<vmem_shared>> -> memref<128x128xf32, #tpu.memory_space<vmem_shared>>
      tpu.enqueue_dma source(%arg6 : memref<128x128xf32, #tpu.memory_space<vmem>>) target(%dma_start3A_41 : memref<128x128xf32, #tpu.memory_space<vmem_shared>>) target_semaphore(%run_scoped3A : memref<!tpu.dma_semaphore, #tpu.memory_space<semaphore_mem>>)
      %dma_wait3A = arith.constant 0 : i32
      %dma_wait3A_42 = tpu.memref_slice %arg7[%add3A_10, %dma_wait3A] : memref<10112x128xf32, #tpu.memory_space<vmem_shared>> -> memref<128x128xf32, #tpu.memory_space<vmem_shared>>
      %dma_wait3A_43 = arith.constant 0 : i32
      %dma_wait3A_44 = tpu.memref_slice %arg7[%add3A_10, %dma_wait3A_43] : memref<10112x128xf32, #tpu.memory_space<vmem_shared>> -> memref<128x128xf32, #tpu.memory_space<vmem_shared>>
      tpu.wait_dma2 semaphore(%run_scoped3A : memref<!tpu.dma_semaphore, #tpu.memory_space<semaphore_mem>>) src(%arg6 : memref<128x128xf32, #tpu.memory_space<vmem>>) dst(%dma_wait3A_44 : memref<128x128xf32, #tpu.memory_space<vmem_shared>>)
      tpu.yield
    }) : () -> ()
    %mul3A_11 = arith.constant 632 : i32
    %mul3A_12 = arith.muli %arg1, %mul3A_11 : i32
    %add3A_13 = arith.constant 128 : i32
    %add3A_14 = arith.addi %mul3A_12, %add3A_13 : i32
    "tpu.region"() ({
      %run_scoped3A = tpu.sem_alloc : memref<!tpu.dma_semaphore, #tpu.memory_space<semaphore_mem>>
      %dma_start3A = arith.constant 0 : i32
      %dma_start3A_39 = tpu.memref_slice %arg7[%add3A_14, %dma_start3A] : memref<10112x128xf32, #tpu.memory_space<vmem_shared>> -> memref<128x128xf32, #tpu.memory_space<vmem_shared>>
      %dma_start3A_40 = arith.constant 0 : i32
      %dma_start3A_41 = tpu.memref_slice %arg7[%add3A_14, %dma_start3A_40] : memref<10112x128xf32, #tpu.memory_space<vmem_shared>> -> memref<128x128xf32, #tpu.memory_space<vmem_shared>>
      tpu.enqueue_dma source(%arg6 : memref<128x128xf32, #tpu.memory_space<vmem>>) target(%dma_start3A_41 : memref<128x128xf32, #tpu.memory_space<vmem_shared>>) target_semaphore(%run_scoped3A : memref<!tpu.dma_semaphore, #tpu.memory_space<semaphore_mem>>)
      %dma_wait3A = arith.constant 0 : i32
      %dma_wait3A_42 = tpu.memref_slice %arg7[%add3A_14, %dma_wait3A] : memref<10112x128xf32, #tpu.memory_space<vmem_shared>> -> memref<128x128xf32, #tpu.memory_space<vmem_shared>>
      %dma_wait3A_43 = arith.constant 0 : i32
      %dma_wait3A_44 = tpu.memref_slice %arg7[%add3A_14, %dma_wait3A_43] : memref<10112x128xf32, #tpu.memory_space<vmem_shared>> -> memref<128x128xf32, #tpu.memory_space<vmem_shared>>
      tpu.wait_dma2 semaphore(%run_scoped3A : memref<!tpu.dma_semaphore, #tpu.memory_space<semaphore_mem>>) src(%arg6 : memref<128x128xf32, #tpu.memory_space<vmem>>) dst(%dma_wait3A_44 : memref<128x128xf32, #tpu.memory_space<vmem_shared>>)
      tpu.yield
    }) : () -> ()
    %mul3A_15 = arith.constant 632 : i32
    %mul3A_16 = arith.muli %arg1, %mul3A_15 : i32
    %add3A_17 = arith.constant 256 : i32
    %add3A_18 = arith.addi %mul3A_16, %add3A_17 : i32
    "tpu.region"() ({
      %run_scoped3A = tpu.sem_alloc : memref<!tpu.dma_semaphore, #tpu.memory_space<semaphore_mem>>
      %dma_start3A = arith.constant 0 : i32
      %dma_start3A_39 = tpu.memref_slice %arg7[%add3A_18, %dma_start3A] : memref<10112x128xf32, #tpu.memory_space<vmem_shared>> -> memref<128x128xf32, #tpu.memory_space<vmem_shared>>
      %dma_start3A_40 = arith.constant 0 : i32
      %dma_start3A_41 = tpu.memref_slice %arg7[%add3A_18, %dma_start3A_40] : memref<10112x128xf32, #tpu.memory_space<vmem_shared>> -> memref<128x128xf32, #tpu.memory_space<vmem_shared>>
      tpu.enqueue_dma source(%arg6 : memref<128x128xf32, #tpu.memory_space<vmem>>) target(%dma_start3A_41 : memref<128x128xf32, #tpu.memory_space<vmem_shared>>) target_semaphore(%run_scoped3A : memref<!tpu.dma_semaphore, #tpu.memory_space<semaphore_mem>>)
      %dma_wait3A = arith.constant 0 : i32
      %dma_wait3A_42 = tpu.memref_slice %arg7[%add3A_18, %dma_wait3A] : memref<10112x128xf32, #tpu.memory_space<vmem_shared>> -> memref<128x128xf32, #tpu.memory_space<vmem_shared>>
      %dma_wait3A_43 = arith.constant 0 : i32
      %dma_wait3A_44 = tpu.memref_slice %arg7[%add3A_18, %dma_wait3A_43] : memref<10112x128xf32, #tpu.memory_space<vmem_shared>> -> memref<128x128xf32, #tpu.memory_space<vmem_shared>>
      tpu.wait_dma2 semaphore(%run_scoped3A : memref<!tpu.dma_semaphore, #tpu.memory_space<semaphore_mem>>) src(%arg6 : memref<128x128xf32, #tpu.memory_space<vmem>>) dst(%dma_wait3A_44 : memref<128x128xf32, #tpu.memory_space<vmem_shared>>)
      tpu.yield
    }) : () -> ()
    %mul3A_19 = arith.constant 632 : i32
    %mul3A_20 = arith.muli %arg1, %mul3A_19 : i32
    %add3A_21 = arith.constant 384 : i32
    %add3A_22 = arith.addi %mul3A_20, %add3A_21 : i32
    "tpu.region"() ({
      %run_scoped3A = tpu.sem_alloc : memref<!tpu.dma_semaphore, #tpu.memory_space<semaphore_mem>>
      %dma_start3A = arith.constant 0 : i32
      %dma_start3A_39 = tpu.memref_slice %arg7[%add3A_22, %dma_start3A] : memref<10112x128xf32, #tpu.memory_space<vmem_shared>> -> memref<128x128xf32, #tpu.memory_space<vmem_shared>>
      %dma_start3A_40 = arith.constant 0 : i32
      %dma_start3A_41 = tpu.memref_slice %arg7[%add3A_22, %dma_start3A_40] : memref<10112x128xf32, #tpu.memory_space<vmem_shared>> -> memref<128x128xf32, #tpu.memory_space<vmem_shared>>
      tpu.enqueue_dma source(%arg6 : memref<128x128xf32, #tpu.memory_space<vmem>>) target(%dma_start3A_41 : memref<128x128xf32, #tpu.memory_space<vmem_shared>>) target_semaphore(%run_scoped3A : memref<!tpu.dma_semaphore, #tpu.memory_space<semaphore_mem>>)
      %dma_wait3A = arith.constant 0 : i32
      %dma_wait3A_42 = tpu.memref_slice %arg7[%add3A_22, %dma_wait3A] : memref<10112x128xf32, #tpu.memory_space<vmem_shared>> -> memref<128x128xf32, #tpu.memory_space<vmem_shared>>
      %dma_wait3A_43 = arith.constant 0 : i32
      %dma_wait3A_44 = tpu.memref_slice %arg7[%add3A_22, %dma_wait3A_43] : memref<10112x128xf32, #tpu.memory_space<vmem_shared>> -> memref<128x128xf32, #tpu.memory_space<vmem_shared>>
      tpu.wait_dma2 semaphore(%run_scoped3A : memref<!tpu.dma_semaphore, #tpu.memory_space<semaphore_mem>>) src(%arg6 : memref<128x128xf32, #tpu.memory_space<vmem>>) dst(%dma_wait3A_44 : memref<128x128xf32, #tpu.memory_space<vmem_shared>>)
      tpu.yield
    }) : () -> ()
    %mul3A_23 = arith.constant 632 : i32
    %mul3A_24 = arith.muli %arg1, %mul3A_23 : i32
    %add3A_25 = arith.constant 512 : i32
    %add3A_26 = arith.addi %mul3A_24, %add3A_25 : i32
    "tpu.region"() ({
      %run_scoped3A = tpu.sem_alloc : memref<!tpu.dma_semaphore, #tpu.memory_space<semaphore_mem>>
      %dma_start3A = arith.constant 0 : i32
      %dma_start3A_39 = arith.constant 0 : i32
      %dma_start3A_40 = tpu.memref_slice %arg6[%dma_start3A, %dma_start3A_39] : memref<128x128xf32, #tpu.memory_space<vmem>> -> memref<120x128xf32, #tpu.memory_space<vmem>>
      %dma_start3A_41 = arith.constant 0 : i32
      %dma_start3A_42 = tpu.memref_slice %arg7[%add3A_26, %dma_start3A_41] : memref<10112x128xf32, #tpu.memory_space<vmem_shared>> -> memref<120x128xf32, #tpu.memory_space<vmem_shared>>
      %dma_start3A_43 = arith.constant 0 : i32
      %dma_start3A_44 = tpu.memref_slice %arg7[%add3A_26, %dma_start3A_43] : memref<10112x128xf32, #tpu.memory_space<vmem_shared>> -> memref<120x128xf32, #tpu.memory_space<vmem_shared>>
      %dma_start3A_45 = arith.constant 0 : i32
      %dma_start3A_46 = arith.constant 0 : i32
      %dma_start3A_47 = tpu.memref_slice %arg6[%dma_start3A_45, %dma_start3A_46] : memref<128x128xf32, #tpu.memory_space<vmem>> -> memref<120x128xf32, #tpu.memory_space<vmem>>
      tpu.enqueue_dma source(%dma_start3A_47 : memref<120x128xf32, #tpu.memory_space<vmem>>) target(%dma_start3A_44 : memref<120x128xf32, #tpu.memory_space<vmem_shared>>) target_semaphore(%run_scoped3A : memref<!tpu.dma_semaphore, #tpu.memory_space<semaphore_mem>>)
      %dma_wait3A = arith.constant 0 : i32
      %dma_wait3A_48 = arith.constant 0 : i32
      %dma_wait3A_49 = tpu.memref_slice %arg6[%dma_wait3A, %dma_wait3A_48] : memref<128x128xf32, #tpu.memory_space<vmem>> -> memref<120x128xf32, #tpu.memory_space<vmem>>
      %dma_wait3A_50 = arith.constant 0 : i32
      %dma_wait3A_51 = tpu.memref_slice %arg7[%add3A_26, %dma_wait3A_50] : memref<10112x128xf32, #tpu.memory_space<vmem_shared>> -> memref<120x128xf32, #tpu.memory_space<vmem_shared>>
      %dma_wait3A_52 = arith.constant 0 : i32
      %dma_wait3A_53 = tpu.memref_slice %arg7[%add3A_26, %dma_wait3A_52] : memref<10112x128xf32, #tpu.memory_space<vmem_shared>> -> memref<120x128xf32, #tpu.memory_space<vmem_shared>>
      %dma_wait3A_54 = arith.constant 0 : i32
      %dma_wait3A_55 = arith.constant 0 : i32
      %dma_wait3A_56 = tpu.memref_slice %arg6[%dma_wait3A_54, %dma_wait3A_55] : memref<128x128xf32, #tpu.memory_space<vmem>> -> memref<120x128xf32, #tpu.memory_space<vmem>>
      tpu.wait_dma2 semaphore(%run_scoped3A : memref<!tpu.dma_semaphore, #tpu.memory_space<semaphore_mem>>) src(%dma_wait3A_56 : memref<120x128xf32, #tpu.memory_space<vmem>>) dst(%dma_wait3A_53 : memref<120x128xf32, #tpu.memory_space<vmem_shared>>)
      tpu.yield
    }) : () -> ()
    %barrier3A = arith.constant 0 : index
    tpu.barrier barrier_id(%barrier3A)
    %scan3A_27 = arith.constant 0 : i32
    %scan3A_28 = arith.constant 0 : i32
    %scan3A_29 = arith.constant 80 : i32
    %scan3A_30 = arith.addi %scan3A_28, %scan3A_29 : i32
    %scan3A_31 = arith.constant 1 : i32
    %scan3A_32 = scf.for %scan3A_39 = %scan3A_28 to %scan3A_30 step %scan3A_31 iter_args(%scan3A_40 = %scan3A_27) -> (i32)  : i32 {
      %mul3A_41 = arith.constant 80 : i32
      %mul3A_42 = arith.muli %add3A, %mul3A_41 : i32
      %add3A_43 = arith.addi %mul3A_42, %scan3A_39 : i32
      "tpu.region"() ({
        %run_scoped3A = tpu.sem_alloc : memref<!tpu.dma_semaphore, #tpu.memory_space<semaphore_mem>>
        %dma_start3A = arith.constant 0 : i32
        %dma_start3A_45 = tpu.memref_slice %arg2[%add3A_43, %dma_start3A] : memref<2560x128xi32, #tpu.memory_space<hbm>> -> memref<1x128xi32, #tpu.memory_space<hbm>>
        %dma_start3A_46 = tpu.memref_squeeze %dma_start3A_45 : memref<1x128xi32, #tpu.memory_space<hbm>> -> memref<128xi32, #tpu.memory_space<hbm>>
        %dma_start3A_47 = arith.constant 0 : i32
        %dma_start3A_48 = tpu.memref_slice %arg2[%add3A_43, %dma_start3A_47] : memref<2560x128xi32, #tpu.memory_space<hbm>> -> memref<1x128xi32, #tpu.memory_space<hbm>>
        %dma_start3A_49 = tpu.memref_squeeze %dma_start3A_48 : memref<1x128xi32, #tpu.memory_space<hbm>> -> memref<128xi32, #tpu.memory_space<hbm>>
        tpu.enqueue_dma source(%dma_start3A_49 : memref<128xi32, #tpu.memory_space<hbm>>) target(%arg4 : memref<128xi32, #tpu.memory_space<vmem>>) target_semaphore(%run_scoped3A : memref<!tpu.dma_semaphore, #tpu.memory_space<semaphore_mem>>)
        %dma_wait3A = arith.constant 0 : i32
        %dma_wait3A_50 = tpu.memref_slice %arg2[%add3A_43, %dma_wait3A] : memref<2560x128xi32, #tpu.memory_space<hbm>> -> memref<1x128xi32, #tpu.memory_space<hbm>>
        %dma_wait3A_51 = tpu.memref_squeeze %dma_wait3A_50 : memref<1x128xi32, #tpu.memory_space<hbm>> -> memref<128xi32, #tpu.memory_space<hbm>>
        %dma_wait3A_52 = arith.constant 0 : i32
        %dma_wait3A_53 = tpu.memref_slice %arg2[%add3A_43, %dma_wait3A_52] : memref<2560x128xi32, #tpu.memory_space<hbm>> -> memref<1x128xi32, #tpu.memory_space<hbm>>
        %dma_wait3A_54 = tpu.memref_squeeze %dma_wait3A_53 : memref<1x128xi32, #tpu.memory_space<hbm>> -> memref<128xi32, #tpu.memory_space<hbm>>
        tpu.wait_dma2 semaphore(%run_scoped3A : memref<!tpu.dma_semaphore, #tpu.memory_space<semaphore_mem>>) src(%dma_wait3A_54 : memref<128xi32, #tpu.memory_space<hbm>>) dst(%arg4 : memref<128xi32, #tpu.memory_space<vmem>>)
        tpu.yield
      }) : () -> ()
      "tpu.region"() ({
        %run_scoped3A = tpu.sem_alloc : memref<!tpu.dma_semaphore, #tpu.memory_space<semaphore_mem>>
        %dma_start3A = arith.constant 0 : i32
        %dma_start3A_45 = arith.constant 0 : i32
        %dma_start3A_46 = tpu.memref_slice %arg7[%dma_start3A, %dma_start3A_45] : memref<10112x128xf32, #tpu.memory_space<vmem_shared>> -> memref<10112x128xf32, #tpu.memory_space<vmem_shared>>
        tpu.enqueue_indirect_dma source(%arg5 : memref<128x128xf32, #tpu.memory_space<vmem>>) target(%dma_start3A_46 : memref<10112x128xf32, #tpu.memory_space<vmem_shared>>) offsets(%arg4 : memref<128xi32, #tpu.memory_space<vmem>>) semaphore(%run_scoped3A : memref<!tpu.dma_semaphore, #tpu.memory_space<semaphore_mem>>) {add = true}
        %dma_wait3A = arith.constant 0 : i32
        %dma_wait3A_47 = arith.constant 0 : i32
        %dma_wait3A_48 = tpu.memref_slice %arg7[%dma_wait3A, %dma_wait3A_47] : memref<10112x128xf32, #tpu.memory_space<vmem_shared>> -> memref<10112x128xf32, #tpu.memory_space<vmem_shared>>
        tpu.wait_indirect_dma semaphore(%run_scoped3A : memref<!tpu.dma_semaphore, #tpu.memory_space<semaphore_mem>>) src(%arg5 : memref<128x128xf32, #tpu.memory_space<vmem>>) dst(%dma_wait3A_48 : memref<10112x128xf32, #tpu.memory_space<vmem_shared>>)
        tpu.yield
      }) : () -> ()
      %scan3A_44 = arith.constant 0 : i32
      scf.yield %scan3A_44 : i32
    }
    %scan3A_33 = arith.constant 80 : i32
    %barrier3A_34 = arith.constant 0 : index
    tpu.barrier barrier_id(%barrier3A_34)
    %mul3A_35 = arith.constant 632 : i32
    %mul3A_36 = arith.muli %arg1, %mul3A_35 : i32
    %mul3A_37 = arith.constant 632 : i32
    %mul3A_38 = arith.muli %arg1, %mul3A_37 : i32
    "tpu.region"() ({
      %run_scoped3A = tpu.sem_alloc : memref<!tpu.dma_semaphore, #tpu.memory_space<semaphore_mem>>
      %dma_start3A = arith.constant 0 : i32
      %dma_start3A_39 = tpu.memref_slice %arg3[%arg0, %mul3A_38, %dma_start3A] : memref<2x10112x128xf32, #tpu.memory_space<hbm>> -> memref<1x632x128xf32, #tpu.memory_space<hbm>>
      %dma_start3A_40 = tpu.memref_squeeze %dma_start3A_39 : memref<1x632x128xf32, #tpu.memory_space<hbm>> -> memref<632x128xf32, #tpu.memory_space<hbm>>
      %dma_start3A_41 = arith.constant 0 : i32
      %dma_start3A_42 = tpu.memref_slice %arg7[%mul3A_36, %dma_start3A_41] : memref<10112x128xf32, #tpu.memory_space<vmem_shared>> -> memref<632x128xf32, #tpu.memory_space<vmem_shared>>
      tpu.enqueue_dma source(%dma_start3A_42 : memref<632x128xf32, #tpu.memory_space<vmem_shared>>) target(%dma_start3A_40 : memref<632x128xf32, #tpu.memory_space<hbm>>) target_semaphore(%run_scoped3A : memref<!tpu.dma_semaphore, #tpu.memory_space<semaphore_mem>>)
      %dma_wait3A = arith.constant 0 : i32
      %dma_wait3A_43 = tpu.memref_slice %arg3[%arg0, %mul3A_38, %dma_wait3A] : memref<2x10112x128xf32, #tpu.memory_space<hbm>> -> memref<1x632x128xf32, #tpu.memory_space<hbm>>
      %dma_wait3A_44 = tpu.memref_squeeze %dma_wait3A_43 : memref<1x632x128xf32, #tpu.memory_space<hbm>> -> memref<632x128xf32, #tpu.memory_space<hbm>>
      %dma_wait3A_45 = arith.constant 0 : i32
      %dma_wait3A_46 = tpu.memref_slice %arg7[%mul3A_36, %dma_wait3A_45] : memref<10112x128xf32, #tpu.memory_space<vmem_shared>> -> memref<632x128xf32, #tpu.memory_space<vmem_shared>>
      tpu.wait_dma2 semaphore(%run_scoped3A : memref<!tpu.dma_semaphore, #tpu.memory_space<semaphore_mem>>) src(%dma_wait3A_46 : memref<632x128xf32, #tpu.memory_space<vmem_shared>>) dst(%dma_wait3A_44 : memref<632x128xf32, #tpu.memory_space<hbm>>)
      tpu.yield
    }) : () -> ()
    return
  }
}

#map = affine_map<(d0, d1) -> (0, 0)>
#map1 = affine_map<(d0, d1) -> (0, 0, 0)>
module attributes {stable_mosaic.version = 14 : i64} {
  func.func @_agg_body(%arg0: i32, %arg1: i32, %arg2: memref<10000x128xf32, #tpu.memory_space<hbm>>, %arg3: memref<2560x128xi32, #tpu.memory_space<hbm>>, %arg4: memref<2560x128xi32, #tpu.memory_space<hbm>>, %arg5: memref<2x10112x128xf32, #tpu.memory_space<hbm>>, %arg6: memref<128xi32, #tpu.memory_space<vmem>>, %arg7: memref<128xi32, #tpu.memory_space<vmem>>, %arg8: memref<128x128xf32, #tpu.memory_space<vmem>>, %arg9: memref<!tpu.dma_semaphore, #tpu.memory_space<semaphore_mem>>, %arg10: memref<10112x128xf32, #tpu.memory_space<vmem_shared>>) attributes {dimension_semantics = [#tpu.dimension_semantics<core_parallel>, #tpu.dimension_semantics<subcore_parallel>], iteration_bounds = array<i64: 2, 16>, scalar_prefetch = 0 : i64, scratch_operands = 5 : i64, tpu.core_type = #tpu.core_type<sc_vector_subcore>, window_params = [{transform_indices = #map}, {transform_indices = #map}, {transform_indices = #map}, {transform_indices = #map1}]} {
    %mul3A = arith.constant 16 : i32
    %mul3A_0 = arith.muli %arg0, %mul3A : i32
    %add3A = arith.addi %mul3A_0, %arg1 : i32
    %mul3A_1 = arith.constant 80 : i32
    %mul3A_2 = arith.muli %add3A, %mul3A_1 : i32
    %scan3A = arith.constant 0 : i32
    %scan3A_3 = arith.constant 0 : i32
    %scan3A_4 = arith.constant 128 : i32
    %scan3A_5 = arith.addi %scan3A_3, %scan3A_4 : i32
    %scan3A_6 = arith.constant 1 : i32
    %scan3A_7 = scf.for %scan3A_41 = %scan3A_3 to %scan3A_5 step %scan3A_6 iter_args(%scan3A_42 = %scan3A) -> (i32)  : i32 {
      %broadcast_in_dim3A = arith.constant 0.000000e+00 : f32
      %broadcast_in_dim3A_43 = vector.broadcast %broadcast_in_dim3A : f32 to vector<16xf32>
      %swap3A = arith.index_cast %scan3A_41 : i32 to index
      %swap3A_44 = arith.constant 0 : index
      %swap3A_45 = tpu.vector_load %arg8[%swap3A, %swap3A_44] {strides = array<i32>} : memref<128x128xf32, #tpu.memory_space<vmem>>, vector<1x16xf32>,
      %swap3A_46 = vector.shape_cast %swap3A_45 : vector<1x16xf32> to vector<16xf32>
      %swap3A_47 = vector.shape_cast %broadcast_in_dim3A_43 : vector<16xf32> to vector<1x16xf32>
      tpu.vector_store %arg8[%swap3A, %swap3A_44], %swap3A_47 {strides = array<i32>} : memref<128x128xf32, #tpu.memory_space<vmem>>, vector<1x16xf32>,
      %broadcast_in_dim3A_48 = arith.constant 0.000000e+00 : f32
      %broadcast_in_dim3A_49 = vector.broadcast %broadcast_in_dim3A_48 : f32 to vector<16xf32>
      %swap3A_50 = arith.index_cast %scan3A_41 : i32 to index
      %swap3A_51 = arith.constant 16 : index
      %swap3A_52 = tpu.vector_load %arg8[%swap3A_50, %swap3A_51] {strides = array<i32>} : memref<128x128xf32, #tpu.memory_space<vmem>>, vector<1x16xf32>,
      %swap3A_53 = vector.shape_cast %swap3A_52 : vector<1x16xf32> to vector<16xf32>
      %swap3A_54 = vector.shape_cast %broadcast_in_dim3A_49 : vector<16xf32> to vector<1x16xf32>
      tpu.vector_store %arg8[%swap3A_50, %swap3A_51], %swap3A_54 {strides = array<i32>} : memref<128x128xf32, #tpu.memory_space<vmem>>, vector<1x16xf32>,
      %broadcast_in_dim3A_55 = arith.constant 0.000000e+00 : f32
      %broadcast_in_dim3A_56 = vector.broadcast %broadcast_in_dim3A_55 : f32 to vector<16xf32>
      %swap3A_57 = arith.index_cast %scan3A_41 : i32 to index
      %swap3A_58 = arith.constant 32 : index
      %swap3A_59 = tpu.vector_load %arg8[%swap3A_57, %swap3A_58] {strides = array<i32>} : memref<128x128xf32, #tpu.memory_space<vmem>>, vector<1x16xf32>,
      %swap3A_60 = vector.shape_cast %swap3A_59 : vector<1x16xf32> to vector<16xf32>
      %swap3A_61 = vector.shape_cast %broadcast_in_dim3A_56 : vector<16xf32> to vector<1x16xf32>
      tpu.vector_store %arg8[%swap3A_57, %swap3A_58], %swap3A_61 {strides = array<i32>} : memref<128x128xf32, #tpu.memory_space<vmem>>, vector<1x16xf32>,
      %broadcast_in_dim3A_62 = arith.constant 0.000000e+00 : f32
      %broadcast_in_dim3A_63 = vector.broadcast %broadcast_in_dim3A_62 : f32 to vector<16xf32>
      %swap3A_64 = arith.index_cast %scan3A_41 : i32 to index
      %swap3A_65 = arith.constant 48 : index
      %swap3A_66 = tpu.vector_load %arg8[%swap3A_64, %swap3A_65] {strides = array<i32>} : memref<128x128xf32, #tpu.memory_space<vmem>>, vector<1x16xf32>,
      %swap3A_67 = vector.shape_cast %swap3A_66 : vector<1x16xf32> to vector<16xf32>
      %swap3A_68 = vector.shape_cast %broadcast_in_dim3A_63 : vector<16xf32> to vector<1x16xf32>
      tpu.vector_store %arg8[%swap3A_64, %swap3A_65], %swap3A_68 {strides = array<i32>} : memref<128x128xf32, #tpu.memory_space<vmem>>, vector<1x16xf32>,
      %broadcast_in_dim3A_69 = arith.constant 0.000000e+00 : f32
      %broadcast_in_dim3A_70 = vector.broadcast %broadcast_in_dim3A_69 : f32 to vector<16xf32>
      %swap3A_71 = arith.index_cast %scan3A_41 : i32 to index
      %swap3A_72 = arith.constant 64 : index
      %swap3A_73 = tpu.vector_load %arg8[%swap3A_71, %swap3A_72] {strides = array<i32>} : memref<128x128xf32, #tpu.memory_space<vmem>>, vector<1x16xf32>,
      %swap3A_74 = vector.shape_cast %swap3A_73 : vector<1x16xf32> to vector<16xf32>
      %swap3A_75 = vector.shape_cast %broadcast_in_dim3A_70 : vector<16xf32> to vector<1x16xf32>
      tpu.vector_store %arg8[%swap3A_71, %swap3A_72], %swap3A_75 {strides = array<i32>} : memref<128x128xf32, #tpu.memory_space<vmem>>, vector<1x16xf32>,
      %broadcast_in_dim3A_76 = arith.constant 0.000000e+00 : f32
      %broadcast_in_dim3A_77 = vector.broadcast %broadcast_in_dim3A_76 : f32 to vector<16xf32>
      %swap3A_78 = arith.index_cast %scan3A_41 : i32 to index
      %swap3A_79 = arith.constant 80 : index
      %swap3A_80 = tpu.vector_load %arg8[%swap3A_78, %swap3A_79] {strides = array<i32>} : memref<128x128xf32, #tpu.memory_space<vmem>>, vector<1x16xf32>,
      %swap3A_81 = vector.shape_cast %swap3A_80 : vector<1x16xf32> to vector<16xf32>
      %swap3A_82 = vector.shape_cast %broadcast_in_dim3A_77 : vector<16xf32> to vector<1x16xf32>
      tpu.vector_store %arg8[%swap3A_78, %swap3A_79], %swap3A_82 {strides = array<i32>} : memref<128x128xf32, #tpu.memory_space<vmem>>, vector<1x16xf32>,
      %broadcast_in_dim3A_83 = arith.constant 0.000000e+00 : f32
      %broadcast_in_dim3A_84 = vector.broadcast %broadcast_in_dim3A_83 : f32 to vector<16xf32>
      %swap3A_85 = arith.index_cast %scan3A_41 : i32 to index
      %swap3A_86 = arith.constant 96 : index
      %swap3A_87 = tpu.vector_load %arg8[%swap3A_85, %swap3A_86] {strides = array<i32>} : memref<128x128xf32, #tpu.memory_space<vmem>>, vector<1x16xf32>,
      %swap3A_88 = vector.shape_cast %swap3A_87 : vector<1x16xf32> to vector<16xf32>
      %swap3A_89 = vector.shape_cast %broadcast_in_dim3A_84 : vector<16xf32> to vector<1x16xf32>
      tpu.vector_store %arg8[%swap3A_85, %swap3A_86], %swap3A_89 {strides = array<i32>} : memref<128x128xf32, #tpu.memory_space<vmem>>, vector<1x16xf32>,
      %broadcast_in_dim3A_90 = arith.constant 0.000000e+00 : f32
      %broadcast_in_dim3A_91 = vector.broadcast %broadcast_in_dim3A_90 : f32 to vector<16xf32>
      %swap3A_92 = arith.index_cast %scan3A_41 : i32 to index
      %swap3A_93 = arith.constant 112 : index
      %swap3A_94 = tpu.vector_load %arg8[%swap3A_92, %swap3A_93] {strides = array<i32>} : memref<128x128xf32, #tpu.memory_space<vmem>>, vector<1x16xf32>,
      %swap3A_95 = vector.shape_cast %swap3A_94 : vector<1x16xf32> to vector<16xf32>
      %swap3A_96 = vector.shape_cast %broadcast_in_dim3A_91 : vector<16xf32> to vector<1x16xf32>
      tpu.vector_store %arg8[%swap3A_92, %swap3A_93], %swap3A_96 {strides = array<i32>} : memref<128x128xf32, #tpu.memory_space<vmem>>, vector<1x16xf32>,
      %scan3A_97 = arith.constant 0 : i32
      scf.yield %scan3A_97 : i32
    }
    %scan3A_8 = arith.constant 128 : i32
    %mul3A_9 = arith.constant 632 : i32
    %mul3A_10 = arith.muli %arg1, %mul3A_9 : i32
    %add3A_11 = arith.constant 0 : i32
    %add3A_12 = arith.addi %mul3A_10, %add3A_11 : i32
    "tpu.region"() ({
      %run_scoped3A = tpu.sem_alloc : memref<!tpu.dma_semaphore, #tpu.memory_space<semaphore_mem>>
      %dma_start3A = arith.constant 0 : i32
      %dma_start3A_41 = tpu.memref_slice %arg10[%add3A_12, %dma_start3A] : memref<10112x128xf32, #tpu.memory_space<vmem_shared>> -> memref<128x128xf32, #tpu.memory_space<vmem_shared>>
      %dma_start3A_42 = arith.constant 0 : i32
      %dma_start3A_43 = tpu.memref_slice %arg10[%add3A_12, %dma_start3A_42] : memref<10112x128xf32, #tpu.memory_space<vmem_shared>> -> memref<128x128xf32, #tpu.memory_space<vmem_shared>>
      tpu.enqueue_dma source(%arg8 : memref<128x128xf32, #tpu.memory_space<vmem>>) target(%dma_start3A_43 : memref<128x128xf32, #tpu.memory_space<vmem_shared>>) target_semaphore(%run_scoped3A : memref<!tpu.dma_semaphore, #tpu.memory_space<semaphore_mem>>)
      %dma_wait3A = arith.constant 0 : i32
      %dma_wait3A_44 = tpu.memref_slice %arg10[%add3A_12, %dma_wait3A] : memref<10112x128xf32, #tpu.memory_space<vmem_shared>> -> memref<128x128xf32, #tpu.memory_space<vmem_shared>>
      %dma_wait3A_45 = arith.constant 0 : i32
      %dma_wait3A_46 = tpu.memref_slice %arg10[%add3A_12, %dma_wait3A_45] : memref<10112x128xf32, #tpu.memory_space<vmem_shared>> -> memref<128x128xf32, #tpu.memory_space<vmem_shared>>
      tpu.wait_dma2 semaphore(%run_scoped3A : memref<!tpu.dma_semaphore, #tpu.memory_space<semaphore_mem>>) src(%arg8 : memref<128x128xf32, #tpu.memory_space<vmem>>) dst(%dma_wait3A_46 : memref<128x128xf32, #tpu.memory_space<vmem_shared>>)
      tpu.yield
    }) : () -> ()
    %mul3A_13 = arith.constant 632 : i32
    %mul3A_14 = arith.muli %arg1, %mul3A_13 : i32
    %add3A_15 = arith.constant 128 : i32
    %add3A_16 = arith.addi %mul3A_14, %add3A_15 : i32
    "tpu.region"() ({
      %run_scoped3A = tpu.sem_alloc : memref<!tpu.dma_semaphore, #tpu.memory_space<semaphore_mem>>
      %dma_start3A = arith.constant 0 : i32
      %dma_start3A_41 = tpu.memref_slice %arg10[%add3A_16, %dma_start3A] : memref<10112x128xf32, #tpu.memory_space<vmem_shared>> -> memref<128x128xf32, #tpu.memory_space<vmem_shared>>
      %dma_start3A_42 = arith.constant 0 : i32
      %dma_start3A_43 = tpu.memref_slice %arg10[%add3A_16, %dma_start3A_42] : memref<10112x128xf32, #tpu.memory_space<vmem_shared>> -> memref<128x128xf32, #tpu.memory_space<vmem_shared>>
      tpu.enqueue_dma source(%arg8 : memref<128x128xf32, #tpu.memory_space<vmem>>) target(%dma_start3A_43 : memref<128x128xf32, #tpu.memory_space<vmem_shared>>) target_semaphore(%run_scoped3A : memref<!tpu.dma_semaphore, #tpu.memory_space<semaphore_mem>>)
      %dma_wait3A = arith.constant 0 : i32
      %dma_wait3A_44 = tpu.memref_slice %arg10[%add3A_16, %dma_wait3A] : memref<10112x128xf32, #tpu.memory_space<vmem_shared>> -> memref<128x128xf32, #tpu.memory_space<vmem_shared>>
      %dma_wait3A_45 = arith.constant 0 : i32
      %dma_wait3A_46 = tpu.memref_slice %arg10[%add3A_16, %dma_wait3A_45] : memref<10112x128xf32, #tpu.memory_space<vmem_shared>> -> memref<128x128xf32, #tpu.memory_space<vmem_shared>>
      tpu.wait_dma2 semaphore(%run_scoped3A : memref<!tpu.dma_semaphore, #tpu.memory_space<semaphore_mem>>) src(%arg8 : memref<128x128xf32, #tpu.memory_space<vmem>>) dst(%dma_wait3A_46 : memref<128x128xf32, #tpu.memory_space<vmem_shared>>)
      tpu.yield
    }) : () -> ()
    %mul3A_17 = arith.constant 632 : i32
    %mul3A_18 = arith.muli %arg1, %mul3A_17 : i32
    %add3A_19 = arith.constant 256 : i32
    %add3A_20 = arith.addi %mul3A_18, %add3A_19 : i32
    "tpu.region"() ({
      %run_scoped3A = tpu.sem_alloc : memref<!tpu.dma_semaphore, #tpu.memory_space<semaphore_mem>>
      %dma_start3A = arith.constant 0 : i32
      %dma_start3A_41 = tpu.memref_slice %arg10[%add3A_20, %dma_start3A] : memref<10112x128xf32, #tpu.memory_space<vmem_shared>> -> memref<128x128xf32, #tpu.memory_space<vmem_shared>>
      %dma_start3A_42 = arith.constant 0 : i32
      %dma_start3A_43 = tpu.memref_slice %arg10[%add3A_20, %dma_start3A_42] : memref<10112x128xf32, #tpu.memory_space<vmem_shared>> -> memref<128x128xf32, #tpu.memory_space<vmem_shared>>
      tpu.enqueue_dma source(%arg8 : memref<128x128xf32, #tpu.memory_space<vmem>>) target(%dma_start3A_43 : memref<128x128xf32, #tpu.memory_space<vmem_shared>>) target_semaphore(%run_scoped3A : memref<!tpu.dma_semaphore, #tpu.memory_space<semaphore_mem>>)
      %dma_wait3A = arith.constant 0 : i32
      %dma_wait3A_44 = tpu.memref_slice %arg10[%add3A_20, %dma_wait3A] : memref<10112x128xf32, #tpu.memory_space<vmem_shared>> -> memref<128x128xf32, #tpu.memory_space<vmem_shared>>
      %dma_wait3A_45 = arith.constant 0 : i32
      %dma_wait3A_46 = tpu.memref_slice %arg10[%add3A_20, %dma_wait3A_45] : memref<10112x128xf32, #tpu.memory_space<vmem_shared>> -> memref<128x128xf32, #tpu.memory_space<vmem_shared>>
      tpu.wait_dma2 semaphore(%run_scoped3A : memref<!tpu.dma_semaphore, #tpu.memory_space<semaphore_mem>>) src(%arg8 : memref<128x128xf32, #tpu.memory_space<vmem>>) dst(%dma_wait3A_46 : memref<128x128xf32, #tpu.memory_space<vmem_shared>>)
      tpu.yield
    }) : () -> ()
    %mul3A_21 = arith.constant 632 : i32
    %mul3A_22 = arith.muli %arg1, %mul3A_21 : i32
    %add3A_23 = arith.constant 384 : i32
    %add3A_24 = arith.addi %mul3A_22, %add3A_23 : i32
    "tpu.region"() ({
      %run_scoped3A = tpu.sem_alloc : memref<!tpu.dma_semaphore, #tpu.memory_space<semaphore_mem>>
      %dma_start3A = arith.constant 0 : i32
      %dma_start3A_41 = tpu.memref_slice %arg10[%add3A_24, %dma_start3A] : memref<10112x128xf32, #tpu.memory_space<vmem_shared>> -> memref<128x128xf32, #tpu.memory_space<vmem_shared>>
      %dma_start3A_42 = arith.constant 0 : i32
      %dma_start3A_43 = tpu.memref_slice %arg10[%add3A_24, %dma_start3A_42] : memref<10112x128xf32, #tpu.memory_space<vmem_shared>> -> memref<128x128xf32, #tpu.memory_space<vmem_shared>>
      tpu.enqueue_dma source(%arg8 : memref<128x128xf32, #tpu.memory_space<vmem>>) target(%dma_start3A_43 : memref<128x128xf32, #tpu.memory_space<vmem_shared>>) target_semaphore(%run_scoped3A : memref<!tpu.dma_semaphore, #tpu.memory_space<semaphore_mem>>)
      %dma_wait3A = arith.constant 0 : i32
      %dma_wait3A_44 = tpu.memref_slice %arg10[%add3A_24, %dma_wait3A] : memref<10112x128xf32, #tpu.memory_space<vmem_shared>> -> memref<128x128xf32, #tpu.memory_space<vmem_shared>>
      %dma_wait3A_45 = arith.constant 0 : i32
      %dma_wait3A_46 = tpu.memref_slice %arg10[%add3A_24, %dma_wait3A_45] : memref<10112x128xf32, #tpu.memory_space<vmem_shared>> -> memref<128x128xf32, #tpu.memory_space<vmem_shared>>
      tpu.wait_dma2 semaphore(%run_scoped3A : memref<!tpu.dma_semaphore, #tpu.memory_space<semaphore_mem>>) src(%arg8 : memref<128x128xf32, #tpu.memory_space<vmem>>) dst(%dma_wait3A_46 : memref<128x128xf32, #tpu.memory_space<vmem_shared>>)
      tpu.yield
    }) : () -> ()
    %mul3A_25 = arith.constant 632 : i32
    %mul3A_26 = arith.muli %arg1, %mul3A_25 : i32
    %add3A_27 = arith.constant 512 : i32
    %add3A_28 = arith.addi %mul3A_26, %add3A_27 : i32
    "tpu.region"() ({
      %run_scoped3A = tpu.sem_alloc : memref<!tpu.dma_semaphore, #tpu.memory_space<semaphore_mem>>
      %dma_start3A = arith.constant 0 : i32
      %dma_start3A_41 = arith.constant 0 : i32
      %dma_start3A_42 = tpu.memref_slice %arg8[%dma_start3A, %dma_start3A_41] : memref<128x128xf32, #tpu.memory_space<vmem>> -> memref<120x128xf32, #tpu.memory_space<vmem>>
      %dma_start3A_43 = arith.constant 0 : i32
      %dma_start3A_44 = tpu.memref_slice %arg10[%add3A_28, %dma_start3A_43] : memref<10112x128xf32, #tpu.memory_space<vmem_shared>> -> memref<120x128xf32, #tpu.memory_space<vmem_shared>>
      %dma_start3A_45 = arith.constant 0 : i32
      %dma_start3A_46 = tpu.memref_slice %arg10[%add3A_28, %dma_start3A_45] : memref<10112x128xf32, #tpu.memory_space<vmem_shared>> -> memref<120x128xf32, #tpu.memory_space<vmem_shared>>
      %dma_start3A_47 = arith.constant 0 : i32
      %dma_start3A_48 = arith.constant 0 : i32
      %dma_start3A_49 = tpu.memref_slice %arg8[%dma_start3A_47, %dma_start3A_48] : memref<128x128xf32, #tpu.memory_space<vmem>> -> memref<120x128xf32, #tpu.memory_space<vmem>>
      tpu.enqueue_dma source(%dma_start3A_49 : memref<120x128xf32, #tpu.memory_space<vmem>>) target(%dma_start3A_46 : memref<120x128xf32, #tpu.memory_space<vmem_shared>>) target_semaphore(%run_scoped3A : memref<!tpu.dma_semaphore, #tpu.memory_space<semaphore_mem>>)
      %dma_wait3A = arith.constant 0 : i32
      %dma_wait3A_50 = arith.constant 0 : i32
      %dma_wait3A_51 = tpu.memref_slice %arg8[%dma_wait3A, %dma_wait3A_50] : memref<128x128xf32, #tpu.memory_space<vmem>> -> memref<120x128xf32, #tpu.memory_space<vmem>>
      %dma_wait3A_52 = arith.constant 0 : i32
      %dma_wait3A_53 = tpu.memref_slice %arg10[%add3A_28, %dma_wait3A_52] : memref<10112x128xf32, #tpu.memory_space<vmem_shared>> -> memref<120x128xf32, #tpu.memory_space<vmem_shared>>
      %dma_wait3A_54 = arith.constant 0 : i32
      %dma_wait3A_55 = tpu.memref_slice %arg10[%add3A_28, %dma_wait3A_54] : memref<10112x128xf32, #tpu.memory_space<vmem_shared>> -> memref<120x128xf32, #tpu.memory_space<vmem_shared>>
      %dma_wait3A_56 = arith.constant 0 : i32
      %dma_wait3A_57 = arith.constant 0 : i32
      %dma_wait3A_58 = tpu.memref_slice %arg8[%dma_wait3A_56, %dma_wait3A_57] : memref<128x128xf32, #tpu.memory_space<vmem>> -> memref<120x128xf32, #tpu.memory_space<vmem>>
      tpu.wait_dma2 semaphore(%run_scoped3A : memref<!tpu.dma_semaphore, #tpu.memory_space<semaphore_mem>>) src(%dma_wait3A_58 : memref<120x128xf32, #tpu.memory_space<vmem>>) dst(%dma_wait3A_55 : memref<120x128xf32, #tpu.memory_space<vmem_shared>>)
      tpu.yield
    }) : () -> ()
    %barrier3A = arith.constant 0 : index
    tpu.barrier barrier_id(%barrier3A)
    %scan3A_29 = arith.constant 0 : i32
    %scan3A_30 = arith.constant 0 : i32
    %scan3A_31 = arith.constant 80 : i32
    %scan3A_32 = arith.addi %scan3A_30, %scan3A_31 : i32
    %scan3A_33 = arith.constant 1 : i32
    %scan3A_34 = scf.for %scan3A_41 = %scan3A_30 to %scan3A_32 step %scan3A_33 iter_args(%scan3A_42 = %scan3A_29) -> (i32)  : i32 {
      %add3A_43 = arith.addi %mul3A_2, %scan3A_41 : i32
      "tpu.region"() ({
        %run_scoped3A = tpu.sem_alloc : memref<!tpu.dma_semaphore, #tpu.memory_space<semaphore_mem>>
        %dma_start3A_49 = arith.constant 0 : i32
        %dma_start3A_50 = tpu.memref_slice %arg3[%add3A_43, %dma_start3A_49] : memref<2560x128xi32, #tpu.memory_space<hbm>> -> memref<1x128xi32, #tpu.memory_space<hbm>>
        %dma_start3A_51 = tpu.memref_squeeze %dma_start3A_50 : memref<1x128xi32, #tpu.memory_space<hbm>> -> memref<128xi32, #tpu.memory_space<hbm>>
        %dma_start3A_52 = arith.constant 0 : i32
        %dma_start3A_53 = tpu.memref_slice %arg3[%add3A_43, %dma_start3A_52] : memref<2560x128xi32, #tpu.memory_space<hbm>> -> memref<1x128xi32, #tpu.memory_space<hbm>>
        %dma_start3A_54 = tpu.memref_squeeze %dma_start3A_53 : memref<1x128xi32, #tpu.memory_space<hbm>> -> memref<128xi32, #tpu.memory_space<hbm>>
        tpu.enqueue_dma source(%dma_start3A_54 : memref<128xi32, #tpu.memory_space<hbm>>) target(%arg6 : memref<128xi32, #tpu.memory_space<vmem>>) target_semaphore(%run_scoped3A : memref<!tpu.dma_semaphore, #tpu.memory_space<semaphore_mem>>)
        %dma_wait3A_55 = arith.constant 0 : i32
        %dma_wait3A_56 = tpu.memref_slice %arg3[%add3A_43, %dma_wait3A_55] : memref<2560x128xi32, #tpu.memory_space<hbm>> -> memref<1x128xi32, #tpu.memory_space<hbm>>
        %dma_wait3A_57 = tpu.memref_squeeze %dma_wait3A_56 : memref<1x128xi32, #tpu.memory_space<hbm>> -> memref<128xi32, #tpu.memory_space<hbm>>
        %dma_wait3A_58 = arith.constant 0 : i32
        %dma_wait3A_59 = tpu.memref_slice %arg3[%add3A_43, %dma_wait3A_58] : memref<2560x128xi32, #tpu.memory_space<hbm>> -> memref<1x128xi32, #tpu.memory_space<hbm>>
        %dma_wait3A_60 = tpu.memref_squeeze %dma_wait3A_59 : memref<1x128xi32, #tpu.memory_space<hbm>> -> memref<128xi32, #tpu.memory_space<hbm>>
        tpu.wait_dma2 semaphore(%run_scoped3A : memref<!tpu.dma_semaphore, #tpu.memory_space<semaphore_mem>>) src(%dma_wait3A_60 : memref<128xi32, #tpu.memory_space<hbm>>) dst(%arg6 : memref<128xi32, #tpu.memory_space<vmem>>)
        tpu.yield
      }) : () -> ()
      "tpu.region"() ({
        %run_scoped3A = tpu.sem_alloc : memref<!tpu.dma_semaphore, #tpu.memory_space<semaphore_mem>>
        %dma_start3A_49 = arith.constant 0 : i32
        %dma_start3A_50 = tpu.memref_slice %arg4[%add3A_43, %dma_start3A_49] : memref<2560x128xi32, #tpu.memory_space<hbm>> -> memref<1x128xi32, #tpu.memory_space<hbm>>
        %dma_start3A_51 = tpu.memref_squeeze %dma_start3A_50 : memref<1x128xi32, #tpu.memory_space<hbm>> -> memref<128xi32, #tpu.memory_space<hbm>>
        %dma_start3A_52 = arith.constant 0 : i32
        %dma_start3A_53 = tpu.memref_slice %arg4[%add3A_43, %dma_start3A_52] : memref<2560x128xi32, #tpu.memory_space<hbm>> -> memref<1x128xi32, #tpu.memory_space<hbm>>
        %dma_start3A_54 = tpu.memref_squeeze %dma_start3A_53 : memref<1x128xi32, #tpu.memory_space<hbm>> -> memref<128xi32, #tpu.memory_space<hbm>>
        tpu.enqueue_dma source(%dma_start3A_54 : memref<128xi32, #tpu.memory_space<hbm>>) target(%arg7 : memref<128xi32, #tpu.memory_space<vmem>>) target_semaphore(%run_scoped3A : memref<!tpu.dma_semaphore, #tpu.memory_space<semaphore_mem>>)
        %dma_wait3A_55 = arith.constant 0 : i32
        %dma_wait3A_56 = tpu.memref_slice %arg4[%add3A_43, %dma_wait3A_55] : memref<2560x128xi32, #tpu.memory_space<hbm>> -> memref<1x128xi32, #tpu.memory_space<hbm>>
        %dma_wait3A_57 = tpu.memref_squeeze %dma_wait3A_56 : memref<1x128xi32, #tpu.memory_space<hbm>> -> memref<128xi32, #tpu.memory_space<hbm>>
        %dma_wait3A_58 = arith.constant 0 : i32
        %dma_wait3A_59 = tpu.memref_slice %arg4[%add3A_43, %dma_wait3A_58] : memref<2560x128xi32, #tpu.memory_space<hbm>> -> memref<1x128xi32, #tpu.memory_space<hbm>>
        %dma_wait3A_60 = tpu.memref_squeeze %dma_wait3A_59 : memref<1x128xi32, #tpu.memory_space<hbm>> -> memref<128xi32, #tpu.memory_space<hbm>>
        tpu.wait_dma2 semaphore(%run_scoped3A : memref<!tpu.dma_semaphore, #tpu.memory_space<semaphore_mem>>) src(%dma_wait3A_60 : memref<128xi32, #tpu.memory_space<hbm>>) dst(%arg7 : memref<128xi32, #tpu.memory_space<vmem>>)
        tpu.yield
      }) : () -> ()
      %dma_start3A = arith.constant 0 : i32
      %dma_start3A_44 = arith.constant 0 : i32
      %dma_start3A_45 = tpu.memref_slice %arg2[%dma_start3A, %dma_start3A_44] : memref<10000x128xf32, #tpu.memory_space<hbm>> -> memref<10000x128xf32, #tpu.memory_space<hbm>>
      tpu.enqueue_indirect_dma source(%dma_start3A_45 : memref<10000x128xf32, #tpu.memory_space<hbm>>) target(%arg8 : memref<128x128xf32, #tpu.memory_space<vmem>>) offsets(%arg6 : memref<128xi32, #tpu.memory_space<vmem>>) semaphore(%arg9 : memref<!tpu.dma_semaphore, #tpu.memory_space<semaphore_mem>>)
      %dma_wait3A = arith.constant 0 : i32
      %dma_wait3A_46 = arith.constant 0 : i32
      %dma_wait3A_47 = tpu.memref_slice %arg2[%dma_wait3A, %dma_wait3A_46] : memref<10000x128xf32, #tpu.memory_space<hbm>> -> memref<10000x128xf32, #tpu.memory_space<hbm>>
      tpu.wait_indirect_dma semaphore(%arg9 : memref<!tpu.dma_semaphore, #tpu.memory_space<semaphore_mem>>) src(%dma_wait3A_47 : memref<10000x128xf32, #tpu.memory_space<hbm>>) dst(%arg8 : memref<128x128xf32, #tpu.memory_space<vmem>>)
      "tpu.region"() ({
        %run_scoped3A = tpu.sem_alloc : memref<!tpu.dma_semaphore, #tpu.memory_space<semaphore_mem>>
        %dma_start3A_49 = arith.constant 0 : i32
        %dma_start3A_50 = arith.constant 0 : i32
        %dma_start3A_51 = tpu.memref_slice %arg10[%dma_start3A_49, %dma_start3A_50] : memref<10112x128xf32, #tpu.memory_space<vmem_shared>> -> memref<10112x128xf32, #tpu.memory_space<vmem_shared>>
        tpu.enqueue_indirect_dma source(%arg8 : memref<128x128xf32, #tpu.memory_space<vmem>>) target(%dma_start3A_51 : memref<10112x128xf32, #tpu.memory_space<vmem_shared>>) offsets(%arg7 : memref<128xi32, #tpu.memory_space<vmem>>) semaphore(%run_scoped3A : memref<!tpu.dma_semaphore, #tpu.memory_space<semaphore_mem>>) {add = true}
        %dma_wait3A_52 = arith.constant 0 : i32
        %dma_wait3A_53 = arith.constant 0 : i32
        %dma_wait3A_54 = tpu.memref_slice %arg10[%dma_wait3A_52, %dma_wait3A_53] : memref<10112x128xf32, #tpu.memory_space<vmem_shared>> -> memref<10112x128xf32, #tpu.memory_space<vmem_shared>>
        tpu.wait_indirect_dma semaphore(%run_scoped3A : memref<!tpu.dma_semaphore, #tpu.memory_space<semaphore_mem>>) src(%arg8 : memref<128x128xf32, #tpu.memory_space<vmem>>) dst(%dma_wait3A_54 : memref<10112x128xf32, #tpu.memory_space<vmem_shared>>)
        tpu.yield
      }) : () -> ()
      %scan3A_48 = arith.constant 0 : i32
      scf.yield %scan3A_48 : i32
    }
    %scan3A_35 = arith.constant 80 : i32
    %barrier3A_36 = arith.constant 0 : index
    tpu.barrier barrier_id(%barrier3A_36)
    %mul3A_37 = arith.constant 632 : i32
    %mul3A_38 = arith.muli %arg1, %mul3A_37 : i32
    %mul3A_39 = arith.constant 632 : i32
    %mul3A_40 = arith.muli %arg1, %mul3A_39 : i32
    "tpu.region"() ({
      %run_scoped3A = tpu.sem_alloc : memref<!tpu.dma_semaphore, #tpu.memory_space<semaphore_mem>>
      %dma_start3A = arith.constant 0 : i32
      %dma_start3A_41 = tpu.memref_slice %arg5[%arg0, %mul3A_40, %dma_start3A] : memref<2x10112x128xf32, #tpu.memory_space<hbm>> -> memref<1x632x128xf32, #tpu.memory_space<hbm>>
      %dma_start3A_42 = tpu.memref_squeeze %dma_start3A_41 : memref<1x632x128xf32, #tpu.memory_space<hbm>> -> memref<632x128xf32, #tpu.memory_space<hbm>>
      %dma_start3A_43 = arith.constant 0 : i32
      %dma_start3A_44 = tpu.memref_slice %arg10[%mul3A_38, %dma_start3A_43] : memref<10112x128xf32, #tpu.memory_space<vmem_shared>> -> memref<632x128xf32, #tpu.memory_space<vmem_shared>>
      tpu.enqueue_dma source(%dma_start3A_44 : memref<632x128xf32, #tpu.memory_space<vmem_shared>>) target(%dma_start3A_42 : memref<632x128xf32, #tpu.memory_space<hbm>>) target_semaphore(%run_scoped3A : memref<!tpu.dma_semaphore, #tpu.memory_space<semaphore_mem>>)
      %dma_wait3A = arith.constant 0 : i32
      %dma_wait3A_45 = tpu.memref_slice %arg5[%arg0, %mul3A_40, %dma_wait3A] : memref<2x10112x128xf32, #tpu.memory_space<hbm>> -> memref<1x632x128xf32, #tpu.memory_space<hbm>>
      %dma_wait3A_46 = tpu.memref_squeeze %dma_wait3A_45 : memref<1x632x128xf32, #tpu.memory_space<hbm>> -> memref<632x128xf32, #tpu.memory_space<hbm>>
      %dma_wait3A_47 = arith.constant 0 : i32
      %dma_wait3A_48 = tpu.memref_slice %arg10[%mul3A_38, %dma_wait3A_47] : memref<10112x128xf32, #tpu.memory_space<vmem_shared>> -> memref<632x128xf32, #tpu.memory_space<vmem_shared>>
      tpu.wait_dma2 semaphore(%run_scoped3A : memref<!tpu.dma_semaphore, #tpu.memory_space<semaphore_mem>>) src(%dma_wait3A_48 : memref<632x128xf32, #tpu.memory_space<vmem_shared>>) dst(%dma_wait3A_46 : memref<632x128xf32, #tpu.memory_space<hbm>>)
      tpu.yield
    }) : () -> ()
    return
  }
}

module attributes {stable_mosaic.version = 14 : i64} {
  func.func @_colp_body(%arg0: memref<2560x128xi32, #tpu.memory_space<vmem>>, %arg1: memref<2560x128xi32, #tpu.memory_space<vmem>>, %arg2: memref<2560x128xi32, #tpu.memory_space<vmem>>) attributes {dimension_semantics = [], scalar_prefetch = 0 : i64, scratch_operands = 0 : i64, tpu.core_type = #tpu.core_type<tc>} {
    %get3A = arith.constant 0 : index
    %get3A_0 = arith.constant 0 : index
    %get3A_1 = vector.load %arg0[%get3A, %get3A_0] : memref<2560x128xi32, #tpu.memory_space<vmem>>, vector<2560x128xi32>
    %get3A_2 = arith.constant 0 : index
    %get3A_3 = arith.constant 0 : index
    %get3A_4 = vector.load %arg1[%get3A_2, %get3A_3] : memref<2560x128xi32, #tpu.memory_space<vmem>>, vector<2560x128xi32>
    %eq3A = arith.cmpi eq, %get3A_1, %get3A_4 : vector<2560x128xi32>
    %jit3A = arith.constant 10000 : i32
    %broadcast_in_dim3A = vector.broadcast %jit3A : i32 to vector<2560x128xi32>
    %select_n3A = arith.select %eq3A, %broadcast_in_dim3A, %get3A_4 : vector<2560x128xi1>, vector<2560x128xi32>
    %swap3A = arith.constant 0 : index
    %swap3A_5 = arith.constant 0 : index
    %swap3A_6 = vector.load %arg2[%swap3A, %swap3A_5] : memref<2560x128xi32, #tpu.memory_space<vmem>>, vector<2560x128xi32>
    tpu.vector_store %arg2[%swap3A, %swap3A_5], %select_n3A {strides = array<i32>} : memref<2560x128xi32, #tpu.memory_space<vmem>>, vector<2560x128xi32>,
    return
  }
}

module attributes {stable_mosaic.version = 14 : i64} {
  func.func @_proj_body(%arg0: i32, %arg1: memref<512x128xf32, #tpu.memory_space<vmem>>, %arg2: memref<128x128xf32, #tpu.memory_space<vmem>>, %arg3: memref<1x128xf32, #tpu.memory_space<vmem>>, %arg4: memref<512x128xf32, #tpu.memory_space<vmem>>) attributes {dimension_semantics = [#tpu.dimension_semantics<arbitrary>], iteration_bounds = array<i64: 20>, scalar_prefetch = 0 : i64, scratch_operands = 0 : i64, tpu.core_type = #tpu.core_type<tc>, window_params = [{transform_indices = @transform_0, window_bounds = array<i64: 512, 128>}, {pipeline_mode = #tpu.pipeline_mode<synchronous>, transform_indices = @transform_1, window_bounds = array<i64: 128, 128>}, {pipeline_mode = #tpu.pipeline_mode<synchronous>, transform_indices = @transform_2, window_bounds = array<i64: 1, 128>}, {transform_indices = @transform_3, window_bounds = array<i64: 512, 128>}]} {
    %get3A = arith.constant 0 : index
    %get3A_0 = arith.constant 0 : index
    %get3A_1 = vector.load %arg1[%get3A, %get3A_0] : memref<512x128xf32, #tpu.memory_space<vmem>>, vector<512x128xf32>
    %get3A_2 = arith.constant 0 : index
    %get3A_3 = arith.constant 0 : index
    %get3A_4 = vector.load %arg2[%get3A_2, %get3A_3] : memref<128x128xf32, #tpu.memory_space<vmem>>, vector<128x128xf32>
    %dot_general3A = arith.constant dense<0.000000e+00> : vector<512x128xf32>
    %dot_general3A_5 = tpu.matmul %get3A_1, %get3A_4, %dot_general3A {dimension_numbers = #tpu.dot_dimension_numbers<[1], [1], [0], [0], [0, 0, 1, 0], [], []>, transpose_lhs_hint = false} : vector<512x128xf32>, vector<128x128xf32>, vector<512x128xf32> -> vector<512x128xf32>
    %get3A_6 = arith.constant 0 : index
    %get3A_7 = arith.constant 0 : index
    %get3A_8 = vector.load %arg3[%get3A_6, %get3A_7] : memref<1x128xf32, #tpu.memory_space<vmem>>, vector<1x128xf32>
    %add3A = vector.broadcast %get3A_8 : vector<1x128xf32> to vector<512x128xf32>
    %add3A_9 = arith.addf %dot_general3A_5, %add3A : vector<512x128xf32>
    %swap3A = arith.constant 0 : index
    %swap3A_10 = arith.constant 0 : index
    %swap3A_11 = vector.load %arg4[%swap3A, %swap3A_10] : memref<512x128xf32, #tpu.memory_space<vmem>>, vector<512x128xf32>
    tpu.vector_store %arg4[%swap3A, %swap3A_10], %add3A_9 {strides = array<i32>} : memref<512x128xf32, #tpu.memory_space<vmem>>, vector<512x128xf32>,
    return
  }
  func.func @transform_0(%arg0: i32) -> (i32, i32) {
    %c0_i32 = arith.constant 0 : i32
    %c0_i32_0 = arith.constant 0 : i32
    return %arg0, %c0_i32 : i32, i32
  }
  func.func @transform_1(%arg0: i32) -> (i32, i32) {
    %c0_i32 = arith.constant 0 : i32
    %c0_i32_0 = arith.constant 0 : i32
    %c0_i32_1 = arith.constant 0 : i32
    return %c0_i32, %c0_i32_0 : i32, i32
  }
  func.func @transform_2(%arg0: i32) -> (i32, i32) {
    %c0_i32 = arith.constant 0 : i32
    %c0_i32_0 = arith.constant 0 : i32
    %c0_i32_1 = arith.constant 0 : i32
    return %c0_i32, %c0_i32_0 : i32, i32
  }
  func.func @transform_3(%arg0: i32) -> (i32, i32) {
    %c0_i32 = arith.constant 0 : i32
    %c0_i32_0 = arith.constant 0 : i32
    return %arg0, %c0_i32 : i32, i32
  }
}

module attributes {stable_mosaic.version = 14 : i64} {
  func.func @_mm4_body(%arg0: i32, %arg1: memref<512x128xf32, #tpu.memory_space<vmem>>, %arg2: memref<512x1xf32, #tpu.memory_space<vmem>>, %arg3: memref<64x128xf32, #tpu.memory_space<vmem>>, %arg4: memref<1x64xf32, #tpu.memory_space<vmem>>, %arg5: memref<1x128xf32, #tpu.memory_space<vmem>>, %arg6: memref<128x128xf32, #tpu.memory_space<vmem>>, %arg7: memref<128x128xf32, #tpu.memory_space<vmem>>, %arg8: memref<1x128xf32, #tpu.memory_space<vmem>>, %arg9: memref<512x64xf32, #tpu.memory_space<vmem>>, %arg10: memref<512x1xf32, #tpu.memory_space<vmem>>, %arg11: memref<512x128xf32, #tpu.memory_space<vmem>>, %arg12: memref<512x128xf32, #tpu.memory_space<vmem>>) attributes {dimension_semantics = [#tpu.dimension_semantics<arbitrary>], iteration_bounds = array<i64: 20>, scalar_prefetch = 0 : i64, scratch_operands = 0 : i64, tpu.core_type = #tpu.core_type<tc>, window_params = [{transform_indices = @transform_0, window_bounds = array<i64: 512, 128>}, {transform_indices = @transform_1, window_bounds = array<i64: 512, 1>}, {pipeline_mode = #tpu.pipeline_mode<synchronous>, transform_indices = @transform_2, window_bounds = array<i64: 64, 128>}, {pipeline_mode = #tpu.pipeline_mode<synchronous>, transform_indices = @transform_3, window_bounds = array<i64: 1, 64>}, {pipeline_mode = #tpu.pipeline_mode<synchronous>, transform_indices = @transform_4, window_bounds = array<i64: 1, 128>}, {pipeline_mode = #tpu.pipeline_mode<synchronous>, transform_indices = @transform_5, window_bounds = array<i64: 128, 128>}, {pipeline_mode = #tpu.pipeline_mode<synchronous>, transform_indices = @transform_6, window_bounds = array<i64: 128, 128>}, {pipeline_mode = #tpu.pipeline_mode<synchronous>, transform_indices = @transform_7, window_bounds = array<i64: 1, 128>}, {transform_indices = @transform_8, window_bounds = array<i64: 512, 64>}, {transform_indices = @transform_9, window_bounds = array<i64: 512, 1>}, {transform_indices = @transform_10, window_bounds = array<i64: 512, 128>}, {transform_indices = @transform_11, window_bounds = array<i64: 512, 128>}]} {
    %get3A = arith.constant 0 : index
    %get3A_0 = arith.constant 0 : index
    %get3A_1 = vector.load %arg1[%get3A, %get3A_0] : memref<512x128xf32, #tpu.memory_space<vmem>>, vector<512x128xf32>
    %get3A_2 = arith.constant 0 : index
    %get3A_3 = arith.constant 0 : index
    %get3A_4 = vector.load %arg3[%get3A_2, %get3A_3] : memref<64x128xf32, #tpu.memory_space<vmem>>, vector<64x128xf32>
    %dot_general3A = arith.constant dense<0.000000e+00> : vector<512x64xf32>
    %dot_general3A_5 = tpu.matmul %get3A_1, %get3A_4, %dot_general3A {dimension_numbers = #tpu.dot_dimension_numbers<[1], [1], [0], [0], [0, 0, 1, 0], [], []>, transpose_lhs_hint = false} : vector<512x128xf32>, vector<64x128xf32>, vector<512x64xf32> -> vector<512x64xf32>
    %get3A_6 = arith.constant 0 : index
    %get3A_7 = arith.constant 0 : index
    %get3A_8 = vector.load %arg4[%get3A_6, %get3A_7] : memref<1x64xf32, #tpu.memory_space<vmem>>, vector<1x64xf32>
    %add3A = vector.broadcast %get3A_8 : vector<1x64xf32> to vector<512x64xf32>
    %add3A_9 = arith.addf %dot_general3A_5, %add3A : vector<512x64xf32>
    %swap3A = arith.constant 0 : index
    %swap3A_10 = arith.constant 0 : index
    %swap3A_11 = vector.load %arg9[%swap3A, %swap3A_10] : memref<512x64xf32, #tpu.memory_space<vmem>>, vector<512x64xf32>
    tpu.vector_store %arg9[%swap3A, %swap3A_10], %add3A_9 {strides = array<i32>} : memref<512x64xf32, #tpu.memory_space<vmem>>, vector<512x64xf32>,
    %get3A_12 = arith.constant 0 : index
    %get3A_13 = arith.constant 0 : index
    %get3A_14 = vector.load %arg5[%get3A_12, %get3A_13] : memref<1x128xf32, #tpu.memory_space<vmem>>, vector<1x128xf32>
    %dot_general3A_15 = arith.constant dense<0.000000e+00> : vector<512x1xf32>
    %dot_general3A_16 = tpu.matmul %get3A_1, %get3A_14, %dot_general3A_15 {dimension_numbers = #tpu.dot_dimension_numbers<[1], [1], [0], [0], [0, 0, 1, 0], [], []>, transpose_lhs_hint = false} : vector<512x128xf32>, vector<1x128xf32>, vector<512x1xf32> -> vector<512x1xf32>
    %swap3A_17 = arith.constant 0 : index
    %swap3A_18 = arith.constant 0 : index
    %swap3A_19 = vector.load %arg10[%swap3A_17, %swap3A_18] : memref<512x1xf32, #tpu.memory_space<vmem>>, vector<512x1xf32>
    tpu.vector_store %arg10[%swap3A_17, %swap3A_18], %dot_general3A_16 {strides = array<i32>} : memref<512x1xf32, #tpu.memory_space<vmem>>, vector<512x1xf32>,
    %get3A_20 = arith.constant 0 : index
    %get3A_21 = arith.constant 0 : index
    %get3A_22 = vector.load %arg6[%get3A_20, %get3A_21] : memref<128x128xf32, #tpu.memory_space<vmem>>, vector<128x128xf32>
    %dot_general3A_23 = arith.constant dense<0.000000e+00> : vector<512x128xf32>
    %dot_general3A_24 = tpu.matmul %get3A_1, %get3A_22, %dot_general3A_23 {dimension_numbers = #tpu.dot_dimension_numbers<[1], [1], [0], [0], [0, 0, 1, 0], [], []>, transpose_lhs_hint = false} : vector<512x128xf32>, vector<128x128xf32>, vector<512x128xf32> -> vector<512x128xf32>
    %get3A_25 = arith.constant 0 : index
    %get3A_26 = arith.constant 0 : index
    %get3A_27 = vector.load %arg2[%get3A_25, %get3A_26] : memref<512x1xf32, #tpu.memory_space<vmem>>, vector<512x1xf32>
    %mul3A = vector.broadcast %get3A_27 : vector<512x1xf32> to vector<512x128xf32>
    %mul3A_28 = arith.mulf %dot_general3A_24, %mul3A : vector<512x128xf32>
    %swap3A_29 = arith.constant 0 : index
    %swap3A_30 = arith.constant 0 : index
    %swap3A_31 = vector.load %arg11[%swap3A_29, %swap3A_30] : memref<512x128xf32, #tpu.memory_space<vmem>>, vector<512x128xf32>
    tpu.vector_store %arg11[%swap3A_29, %swap3A_30], %mul3A_28 {strides = array<i32>} : memref<512x128xf32, #tpu.memory_space<vmem>>, vector<512x128xf32>,
    %get3A_32 = arith.constant 0 : index
    %get3A_33 = arith.constant 0 : index
    %get3A_34 = vector.load %arg7[%get3A_32, %get3A_33] : memref<128x128xf32, #tpu.memory_space<vmem>>, vector<128x128xf32>
    %dot_general3A_35 = arith.constant dense<0.000000e+00> : vector<512x128xf32>
    %dot_general3A_36 = tpu.matmul %get3A_1, %get3A_34, %dot_general3A_35 {dimension_numbers = #tpu.dot_dimension_numbers<[1], [1], [0], [0], [0, 0, 1, 0], [], []>, transpose_lhs_hint = false} : vector<512x128xf32>, vector<128x128xf32>, vector<512x128xf32> -> vector<512x128xf32>
    %get3A_37 = arith.constant 0 : index
    %get3A_38 = arith.constant 0 : index
    %get3A_39 = vector.load %arg8[%get3A_37, %get3A_38] : memref<1x128xf32, #tpu.memory_space<vmem>>, vector<1x128xf32>
    %add3A_40 = vector.broadcast %get3A_39 : vector<1x128xf32> to vector<512x128xf32>
    %add3A_41 = arith.addf %dot_general3A_36, %add3A_40 : vector<512x128xf32>
    %swap3A_42 = arith.constant 0 : index
    %swap3A_43 = arith.constant 0 : index
    %swap3A_44 = vector.load %arg12[%swap3A_42, %swap3A_43] : memref<512x128xf32, #tpu.memory_space<vmem>>, vector<512x128xf32>
    tpu.vector_store %arg12[%swap3A_42, %swap3A_43], %add3A_41 {strides = array<i32>} : memref<512x128xf32, #tpu.memory_space<vmem>>, vector<512x128xf32>,
    return
  }
  func.func @transform_0(%arg0: i32) -> (i32, i32) {
    %c0_i32 = arith.constant 0 : i32
    %c0_i32_0 = arith.constant 0 : i32
    return %arg0, %c0_i32 : i32, i32
  }
  func.func @transform_1(%arg0: i32) -> (i32, i32) {
    %c0_i32 = arith.constant 0 : i32
    %c0_i32_0 = arith.constant 0 : i32
    return %arg0, %c0_i32 : i32, i32
  }
  func.func @transform_2(%arg0: i32) -> (i32, i32) {
    %c0_i32 = arith.constant 0 : i32
    %c0_i32_0 = arith.constant 0 : i32
    %c0_i32_1 = arith.constant 0 : i32
    return %c0_i32, %c0_i32_0 : i32, i32
  }
  func.func @transform_3(%arg0: i32) -> (i32, i32) {
    %c0_i32 = arith.constant 0 : i32
    %c0_i32_0 = arith.constant 0 : i32
    %c0_i32_1 = arith.constant 0 : i32
    return %c0_i32, %c0_i32_0 : i32, i32
  }
  func.func @transform_4(%arg0: i32) -> (i32, i32) {
    %c0_i32 = arith.constant 0 : i32
    %c0_i32_0 = arith.constant 0 : i32
    %c0_i32_1 = arith.constant 0 : i32
    return %c0_i32, %c0_i32_0 : i32, i32
  }
  func.func @transform_5(%arg0: i32) -> (i32, i32) {
    %c0_i32 = arith.constant 0 : i32
    %c0_i32_0 = arith.constant 0 : i32
    %c0_i32_1 = arith.constant 0 : i32
    return %c0_i32, %c0_i32_0 : i32, i32
  }
  func.func @transform_6(%arg0: i32) -> (i32, i32) {
    %c0_i32 = arith.constant 0 : i32
    %c0_i32_0 = arith.constant 0 : i32
    %c0_i32_1 = arith.constant 0 : i32
    return %c0_i32, %c0_i32_0 : i32, i32
  }
  func.func @transform_7(%arg0: i32) -> (i32, i32) {
    %c0_i32 = arith.constant 0 : i32
    %c0_i32_0 = arith.constant 0 : i32
    %c0_i32_1 = arith.constant 0 : i32
    return %c0_i32, %c0_i32_0 : i32, i32
  }
  func.func @transform_8(%arg0: i32) -> (i32, i32) {
    %c0_i32 = arith.constant 0 : i32
    %c0_i32_0 = arith.constant 0 : i32
    return %arg0, %c0_i32 : i32, i32
  }
  func.func @transform_9(%arg0: i32) -> (i32, i32) {
    %c0_i32 = arith.constant 0 : i32
    %c0_i32_0 = arith.constant 0 : i32
    return %arg0, %c0_i32 : i32, i32
  }
  func.func @transform_10(%arg0: i32) -> (i32, i32) {
    %c0_i32 = arith.constant 0 : i32
    %c0_i32_0 = arith.constant 0 : i32
    return %arg0, %c0_i32 : i32, i32
  }
  func.func @transform_11(%arg0: i32) -> (i32, i32) {
    %c0_i32 = arith.constant 0 : i32
    %c0_i32_0 = arith.constant 0 : i32
    return %arg0, %c0_i32 : i32, i32
  }
}

module attributes {stable_mosaic.version = 14 : i64} {
  func.func @_logits_body(%arg0: i32, %arg1: memref<512x64xf32, #tpu.memory_space<vmem>>, %arg2: memref<2x64xf32, #tpu.memory_space<vmem>>, %arg3: memref<1x2xf32, #tpu.memory_space<vmem>>, %arg4: memref<512x2xf32, #tpu.memory_space<vmem>>) attributes {dimension_semantics = [#tpu.dimension_semantics<arbitrary>], iteration_bounds = array<i64: 20>, scalar_prefetch = 0 : i64, scratch_operands = 0 : i64, tpu.core_type = #tpu.core_type<tc>, window_params = [{transform_indices = @transform_0, window_bounds = array<i64: 512, 64>}, {pipeline_mode = #tpu.pipeline_mode<synchronous>, transform_indices = @transform_1, window_bounds = array<i64: 2, 64>}, {pipeline_mode = #tpu.pipeline_mode<synchronous>, transform_indices = @transform_2, window_bounds = array<i64: 1, 2>}, {transform_indices = @transform_3, window_bounds = array<i64: 512, 2>}]} {
    %get3A = arith.constant 0 : index
    %get3A_0 = arith.constant 0 : index
    %get3A_1 = vector.load %arg1[%get3A, %get3A_0] : memref<512x64xf32, #tpu.memory_space<vmem>>, vector<512x64xf32>
    %get3A_2 = arith.constant 0 : index
    %get3A_3 = arith.constant 0 : index
    %get3A_4 = vector.load %arg2[%get3A_2, %get3A_3] : memref<2x64xf32, #tpu.memory_space<vmem>>, vector<2x64xf32>
    %dot_general3A = arith.constant dense<0.000000e+00> : vector<512x2xf32>
    %dot_general3A_5 = tpu.matmul %get3A_1, %get3A_4, %dot_general3A {dimension_numbers = #tpu.dot_dimension_numbers<[1], [1], [0], [0], [0, 0, 1, 0], [], []>, transpose_lhs_hint = false} : vector<512x64xf32>, vector<2x64xf32>, vector<512x2xf32> -> vector<512x2xf32>
    %get3A_6 = arith.constant 0 : index
    %get3A_7 = arith.constant 0 : index
    %get3A_8 = vector.load %arg3[%get3A_6, %get3A_7] : memref<1x2xf32, #tpu.memory_space<vmem>>, vector<1x2xf32>
    %add3A = vector.broadcast %get3A_8 : vector<1x2xf32> to vector<512x2xf32>
    %add3A_9 = arith.addf %dot_general3A_5, %add3A : vector<512x2xf32>
    %swap3A = arith.constant 0 : index
    %swap3A_10 = arith.constant 0 : index
    %swap3A_11 = vector.load %arg4[%swap3A, %swap3A_10] : memref<512x2xf32, #tpu.memory_space<vmem>>, vector<512x2xf32>
    tpu.vector_store %arg4[%swap3A, %swap3A_10], %add3A_9 {strides = array<i32>} : memref<512x2xf32, #tpu.memory_space<vmem>>, vector<512x2xf32>,
    return
  }
  func.func @transform_0(%arg0: i32) -> (i32, i32) {
    %c0_i32 = arith.constant 0 : i32
    %c0_i32_0 = arith.constant 0 : i32
    return %arg0, %c0_i32 : i32, i32
  }
  func.func @transform_1(%arg0: i32) -> (i32, i32) {
    %c0_i32 = arith.constant 0 : i32
    %c0_i32_0 = arith.constant 0 : i32
    %c0_i32_1 = arith.constant 0 : i32
    return %c0_i32, %c0_i32_0 : i32, i32
  }
  func.func @transform_2(%arg0: i32) -> (i32, i32) {
    %c0_i32 = arith.constant 0 : i32
    %c0_i32_0 = arith.constant 0 : i32
    %c0_i32_1 = arith.constant 0 : i32
    return %c0_i32, %c0_i32_0 : i32, i32
  }
  func.func @transform_3(%arg0: i32) -> (i32, i32) {
    %c0_i32 = arith.constant 0 : i32
    %c0_i32_0 = arith.constant 0 : i32
    return %arg0, %c0_i32 : i32, i32
  }
}

</mosaic_0001>

<sc_bundles>
// kernel: kernel.19.cloned.1.call-start
scs
__scs_entry_jumppad:
0x0: {  	(pc) =	sbr.rel $0x88, $3  }
0x1: {  	(tag) =	ssettag $0x0;
	lr =	simm.s32 $0x1  }
0x2: {  	[smem:$0x3F93] =	sst lr;
	_ =	strace $0xD0000000  }
0x3: {  	_ = 	snop  }
0x4: {  	_ = 	snop  }
0x5: {  	_ = 	snop  }
0x6: {  	_ = 	snop  }
0x7: {  	_ = 	snop  }
__scs_overlays_trampoline_lowered:
0x8: {  	[smem:$0x3FA2] =	sst s0  }
0x9: {  	[smem:$0x3FA3] =	sst s1  }
0xa: {  	[smem:$0x3FA4] =	sst s2  }
0xb: {  	[smem:$0x3FA5] =	sst s3  }
0xc: {  	[smem:$0x3FA6] =	sst s4  }
0xd: {  	[smem:$0x3FA7] =	sst s5  }
0xe: {  	[smem:$0x3FA8] =	sst s6  }
0xf: {  	[smem:$0x3FA9] =	sst s7  }
0x10: {  	[smem:$0x3FAA] =	sst s8  }
0x11: {  	[smem:$0x3FAB] =	sst s9;
	s0 =	simm.s32 @!p0 $0x0  }
0x12: {  	s1 =	sld [smem:$0x3F91];
	s0 =	simm.s32 @p0 $0x1  }
0x13: {  	[smem:$0x3FAC] =	sst s0;
	s0 =	simm.s32 @!p1 $0x0  }
0x14: {  	s2 =	sld [smem:$0x3F90];
	s0 =	simm.s32 @p1 $0x1  }
0x15: {  	[smem:$0x3FAD] =	sst s0;
	s0 =	simm.s32 @!p2 $0x0  }
0x16: {  	s3 =	sld [smem:$0x3FDB];
	s0 =	simm.s32 @p2 $0x1  }
0x17: {  	s4 =	simm.s32 $0x1BF5;
	[smem:$0x3FAF] =	sst s0  }
0x18: {  	s0 =	sld [smem:$0x3F92];
	_ =	swait.ge [sflag:s4], $0x0  }
0x19: {  	s7 =	sld [smem:$0x3F93]  }
0x1a: {  	s8 =	sadd.s32 $0xFFFFE003, lr  }
0x1b: {  	s9 =	sadd.s32 $0xFFFFFEF7, lr;
	s5 =	simm.s32 $0xFFFFFFFF;
	p2 =	slt.u32 s8, $0xFFFFF086  }
0x1c: {  	p1 =	slt.u32 s9, $0xF7A;
	s5 =	simm.s32 @!p2 $0x0  }
0x1d: {  	s5 =	simm.s32 @p1 $0x1;
	p0 =	seq.s32 s7, s2  }
0x1e: {  	s7 =	smul.u32 @!p0 $0xF7A, s2;
	p2 =	seq.s32 @!p0 s5, $0x0  }
0x1f: {  	s9 =	smul.u32 $0xF7A, s1;
	s8 =	simm.s32 @!p0 $0x1BF5;
	p2 =	por !p2, p0  }
0x20: {  	[sflag:s8] =	ssyncset.s32 @!p0 $0xFFFFF086;
	s6 =	sadd.s32 @!p0 s3, s7;
	s7 =	simm.s32 @!p0 $0x108  }
0x21: {  	s3 =	sadd.s32 s3, s9;
	s6 =	sadd.s32 @!p0 $0x88, s6;
	s7 =	simm.s32 @p2 $0x1082  }
0x22: {  	[simem:s7], [sflag:s8] =	dma.local @!p0 [hbm:s6], $0xF7A  }
0x23: {  	s9 =	sor.u32 $0xD0000000, s2;
	s6 =	simm.s32 $0x108;
	_ =	swait.ge @!p0 [sflag:s8], $0x0  }
0x24: {  	s3 =	sadd.s32 $0x88, s3;
	s6 =	simm.s32 @!p1 $0x1082;
	[sflag:s4] =	ssyncset.s32 $0xFFFFF086  }
0x25: {  	[simem:s6], [sflag:s4] =	dma.local [hbm:s3], $0xF7A  }
0x26: {  	[smem:$0x3F93] =	sst s1;
	(tag) =	ssettag s2;
	_ =	strace s9  }
0x27: {  	s1 =	sld [smem:$0x3FA3]  }
0x28: {  	s2 =	sld [smem:$0x3FA4]  }
0x29: {  	s4 =	sld [smem:$0x3FA6]  }
0x2a: {  	p0 =	seq.s32 s5, $0x0;
	s5 =	sld [smem:$0x3FA7]  }
0x2b: {  	s6 =	sld [smem:$0x3FA8]  }
0x2c: {  	s7 =	sld [smem:$0x3FA9]  }
0x2d: {  	s3 =	simm.s32 $0x108;
	s8 =	sld [smem:$0x3FAA]  }
0x2e: {  	s3 =	simm.s32 @!p0 $0x1082;
	s9 =	sld [smem:$0x3FAB]  }
0x2f: {  	lr =	sadd.s32 s0, s3;
	s0 =	sld [smem:$0x3FA2]  }
0x30: {  	s3 =	sld [smem:$0x3FA5]  }
0x31: {  	[smem:$0x3FAE] =	sst s10  }
0x32: {  	s10 =	sld [smem:$0x3FAC];
	_ =	sdelay $0x3  }
0x33: {  	p0 =	seq.s32 s10, $0x1;
	s10 =	sld [smem:$0x3FAE];
	_ =	sdelay $0x3  }
0x34: {  	[smem:$0x3FAE] =	sst s10  }
0x35: {  	s10 =	sld [smem:$0x3FAD];
	_ =	sdelay $0x3  }
0x36: {  	p1 =	seq.s32 s10, $0x1;
	s10 =	sld [smem:$0x3FAE];
	_ =	sdelay $0x3  }
0x37: {  	[smem:$0x3FAE] =	sst s10  }
0x38: {  	s10 =	sld [smem:$0x3FAF]  }
0x39: {  	_ = 	snop;
	(pc) =	sbr.ind lr, $3  }
0x3a: {  	_ = 	snop  }
0x3b: {  	_ = 	snop  }
0x3c: {  	p2 =	seq.s32 s10, $0x1;
	s10 =	sld [smem:$0x3FAE]  }
0x3d: {  	_ =	shalt  }
0x3e: {  	_ =	shalt  }
0x3f: {  	_ =	shalt  }
0x40: {  	_ =	shalt  }
0x41: {  	_ =	shalt  }
0x42: {  	_ =	shalt  }
0x43: {  	_ =	shalt  }
0x44: {  	_ =	shalt  }
0x45: {  	_ =	shalt  }
0x46: {  	_ =	shalt  }
0x47: {  	_ =	shalt  }
0x48: {  	_ =	shalt  }
0x49: {  	_ =	shalt  }
0x4a: {  	_ =	shalt  }
0x4b: {  	_ =	shalt  }
0x4c: {  	_ =	shalt  }
0x4d: {  	_ =	shalt  }
0x4e: {  	_ =	shalt  }
0x4f: {  	_ =	shalt  }
0x50: {  	_ =	shalt  }
0x51: {  	_ =	shalt  }
0x52: {  	_ =	shalt  }
0x53: {  	_ =	shalt  }
0x54: {  	_ =	shalt  }
0x55: {  	_ =	shalt  }
0x56: {  	_ =	shalt  }
0x57: {  	_ =	shalt  }
0x58: {  	_ =	shalt  }
0x59: {  	_ =	shalt  }
0x5a: {  	_ =	shalt  }
0x5b: {  	_ =	shalt  }
0x5c: {  	_ =	shalt  }
0x5d: {  	_ =	shalt  }
0x5e: {  	_ =	shalt  }
0x5f: {  	_ =	shalt  }
0x60: {  	_ =	shalt  }
0x61: {  	_ =	shalt  }
0x62: {  	_ =	shalt  }
0x63: {  	_ =	shalt  }
0x64: {  	_ =	shalt  }
0x65: {  	_ =	shalt  }
0x66: {  	_ =	shalt  }
0x67: {  	_ =	shalt  }
0x68: {  	_ =	shalt  }
0x69: {  	_ =	shalt  }
0x6a: {  	_ =	shalt  }
0x6b: {  	_ =	shalt  }
0x6c: {  	_ =	shalt  }
0x6d: {  	_ =	shalt  }
0x6e: {  	_ =	shalt  }
0x6f: {  	_ =	shalt  }
0x70: {  	_ =	shalt  }
0x71: {  	_ =	shalt  }
0x72: {  	_ =	shalt  }
0x73: {  	_ =	shalt  }
0x74: {  	_ =	shalt  }
0x75: {  	_ =	shalt  }
0x76: {  	_ =	shalt  }
0x77: {  	_ =	shalt  }
0x78: {  	_ =	shalt  }
0x79: {  	_ =	shalt  }
0x7a: {  	_ =	shalt  }
0x7b: {  	_ =	shalt  }
0x7c: {  	_ =	shalt  }
0x7d: {  	_ =	shalt  }
0x7e: {  	_ =	shalt  }
0x7f: {  	_ =	shalt  }
0x80: {  	_ =	shalt  }
0x81: {  	_ =	shalt  }
0x82: {  	_ =	shalt  }
0x83: {  	_ =	shalt  }
0x84: {  	_ =	shalt  }
0x85: {  	_ =	shalt  }
0x86: {  	_ =	shalt  }
0x87: {  	_ =	shalt  }
.Lfunc_end0:
.L_simem_size_0:
called_computation_lowered:
.L_overlay_start_0:
0x88: {  	s2 =	sld [smem:$0x3FD9]  }
0x89: {  	s3 =	sld [smem:$0x3FFE];
	_ =	sdelay $0x1  }
0x8a: {  	s1 =	srdreg.scid  }
0x8b: {  	s0 =	sand.u32 $0x1, s1  }
0x8c: {  	s16 =	sshll.u32 s0, $0xA;
	s2 =	sadd.s32 s3, s2  }
0x8d: {  	s2 =	sadd.s32 s2, s16  }
0x8e: {  	[smem:$0x3FBA] =	sst s2  }
0x8f: {  	_ = 	snop  }
0x90: {  	(tm) =	ssettm $0x1  }
0x91: {  	s17 =	sld [smem:$0x3FFB];
	_ =	sdelay $0x3  }
0x92: {  	_ =	strace s17  }
0x93: {  	s2 =	sld [smem:$0x3FFC];
	_ =	sdelay $0x3  }
0x94: {  	_ =	strace s2  }
0x95: {  	s2 =	sld [smem:$0x3FFD];
	_ =	sdelay $0x3  }
0x96: {  	_ =	strace s2  }
0x97: {  	_ =	strace $0x8FFFFFFF  }
0x98: {  	s18 =	sld [smem:$0x3FDB];
	_ =	sdelay $0x1  }
0x99: {  	s19 =	simm.s32 $_scs_section_size  }
0x9a: {  	s4 =	simm.s32 $_size__tile_overlayer_lowered;
	s5 =	simm.s32 $_tile_overlayer_lowered  }
0x9b: {  	s22 =	simm.s32 $0x1BFF;
	s21 =	sshll.u32 s5, $0x1;
	s2 =	sadd.s32 s19, s18  }
0x9c: {  	s6 =	simm.s32 $0x0;
	s20 =	sshll.u32 s4, $0x1;
	s4 =	sadd.s32 s21, s2  }
0x9d: {  	[timem:s6], [sflag:s22] =	dma.local [hbm:s4], s20  }
0x9e: {  	_ =	swait.ge [sflag:s22], s20  }
0x9f: {  	s3 =	ssub.s32 $0x0, s20;
	[sflag:s22] =	ssyncset.done $0x0  }
0xa0: {  	[sflag:s22] =	ssyncadd.s32 s3;
	_ =	sdelay $0x1  }
0xa1: {  	s23 =	simm.s32 $0x1B8B  }
0xa2: {  	_ =	swait.ge [sflag:s23], $0x1  }
0xa3: {  	[sflag:s23] =	ssyncset.done $0x0  }
0xa4: {  	s25 =	simm.s32 $0x1B8E;
	s24 =	sld [smem:$0x3FFE];
	[sflag:s23] =	ssyncadd.s32 $0xFFFFFFFF  }
0xa5: {  	s26 =	simm.s32 $execute0_lowered;
	[smem:$0x3FD2] =	sst s25  }
0xa6: {  	s4 =	sshll.u32 s26, $0x1;
	_ =	strace $0x80000046;
	[dreg:$0x1] =	wrdreg $0xFFFFFFFF  }
0xa7: {  	s28 =	simm.s32 $_size_execute0_lowered;
	s2 =	sadd.s32 s2, s4;
	[dreg:$0x0] =	wrdreg $0x0  }
0xa8: {  	s4 =	sshll.u32 s28, $0x1;
	[dreg:$0x2] =	wrdreg s2  }
0xa9: {  	[dreg:$0x3] =	wrdreg s4  }
0xaa: {  	[dreg:$0x4] =	wrdreg $0xC0  }
0xab: {  	_ =	task [dreg:s6], $0x5FFFF  }
0xac: {  	[dreg:$0x1] =	wrdreg $0xFFFFFFFF  }
0xad: {  	[dreg:$0x0] =	wrdreg $0x60  }
0xae: {  	[dreg:$0x2] =	wrdreg s24  }
0xaf: {  	[dreg:$0x3] =	wrdreg $0x80800  }
0xb0: {  	[dreg:$0x4] =	wrdreg $0x9  }
0xb1: {  	_ =	task.clear_ibuf [dreg:s6], $0x5FFFF;
	_ =	strace $0x90000046  }
0xb2: {  	s29 =	simm.s32 $0x9;
	_ =	strace $0x80000048  }
0xb3: {  	_ =	swait.ge [sflag:s29], $0x1  }
0xb4: {  	[sflag:s29] =	ssyncadd.s32 $0xFFFFFFFF  }
0xb5: {  	_ =	strace $0x90000048  }
0xb6: {  	_ =	sfence  }
0xb7: {  	s30 =	sld [smem:$0x0];
	_ =	sdelay $0x2  }
0xb8: {  	s31 =	sshll.u32 s1, $0xD;
	s1 =	sshrl.u32 s1, $0x2  }
0xb9: {  	s3 =	sand.u32 $0x4000, s31;
	s1 =	sadd.s32 s1, s30  }
0xba: {  	s0 =	sor.u32 s3, s0;
	s1 =	sshll.u32 s1, $0x11  }
0xbb: {  	s0 =	sor.u32 s1, s0  }
0xbc: {  	s0 =	sadd.s32 $0x8F2B, s0  }
0xbd: {  	[sflag:s0] =	ssyncadd.remote.s32 $0x1  }
0xbe: {  	_ =	sfence.sel $0xFFFF  }
0xbf: {  	[dreg:$0x0] =	wrdreg $0xFFFFFFFF;
	(pc) =	sbr.abs _section_cstart, $3  }
0xc0: {  	[dreg:$0x1] =	wrdreg $0xFFFFFFFF  }
0xc1: {  	_ =	task.clear_ibuf [dreg:s6], $0x2FFFF;
	_ =	strace $0x9FFFFFFF  }
0xc2: {  	(tm) =	ssettm $0x7FFFFFFF  }
0xc3: {  	_ =	shalt  }
tec
execute0_lowered:
.L_overlay_start_1:
0x0: {  	(tag) =	ssettag $0x1  }
0x1: {  	s5 =	rddreg [dreg:$0x0];
	s0 =	srdreg.scid  }
0x2: {  	s2 =	rddreg [dreg:$0x1];
	s1 =	stileid.u32  }
0x3: {  	s3 =	simm.s32 $0x0;
	s14 =	simm.s32 $0x1;
	s7 =	smul.u32 $0x13C00, s1  }
0x4: {  	s15 =	simm.s32 $0x80;
	s18 =	simm.s32 $0x0;
	s8 =	smul.u32 $0x4F000, s1  }
0x5: {  	s6 =	sand.u32 $0x1, s0;
	s0 =	rddreg [dreg:$0x2];
	s13 =	smul.u32 $0x500, s1  }
0x6: {  	[smem:$0x7FF] =	sst s3;
	s16 =	sshll.u32 s1, $0x6;
	s4 =	smul.u32 $0x13C000, s6  }
0x7: {  	_ =	strace $0x80000047;
	s9 =	ssub.s32 $0x2, s6;
	s12 =	smul.u32 $0x5000, s6  }
0x8: {  	s16 =	sor.u32 $0x1C01, s16;
	s30 =	sshrl.u32 s9, $0x1;
	s31 =	sshrl.u32 s8, $0x2  }
0x9: {  	s7 =	sadd.s32 s7, s4;
	s4 =	sadd.s32 $0xA000, s5;
	s11 =	ssub.s32 s9, s30  }
0xa: {  	s12 =	sadd.s32 s13, s12;
	s13 =	simm.s32 $0x4080;
	s7 =	sshrl.u32 s7, $0x3  }
0xb: {  	s11 =	smax.u32 s11, $0x1;
	s10 =	sadd.s32 s7, s5;
	s5 =	sadd.s32 s31, s2  }
0xc: {  	s6 =	sadd.s32 $0x4000, s5;
	s7 =	sadd.s32 $0x8000, s5;
	s8 =	sadd.s32 $0xC000, s5  }
0xd: {  	v0 =	vimm.f32 $1.000000000e+00;
	v1 =	vimm.f32 $0.0e+00;
	s9 =	sadd.s32 $0x10000, s5;
	s10 =	sadd.s32 $0x14000, s10;
	s17 =	sshrl.u32 s5, $0x3  }
.LBB2_1:
0xe: {  	s19 =	simm.s32 $0x0;
	s20 =	simm.s32 $0x200  }
.LBB2_2:
0xf: {  	p0 =	sne.s32 s20, $0xFE00;
	[tilespmem:s19+$0x40F0] =	vst v1  }
0x10: {  	[tilespmem:s19+$0x80] =	vst v0  }
0x11: {  	[tilespmem:s19+$0x4080] =	vst v1  }
0x12: {  	[tilespmem:s19+$0x90] =	vst v0  }
0x13: {  	[tilespmem:s19+$0x4090] =	vst v1  }
0x14: {  	[tilespmem:s19+$0xA0] =	vst v0  }
0x15: {  	[tilespmem:s19+$0x40A0] =	vst v1  }
0x16: {  	[tilespmem:s19+$0xB0] =	vst v0  }
0x17: {  	[tilespmem:s19+$0x40B0] =	vst v1  }
0x18: {  	[tilespmem:s19+$0xC0] =	vst v0  }
0x19: {  	[tilespmem:s19+$0x40C0] =	vst v1  }
.Ltmp0:
0x1a: {  	[tilespmem:s19+$0xD0] =	vst v0;
	(pc) =	sbr.rel @p0 .LBB2_2-.Ltmp0, $4  }
0x1b: {  	[tilespmem:s19+$0x40D0] =	vst v1  }
0x1c: {  	[tilespmem:s19+$0xE0] =	vst v0  }
0x1d: {  	[tilespmem:s19+$0x40E0] =	vst v1  }
0x1e: {  	[tilespmem:s19+$0xF0] =	vst v0;
	s19 =	sshra.s32 s20, $0x2;
	s20 =	sadd.s32 $0x200, s20  }
0x1f: {  	[tilespmem:s19+$0x40F0] =	vst v1  }
0x20: {  	[tilespmem:s19+$0x80] =	vst v0  }
0x21: {  	[tilespmem:s19+$0x4080] =	vst v1  }
0x22: {  	[tilespmem:s19+$0x90] =	vst v0  }
0x23: {  	[tilespmem:s19+$0x4090] =	vst v1  }
0x24: {  	[tilespmem:s19+$0xA0] =	vst v0  }
0x25: {  	[tilespmem:s19+$0x40A0] =	vst v1  }
0x26: {  	[tilespmem:s19+$0xB0] =	vst v0  }
0x27: {  	[tilespmem:s19+$0x40B0] =	vst v1  }
0x28: {  	[tilespmem:s19+$0xC0] =	vst v0  }
0x29: {  	[tilespmem:s19+$0x40C0] =	vst v1  }
0x2a: {  	[tilespmem:s19+$0xD0] =	vst v0  }
0x2b: {  	[tilespmem:s19+$0x40D0] =	vst v1  }
0x2c: {  	[tilespmem:s19+$0xE0] =	vst v0  }
0x2d: {  	[tilespmem:s19+$0x40E0] =	vst v1  }
0x2e: {  	[tilespmem:s19+$0xF0] =	vst v0  }
0x2f: {  	[spmem:s5] =	stream.linear.scatter [tilespmem:s13], [sflag:$0x1], $0x4000, $0x38;
	[tilespmem:$0x1BC80] =	vst v63  }
0x30: {  	_ =	swait.ge [sflag:s14], $0x4000  }
0x31: {  	[sflag:s14] =	ssyncset.done $0x0  }
0x32: {  	[sflag:s14] =	ssyncadd.s32 $0xFFFFC000  }
0x33: {  	[spmem:s6] =	stream.linear.scatter [tilespmem:s13], [sflag:$0x1], $0x4000, $0x38;
	[tilespmem:$0x1BC80] =	vst v63  }
0x34: {  	_ =	swait.ge [sflag:s14], $0x4000  }
0x35: {  	[sflag:s14] =	ssyncset.done $0x0  }
0x36: {  	[sflag:s14] =	ssyncadd.s32 $0xFFFFC000  }
0x37: {  	[spmem:s7] =	stream.linear.scatter [tilespmem:s13], [sflag:$0x1], $0x4000, $0x38;
	[tilespmem:$0x1BC80] =	vst v63  }
0x38: {  	_ =	swait.ge [sflag:s14], $0x4000  }
0x39: {  	[sflag:s14] =	ssyncset.done $0x0  }
0x3a: {  	[sflag:s14] =	ssyncadd.s32 $0xFFFFC000  }
0x3b: {  	[spmem:s8] =	stream.linear.scatter [tilespmem:s13], [sflag:$0x1], $0x4000, $0x38;
	[tilespmem:$0x1BC80] =	vst v63  }
0x3c: {  	_ =	swait.ge [sflag:s14], $0x4000  }
0x3d: {  	[sflag:s14] =	ssyncset.done $0x0  }
0x3e: {  	[sflag:s14] =	ssyncadd.s32 $0xFFFFC000  }
0x3f: {  	[spmem:s9] =	stream.linear.scatter [tilespmem:s13], [sflag:$0x1], $0x3C00, $0x38;
	[tilespmem:$0x1BC80] =	vst v63  }
0x40: {  	s30 =	simm.s32 $0x0;
	_ =	swait.ge [sflag:s14], $0x3C00  }
0x41: {  	s20 =	sadd.s32 $0x0, s12;
	s19 =	sand.u32 $0x70, s30;
	[sflag:s14] =	ssyncset.done $0x0  }
0x42: {  	s20 =	sand.u32 $0xFFFFF80, s20;
	s19 =	sadd.s32 s4, s19;
	[sflag:s14] =	ssyncadd.s32 $0xFFFFC400  }
0x43: {  	s19 =	sadd.s32 s20, s19;
	[bflag:$0x0] =	sbarrier.arrive $0xFFFF  }
0x44: {  	[tilespmem:s3], [sflag:$0x1] =	stream.linear.gather [hbm4b:s19+s3], $0x80, $0x38;
	[tilespmem:$0x1BC80] =	vst v63  }
0x45: {  	_ =	swait.ge [sflag:s14], $0x80  }
0x46: {  	[sflag:s14] =	ssyncset.done $0x0  }
0x47: {  	s31 =	simm.s32 $0x10;
	s21 =	sadd.s32 $0x10, s12;
	[sflag:s14] =	ssyncadd.s32 $0xFFFFFF80  }
0x48: {  	[spmem:s2] =	stream.indirect.scatter.add.f32 [tilespmem:s15], [sflag:$0x1], $0x80, s3, s15, $0xb8;
	[tilespmem:$0x1BC80] =	vst v63  }
0x49: {  	s22 =	sand.u32 $0x70, s31;
	s20 =	sand.u32 $0xFFFFF80, s21;
	_ =	swait.ge [sflag:s14], $0x4000  }
0x4a: {  	s21 =	sadd.s32 s4, s22;
	s19 =	simm.s32 $0x20;
	[sflag:s14] =	ssyncset.done $0x0  }
.LBB2_4:
0x4b: {  	s20 =	sadd.s32 s20, s21  }
0x4c: {  	[sflag:s14] =	ssyncadd.s32 $0xFFFFC000;
	s21 =	smov.u32 s19;
	s22 =	sadd.s32 $0x10, s19  }
0x4d: {  	[tilespmem:s3], [sflag:$0x1] =	stream.linear.gather [hbm4b:s20+s3], $0x80, $0x38;
	[tilespmem:$0x1BC80] =	vst v63  }
0x4e: {  	p0 =	sne.s32 s19, $0x4F0;
	_ =	swait.ge [sflag:s14], $0x80  }
.Ltmp1:
0x4f: {  	[sflag:s14] =	ssyncset.done $0x0;
	(pc) =	sbr.rel @p0 .LBB2_4-.Ltmp1, $4  }
0x50: {  	s19 =	sadd.s32 s21, s12;
	[sflag:s14] =	ssyncadd.s32 $0xFFFFFF80  }
0x51: {  	[spmem:s2] =	stream.indirect.scatter.add.f32 [tilespmem:s15], [sflag:$0x1], $0x80, s3, s15, $0xb8;
	[tilespmem:$0x1BC80] =	vst v63  }
0x52: {  	s21 =	sand.u32 $0x70, s21;
	s20 =	sand.u32 $0xFFFFF80, s19;
	_ =	swait.ge [sflag:s14], $0x4000  }
0x53: {  	s21 =	sadd.s32 s4, s21;
	s19 =	smov.u32 s22;
	[sflag:s14] =	ssyncset.done $0x0  }
0x54: {  	s19 =	sadd.s32 s20, s21;
	[sflag:s14] =	ssyncadd.s32 $0xFFFFC000  }
0x55: {  	[tilespmem:s3], [sflag:$0x1] =	stream.linear.gather [hbm4b:s19+s3], $0x80, $0x38;
	[tilespmem:$0x1BC80] =	vst v63  }
0x56: {  	_ =	swait.ge [sflag:s14], $0x80  }
0x57: {  	[sflag:s14] =	ssyncset.done $0x0  }
0x58: {  	[sflag:s14] =	ssyncadd.s32 $0xFFFFFF80  }
0x59: {  	[spmem:s2] =	stream.indirect.scatter.add.f32 [tilespmem:s15], [sflag:$0x1], $0x80, s3, s15, $0xb8;
	[tilespmem:$0x1BC80] =	vst v63  }
0x5a: {  	_ =	swait.ge [sflag:s14], $0x4000  }
0x5b: {  	s18 =	sadd.s32 $0x1, s18;
	[sflag:s14] =	ssyncset.done $0x0  }
0x5c: {  	p0 =	sne.s32 s18, s11;
	[sflag:s14] =	ssyncadd.s32 $0xFFFFC000  }
.Ltmp2:
0x5d: {  	[bflag:$0x0] =	sbarrier.arrive $0xFFFF;
	(pc) =	sbr.rel @p0 .LBB2_1-.Ltmp2, $4  }
0x5e: {  	[hbm:s10], [sflag:s16] =	dma.local [spmem:s17], $0x2780  }
0x5f: {  	_ =	swait.ge [sflag:s14], $0x2780  }
0x60: {  	[sflag:s14] =	ssyncset.done $0x0  }
0x61: {  	[sflag:s14] =	ssyncadd.s32 $0xFFFFD880  }
0x62: {  	_ =	sfence.sel $0x180000  }
0x63: {  	[bflag:$0x0] =	sbarrier.arrive $0xFFFF  }
0x64: {  	p0 =	sne.s32 s1, $0x0;
	_ =	strace $0x90000047  }
0x65: {  	s0 =	sadd.s32 @!p0 $0x100000, s0;
	[bflag:$0x2] =	sbarrier.arrive $0xFFFF  }
0x66: {  	[sflag:s0] =	ssyncadd.tile.s32 @!p0 $0x1;
	_ =	shalt  }
.Lfunc_end2:
_tile_overlayer_lowered:
.L_overlay_start_2:
0x67: {  	(tag) =	ssettag $0x2  }
0x68: {  	s0 =	rddreg [dreg:$0x0];
	s2 =	stileid.u32  }
0x69: {  	s1 =	rddreg [dreg:$0x1];
	p0 =	sne.s32 s2, $0x0  }
0x6a: {  	s3 =	rddreg [dreg:$0x2];
	[bflag:$0x3] =	sbarrier.arrive $0xFFFF;
	s2 =	simm.s32 @!p0 $0x1C01  }
0x6b: {  	[timem:s3], [sflag:s2] =	dma.local @!p0 [hbm:s0], s1  }
0x6c: {  	s0 =	simm.s32 @!p0 $0x1  }
0x6d: {  	_ =	swait.ge @!p0 [sflag:s0], s1  }
0x6e: {  	s1 =	ssub.s32 @!p0 $0x0, s1;
	[sflag:s0] =	ssyncset.done @!p0 $0x0  }
0x6f: {  	[sflag:s0] =	ssyncadd.s32 @!p0 s1  }
0x70: {  	[bflag:$0x3] =	sbarrier.arrive $0xFFFF  }
0x71: {  	_ =	shalt  }

// kernel: kernel.22.cloned.1.call-start
scs
__scs_entry_jumppad:
0x0: {  	(pc) =	sbr.rel $0x88, $3  }
0x1: {  	(tag) =	ssettag $0x0;
	lr =	simm.s32 $0x1  }
0x2: {  	[smem:$0x3F93] =	sst lr;
	_ =	strace $0xD0000000  }
0x3: {  	_ = 	snop  }
0x4: {  	_ = 	snop  }
0x5: {  	_ = 	snop  }
0x6: {  	_ = 	snop  }
0x7: {  	_ = 	snop  }
__scs_overlays_trampoline_lowered:
0x8: {  	[smem:$0x3FA2] =	sst s0  }
0x9: {  	[smem:$0x3FA3] =	sst s1  }
0xa: {  	[smem:$0x3FA4] =	sst s2  }
0xb: {  	[smem:$0x3FA5] =	sst s3  }
0xc: {  	[smem:$0x3FA6] =	sst s4  }
0xd: {  	[smem:$0x3FA7] =	sst s5  }
0xe: {  	[smem:$0x3FA8] =	sst s6  }
0xf: {  	[smem:$0x3FA9] =	sst s7  }
0x10: {  	[smem:$0x3FAA] =	sst s8  }
0x11: {  	[smem:$0x3FAB] =	sst s9;
	s0 =	simm.s32 @!p0 $0x0  }
0x12: {  	s1 =	sld [smem:$0x3F91];
	s0 =	simm.s32 @p0 $0x1  }
0x13: {  	[smem:$0x3FAC] =	sst s0;
	s0 =	simm.s32 @!p1 $0x0  }
0x14: {  	s2 =	sld [smem:$0x3F90];
	s0 =	simm.s32 @p1 $0x1  }
0x15: {  	[smem:$0x3FAD] =	sst s0;
	s0 =	simm.s32 @!p2 $0x0  }
0x16: {  	s3 =	sld [smem:$0x3FDB];
	s0 =	simm.s32 @p2 $0x1  }
0x17: {  	s4 =	simm.s32 $0x1BF5;
	[smem:$0x3FAF] =	sst s0  }
0x18: {  	s0 =	sld [smem:$0x3F92];
	_ =	swait.ge [sflag:s4], $0x0  }
0x19: {  	s7 =	sld [smem:$0x3F93]  }
0x1a: {  	s8 =	sadd.s32 $0xFFFFE003, lr  }
0x1b: {  	s9 =	sadd.s32 $0xFFFFFEF7, lr;
	s5 =	simm.s32 $0xFFFFFFFF;
	p2 =	slt.u32 s8, $0xFFFFF086  }
0x1c: {  	p1 =	slt.u32 s9, $0xF7A;
	s5 =	simm.s32 @!p2 $0x0  }
0x1d: {  	s5 =	simm.s32 @p1 $0x1;
	p0 =	seq.s32 s7, s2  }
0x1e: {  	s7 =	smul.u32 @!p0 $0xF7A, s2;
	p2 =	seq.s32 @!p0 s5, $0x0  }
0x1f: {  	s9 =	smul.u32 $0xF7A, s1;
	s8 =	simm.s32 @!p0 $0x1BF5;
	p2 =	por !p2, p0  }
0x20: {  	[sflag:s8] =	ssyncset.s32 @!p0 $0xFFFFF086;
	s6 =	sadd.s32 @!p0 s3, s7;
	s7 =	simm.s32 @!p0 $0x108  }
0x21: {  	s3 =	sadd.s32 s3, s9;
	s6 =	sadd.s32 @!p0 $0x88, s6;
	s7 =	simm.s32 @p2 $0x1082  }
0x22: {  	[simem:s7], [sflag:s8] =	dma.local @!p0 [hbm:s6], $0xF7A  }
0x23: {  	s9 =	sor.u32 $0xD0000000, s2;
	s6 =	simm.s32 $0x108;
	_ =	swait.ge @!p0 [sflag:s8], $0x0  }
0x24: {  	s3 =	sadd.s32 $0x88, s3;
	s6 =	simm.s32 @!p1 $0x1082;
	[sflag:s4] =	ssyncset.s32 $0xFFFFF086  }
0x25: {  	[simem:s6], [sflag:s4] =	dma.local [hbm:s3], $0xF7A  }
0x26: {  	[smem:$0x3F93] =	sst s1;
	(tag) =	ssettag s2;
	_ =	strace s9  }
0x27: {  	s1 =	sld [smem:$0x3FA3]  }
0x28: {  	s2 =	sld [smem:$0x3FA4]  }
0x29: {  	s4 =	sld [smem:$0x3FA6]  }
0x2a: {  	p0 =	seq.s32 s5, $0x0;
	s5 =	sld [smem:$0x3FA7]  }
0x2b: {  	s6 =	sld [smem:$0x3FA8]  }
0x2c: {  	s7 =	sld [smem:$0x3FA9]  }
0x2d: {  	s3 =	simm.s32 $0x108;
	s8 =	sld [smem:$0x3FAA]  }
0x2e: {  	s3 =	simm.s32 @!p0 $0x1082;
	s9 =	sld [smem:$0x3FAB]  }
0x2f: {  	lr =	sadd.s32 s0, s3;
	s0 =	sld [smem:$0x3FA2]  }
0x30: {  	s3 =	sld [smem:$0x3FA5]  }
0x31: {  	[smem:$0x3FAE] =	sst s10  }
0x32: {  	s10 =	sld [smem:$0x3FAC];
	_ =	sdelay $0x3  }
0x33: {  	p0 =	seq.s32 s10, $0x1;
	s10 =	sld [smem:$0x3FAE];
	_ =	sdelay $0x3  }
0x34: {  	[smem:$0x3FAE] =	sst s10  }
0x35: {  	s10 =	sld [smem:$0x3FAD];
	_ =	sdelay $0x3  }
0x36: {  	p1 =	seq.s32 s10, $0x1;
	s10 =	sld [smem:$0x3FAE];
	_ =	sdelay $0x3  }
0x37: {  	[smem:$0x3FAE] =	sst s10  }
0x38: {  	s10 =	sld [smem:$0x3FAF]  }
0x39: {  	_ = 	snop;
	(pc) =	sbr.ind lr, $3  }
0x3a: {  	_ = 	snop  }
0x3b: {  	_ = 	snop  }
0x3c: {  	p2 =	seq.s32 s10, $0x1;
	s10 =	sld [smem:$0x3FAE]  }
0x3d: {  	_ =	shalt  }
0x3e: {  	_ =	shalt  }
0x3f: {  	_ =	shalt  }
0x40: {  	_ =	shalt  }
0x41: {  	_ =	shalt  }
0x42: {  	_ =	shalt  }
0x43: {  	_ =	shalt  }
0x44: {  	_ =	shalt  }
0x45: {  	_ =	shalt  }
0x46: {  	_ =	shalt  }
0x47: {  	_ =	shalt  }
0x48: {  	_ =	shalt  }
0x49: {  	_ =	shalt  }
0x4a: {  	_ =	shalt  }
0x4b: {  	_ =	shalt  }
0x4c: {  	_ =	shalt  }
0x4d: {  	_ =	shalt  }
0x4e: {  	_ =	shalt  }
0x4f: {  	_ =	shalt  }
0x50: {  	_ =	shalt  }
0x51: {  	_ =	shalt  }
0x52: {  	_ =	shalt  }
0x53: {  	_ =	shalt  }
0x54: {  	_ =	shalt  }
0x55: {  	_ =	shalt  }
0x56: {  	_ =	shalt  }
0x57: {  	_ =	shalt  }
0x58: {  	_ =	shalt  }
0x59: {  	_ =	shalt  }
0x5a: {  	_ =	shalt  }
0x5b: {  	_ =	shalt  }
0x5c: {  	_ =	shalt  }
0x5d: {  	_ =	shalt  }
0x5e: {  	_ =	shalt  }
0x5f: {  	_ =	shalt  }
0x60: {  	_ =	shalt  }
0x61: {  	_ =	shalt  }
0x62: {  	_ =	shalt  }
0x63: {  	_ =	shalt  }
0x64: {  	_ =	shalt  }
0x65: {  	_ =	shalt  }
0x66: {  	_ =	shalt  }
0x67: {  	_ =	shalt  }
0x68: {  	_ =	shalt  }
0x69: {  	_ =	shalt  }
0x6a: {  	_ =	shalt  }
0x6b: {  	_ =	shalt  }
0x6c: {  	_ =	shalt  }
0x6d: {  	_ =	shalt  }
0x6e: {  	_ =	shalt  }
0x6f: {  	_ =	shalt  }
0x70: {  	_ =	shalt  }
0x71: {  	_ =	shalt  }
0x72: {  	_ =	shalt  }
0x73: {  	_ =	shalt  }
0x74: {  	_ =	shalt  }
0x75: {  	_ =	shalt  }
0x76: {  	_ =	shalt  }
0x77: {  	_ =	shalt  }
0x78: {  	_ =	shalt  }
0x79: {  	_ =	shalt  }
0x7a: {  	_ =	shalt  }
0x7b: {  	_ =	shalt  }
0x7c: {  	_ =	shalt  }
0x7d: {  	_ =	shalt  }
0x7e: {  	_ =	shalt  }
0x7f: {  	_ =	shalt  }
0x80: {  	_ =	shalt  }
0x81: {  	_ =	shalt  }
0x82: {  	_ =	shalt  }
0x83: {  	_ =	shalt  }
0x84: {  	_ =	shalt  }
0x85: {  	_ =	shalt  }
0x86: {  	_ =	shalt  }
0x87: {  	_ =	shalt  }
.Lfunc_end0:
.L_simem_size_0:
called_computation.1_lowered:
.L_overlay_start_0:
0x88: {  	s2 =	sld [smem:$0x3FD9]  }
0x89: {  	s3 =	sld [smem:$0x3FFE];
	_ =	sdelay $0x1  }
0x8a: {  	s1 =	srdreg.scid  }
0x8b: {  	s0 =	sand.u32 $0x1, s1  }
0x8c: {  	s14 =	sshll.u32 s0, $0xA;
	s2 =	sadd.s32 s3, s2  }
0x8d: {  	s2 =	sadd.s32 s2, s14  }
0x8e: {  	[smem:$0x3FBA] =	sst s2  }
0x8f: {  	_ = 	snop  }
0x90: {  	s2 =	sld [smem:$0x3FD0];
	_ =	sdelay $0x2  }
0x91: {  	s15 =	simm.s32 $0xA;
	s4 =	simm.s32 $0x10  }
0x92: {  	[smem:s4], [sflag:s15] =	dma.local [hbm:s2], $0x1  }
0x93: {  	_ =	swait.eq [sflag:s15], $0x1  }
0x94: {  	[sflag:s15] =	ssyncset.done $0x0  }
0x95: {  	[sflag:s15] =	ssyncadd.s32 $0xFFFFFFFF  }
0x96: {  	s16 =	sld [smem:$0x10];
	(tm) =	ssettm $0x1  }
0x97: {  	s17 =	sld [smem:$0x3FFB];
	_ =	sdelay $0x3  }
0x98: {  	_ =	strace s17  }
0x99: {  	s3 =	sld [smem:$0x3FFC];
	_ =	sdelay $0x3  }
0x9a: {  	_ =	strace s3  }
0x9b: {  	s3 =	sld [smem:$0x3FFD];
	_ =	sdelay $0x3  }
0x9c: {  	_ =	strace s3  }
0x9d: {  	_ =	strace $0x8FFFFFFF  }
0x9e: {  	s18 =	sld [smem:$0x3FDB];
	_ =	sdelay $0x1  }
0x9f: {  	s19 =	simm.s32 $_scs_section_size  }
0xa0: {  	s5 =	simm.s32 $_size__tile_overlayer_lowered;
	s6 =	simm.s32 $_tile_overlayer_lowered  }
0xa1: {  	s22 =	simm.s32 $0x1BFF;
	s21 =	sshll.u32 s6, $0x1;
	s3 =	sadd.s32 s19, s18  }
0xa2: {  	s7 =	simm.s32 $0x0;
	s20 =	sshll.u32 s5, $0x1;
	s5 =	sadd.s32 s21, s3  }
0xa3: {  	[timem:s7], [sflag:s22] =	dma.local [hbm:s5], s20  }
0xa4: {  	_ =	swait.ge [sflag:s22], s20  }
0xa5: {  	s4 =	ssub.s32 $0x0, s20;
	[sflag:s22] =	ssyncset.done $0x0  }
0xa6: {  	[sflag:s22] =	ssyncadd.s32 s4;
	_ =	sdelay $0x1  }
0xa7: {  	s23 =	simm.s32 $0x1B8B  }
0xa8: {  	_ =	swait.ge [sflag:s23], $0x1  }
0xa9: {  	[sflag:s23] =	ssyncset.done $0x0  }
0xaa: {  	s25 =	simm.s32 $0x1B8E;
	s24 =	sld [smem:$0x3FFE];
	[sflag:s23] =	ssyncadd.s32 $0xFFFFFFFF  }
0xab: {  	s26 =	simm.s32 $execute0_lowered;
	[smem:$0x3FD2] =	sst s25  }
0xac: {  	s5 =	sshll.u32 s26, $0x1;
	_ =	strace $0x80000049;
	[dreg:$0x1] =	wrdreg $0xFFFFFFFF  }
0xad: {  	s28 =	simm.s32 $_size_execute0_lowered;
	s3 =	sadd.s32 s3, s5;
	[dreg:$0x0] =	wrdreg $0x0  }
0xae: {  	s5 =	sshll.u32 s28, $0x1;
	[dreg:$0x2] =	wrdreg s3  }
0xaf: {  	[dreg:$0x3] =	wrdreg s5  }
0xb0: {  	[dreg:$0x4] =	wrdreg $0xC0  }
0xb1: {  	_ =	task [dreg:s7], $0x5FFFF  }
0xb2: {  	[dreg:$0x1] =	wrdreg $0xFFFFFFFF  }
0xb3: {  	[dreg:$0x0] =	wrdreg $0x60  }
0xb4: {  	[dreg:$0x2] =	wrdreg s16  }
0xb5: {  	[dreg:$0x3] =	wrdreg s24  }
0xb6: {  	[dreg:$0x4] =	wrdreg $0x41000  }
0xb7: {  	[dreg:$0x5] =	wrdreg $0x9  }
0xb8: {  	_ =	task.clear_ibuf [dreg:s7], $0x6FFFF;
	_ =	strace $0x90000049  }
0xb9: {  	s29 =	simm.s32 $0x9;
	_ =	strace $0x8000004B  }
0xba: {  	_ =	swait.ge [sflag:s29], $0x1  }
0xbb: {  	[sflag:s29] =	ssyncadd.s32 $0xFFFFFFFF  }
0xbc: {  	_ =	strace $0x9000004B  }
0xbd: {  	_ =	sfence  }
0xbe: {  	s30 =	sld [smem:$0x0];
	_ =	sdelay $0x2  }
0xbf: {  	s31 =	sshll.u32 s1, $0xD;
	s1 =	sshrl.u32 s1, $0x2  }
0xc0: {  	s3 =	sand.u32 $0x4000, s31;
	s1 =	sadd.s32 s1, s30  }
0xc1: {  	s0 =	sor.u32 s3, s0;
	s1 =	sshll.u32 s1, $0x11  }
0xc2: {  	s0 =	sor.u32 s1, s0  }
0xc3: {  	s0 =	sadd.s32 $0x8F2B, s0  }
0xc4: {  	[sflag:s0] =	ssyncadd.remote.s32 $0x1  }
0xc5: {  	_ =	sfence.sel $0xFFFF  }
0xc6: {  	[dreg:$0x0] =	wrdreg $0xFFFFFFFF;
	(pc) =	sbr.abs _section_cstart, $3  }
0xc7: {  	[dreg:$0x1] =	wrdreg $0xFFFFFFFF  }
0xc8: {  	_ =	task.clear_ibuf [dreg:s7], $0x2FFFF;
	_ =	strace $0x9FFFFFFF  }
0xc9: {  	(tm) =	ssettm $0x7FFFFFFF  }
tec
execute0_lowered:
.L_overlay_start_1:
0x0: {  	(tag) =	ssettag $0x1  }
0x1: {  	s0 =	rddreg [dreg:$0x0]  }
0x2: {  	s3 =	rddreg [dreg:$0x1];
	s1 =	srdreg.scid  }
0x3: {  	s4 =	rddreg [dreg:$0x2];
	s2 =	stileid.u32;
	s5 =	simm.s32 $0x0  }
0x4: {  	s16 =	simm.s32 $0x2;
	s17 =	simm.s32 $0x80;
	s18 =	simm.s32 $0x1  }
0x5: {  	s9 =	sand.u32 $0x1, s1;
	s1 =	rddreg [dreg:$0x3];
	s8 =	smul.u32 $0x13C00, s2  }
0x6: {  	s21 =	simm.s32 $0x0;
	[smem:$0x7FF] =	sst s5;
	s10 =	smul.u32 $0x4F000, s2  }
0x7: {  	s6 =	sadd.s32 $0xA000, s3;
	s15 =	smul.u32 $0x500, s2;
	s19 =	sshll.u32 s2, $0x6  }
0x8: {  	s7 =	smul.u32 $0x13C000, s9;
	_ =	strace $0x8000004A;
	s31 =	ssub.s32 $0x2, s9  }
0x9: {  	s14 =	smul.u32 $0x5000, s9;
	s19 =	sor.u32 $0x1C02, s19;
	s11 =	sshrl.u32 s31, $0x1  }
0xa: {  	s10 =	sshrl.u32 s10, $0x2;
	s7 =	sadd.s32 s8, s7;
	s13 =	ssub.s32 s31, s11  }
0xb: {  	s14 =	sadd.s32 s15, s14;
	s15 =	simm.s32 $0x100;
	s7 =	sshrl.u32 s7, $0x3  }
0xc: {  	s13 =	smax.u32 s13, $0x1;
	s12 =	sadd.s32 s7, s3;
	s7 =	sadd.s32 s10, s4  }
0xd: {  	s8 =	sadd.s32 $0x4000, s7;
	s9 =	sadd.s32 $0x8000, s7;
	s10 =	sadd.s32 $0xC000, s7  }
0xe: {  	v0 =	vimm.f32 $0.0e+00;
	s11 =	sadd.s32 $0x10000, s7;
	s12 =	sadd.s32 $0xB1400, s12;
	s20 =	sshrl.u32 s7, $0x3  }
.LBB2_1:
0xf: {  	s22 =	simm.s32 $0x0;
	s23 =	simm.s32 $0x200  }
.LBB2_2:
0x10: {  	p0 =	sne.s32 s23, $0xFE00;
	[tilespmem:s22+$0x170] =	vst v0  }
0x11: {  	[tilespmem:s22+$0x100] =	vst v0  }
0x12: {  	[tilespmem:s22+$0x110] =	vst v0  }
.Ltmp0:
0x13: {  	[tilespmem:s22+$0x120] =	vst v0;
	(pc) =	sbr.rel @p0 .LBB2_2-.Ltmp0, $4  }
0x14: {  	[tilespmem:s22+$0x130] =	vst v0  }
0x15: {  	[tilespmem:s22+$0x140] =	vst v0  }
0x16: {  	[tilespmem:s22+$0x150] =	vst v0  }
0x17: {  	[tilespmem:s22+$0x160] =	vst v0;
	s22 =	sshra.s32 s23, $0x2;
	s23 =	sadd.s32 $0x200, s23  }
0x18: {  	[tilespmem:s22+$0x170] =	vst v0  }
0x19: {  	[tilespmem:s22+$0x100] =	vst v0  }
0x1a: {  	[tilespmem:s22+$0x110] =	vst v0  }
0x1b: {  	[tilespmem:s22+$0x120] =	vst v0  }
0x1c: {  	[tilespmem:s22+$0x130] =	vst v0  }
0x1d: {  	[tilespmem:s22+$0x140] =	vst v0  }
0x1e: {  	[tilespmem:s22+$0x150] =	vst v0  }
0x1f: {  	[tilespmem:s22+$0x160] =	vst v0  }
0x20: {  	[spmem:s7] =	stream.linear.scatter [tilespmem:s15], [sflag:$0x2], $0x4000, $0x38;
	[tilespmem:$0x17D00] =	vst v63  }
0x21: {  	_ =	swait.ge [sflag:s16], $0x4000  }
0x22: {  	[sflag:s16] =	ssyncset.done $0x0  }
0x23: {  	[sflag:s16] =	ssyncadd.s32 $0xFFFFC000  }
0x24: {  	[spmem:s8] =	stream.linear.scatter [tilespmem:s15], [sflag:$0x2], $0x4000, $0x38;
	[tilespmem:$0x17D00] =	vst v63  }
0x25: {  	_ =	swait.ge [sflag:s16], $0x4000  }
0x26: {  	[sflag:s16] =	ssyncset.done $0x0  }
0x27: {  	[sflag:s16] =	ssyncadd.s32 $0xFFFFC000  }
0x28: {  	[spmem:s9] =	stream.linear.scatter [tilespmem:s15], [sflag:$0x2], $0x4000, $0x38;
	[tilespmem:$0x17D00] =	vst v63  }
0x29: {  	_ =	swait.ge [sflag:s16], $0x4000  }
0x2a: {  	[sflag:s16] =	ssyncset.done $0x0  }
0x2b: {  	[sflag:s16] =	ssyncadd.s32 $0xFFFFC000  }
0x2c: {  	[spmem:s10] =	stream.linear.scatter [tilespmem:s15], [sflag:$0x2], $0x4000, $0x38;
	[tilespmem:$0x17D00] =	vst v63  }
0x2d: {  	_ =	swait.ge [sflag:s16], $0x4000  }
0x2e: {  	[sflag:s16] =	ssyncset.done $0x0  }
0x2f: {  	[sflag:s16] =	ssyncadd.s32 $0xFFFFC000  }
0x30: {  	[spmem:s11] =	stream.linear.scatter [tilespmem:s15], [sflag:$0x2], $0x3C00, $0x38;
	[tilespmem:$0x17D00] =	vst v63  }
0x31: {  	s29 =	simm.s32 $0x0;
	s23 =	sadd.s32 $0x0, s14;
	_ =	swait.ge [sflag:s16], $0x3C00  }
0x32: {  	s23 =	sand.u32 $0xFFFFF80, s23;
	s22 =	sand.u32 $0x70, s29;
	[sflag:s16] =	ssyncset.done $0x0  }
0x33: {  	s22 =	sor.u32 s22, s23;
	[sflag:s16] =	ssyncadd.s32 $0xFFFFC400  }
0x34: {  	s23 =	sadd.s32 s3, s22;
	[bflag:$0x0] =	sbarrier.arrive $0xFFFF  }
0x35: {  	[tilespmem:s5], [sflag:$0x2] =	stream.linear.gather [hbm4b:s23+s5], $0x80, $0x38;
	[tilespmem:$0x17D00] =	vst v63  }
0x36: {  	_ =	swait.ge [sflag:s16], $0x80  }
0x37: {  	[sflag:s16] =	ssyncset.done $0x0  }
0x38: {  	s22 =	sadd.s32 s6, s22;
	[sflag:s16] =	ssyncadd.s32 $0xFFFFFF80  }
0x39: {  	[tilespmem:s17], [sflag:$0x2] =	stream.linear.gather [hbm4b:s22+s5], $0x80, $0x38;
	[tilespmem:$0x17D00] =	vst v63  }
0x3a: {  	_ =	swait.ge [sflag:s16], $0x80  }
0x3b: {  	[sflag:s16] =	ssyncset.done $0x0  }
0x3c: {  	[sflag:s16] =	ssyncadd.s32 $0xFFFFFF80  }
0x3d: {  	[tilespmem:s15], [sflag:$0x1] =	stream.indirect.gather [hbm4b:s0+s17], $0x80, s5, s17, $0xb8;
	[tilespmem:$0x17D00] =	vst v63  }
0x3e: {  	_ =	swait.ge [sflag:s18], $0x4000  }
0x3f: {  	[sflag:s18] =	ssyncset.done $0x0  }
0x40: {  	s30 =	simm.s32 $0x10;
	s31 =	sadd.s32 $0x10, s14;
	[sflag:s18] =	ssyncadd.s32 $0xFFFFC000  }
0x41: {  	[spmem:s4] =	stream.indirect.scatter.add.f32 [tilespmem:s15], [sflag:$0x2], $0x80, s17, s17, $0xb8;
	[tilespmem:$0x17D00] =	vst v63  }
0x42: {  	s24 =	sand.u32 $0xFFFFF80, s31;
	s22 =	sand.u32 $0x70, s30;
	_ =	swait.ge [sflag:s16], $0x4000  }
0x43: {  	s23 =	simm.s32 $0x20;
	s22 =	sor.u32 s22, s24;
	[sflag:s16] =	ssyncset.done $0x0  }
.LBB2_4:
0x44: {  	s24 =	sadd.s32 s3, s22  }
0x45: {  	[sflag:s16] =	ssyncadd.s32 $0xFFFFC000;
	s25 =	smov.u32 s23;
	s26 =	sadd.s32 $0x10, s23  }
0x46: {  	[tilespmem:s5], [sflag:$0x2] =	stream.linear.gather [hbm4b:s24+s5], $0x80, $0x38;
	[tilespmem:$0x17D00] =	vst v63  }
0x47: {  	p0 =	sne.s32 s23, $0x4F0;
	_ =	swait.ge [sflag:s16], $0x80  }
0x48: {  	[sflag:s16] =	ssyncset.done $0x0  }
0x49: {  	s22 =	sadd.s32 s6, s22;
	[sflag:s16] =	ssyncadd.s32 $0xFFFFFF80  }
0x4a: {  	[tilespmem:s17], [sflag:$0x2] =	stream.linear.gather [hbm4b:s22+s5], $0x80, $0x38;
	[tilespmem:$0x17D00] =	vst v63  }
0x4b: {  	_ =	swait.ge [sflag:s16], $0x80  }
0x4c: {  	[sflag:s16] =	ssyncset.done $0x0  }
0x4d: {  	[sflag:s16] =	ssyncadd.s32 $0xFFFFFF80  }
0x4e: {  	[tilespmem:s15], [sflag:$0x1] =	stream.indirect.gather [hbm4b:s0+s17], $0x80, s5, s17, $0xb8;
	[tilespmem:$0x17D00] =	vst v63  }
0x4f: {  	_ =	swait.ge [sflag:s18], $0x4000  }
.Ltmp1:
0x50: {  	[sflag:s18] =	ssyncset.done $0x0;
	(pc) =	sbr.rel @p0 .LBB2_4-.Ltmp1, $4  }
0x51: {  	s22 =	sadd.s32 s25, s14;
	[sflag:s18] =	ssyncadd.s32 $0xFFFFC000  }
0x52: {  	[spmem:s4] =	stream.indirect.scatter.add.f32 [tilespmem:s15], [sflag:$0x2], $0x80, s17, s17, $0xb8;
	[tilespmem:$0x17D00] =	vst v63  }
0x53: {  	s23 =	sand.u32 $0x70, s25;
	s22 =	sand.u32 $0xFFFFF80, s22;
	_ =	swait.ge [sflag:s16], $0x4000  }
0x54: {  	s22 =	sor.u32 s23, s22;
	s23 =	smov.u32 s26;
	[sflag:s16] =	ssyncset.done $0x0  }
0x55: {  	s23 =	sadd.s32 s3, s22;
	[sflag:s16] =	ssyncadd.s32 $0xFFFFC000  }
0x56: {  	[tilespmem:s5], [sflag:$0x2] =	stream.linear.gather [hbm4b:s23+s5], $0x80, $0x38;
	[tilespmem:$0x17D00] =	vst v63  }
0x57: {  	_ =	swait.ge [sflag:s16], $0x80  }
0x58: {  	[sflag:s16] =	ssyncset.done $0x0  }
0x59: {  	s31 =	sadd.s32 s6, s22;
	[sflag:s16] =	ssyncadd.s32 $0xFFFFFF80  }
0x5a: {  	[tilespmem:s17], [sflag:$0x2] =	stream.linear.gather [hbm4b:s31+s5], $0x80, $0x38;
	[tilespmem:$0x17D00] =	vst v63  }
0x5b: {  	_ =	swait.ge [sflag:s16], $0x80  }
0x5c: {  	[sflag:s16] =	ssyncset.done $0x0  }
0x5d: {  	[sflag:s16] =	ssyncadd.s32 $0xFFFFFF80  }
0x5e: {  	[tilespmem:s15], [sflag:$0x1] =	stream.indirect.gather [hbm4b:s0+s17], $0x80, s5, s17, $0xb8;
	[tilespmem:$0x17D00] =	vst v63  }
0x5f: {  	_ =	swait.ge [sflag:s18], $0x4000  }
0x60: {  	[sflag:s18] =	ssyncset.done $0x0  }
0x61: {  	[sflag:s18] =	ssyncadd.s32 $0xFFFFC000  }
0x62: {  	[spmem:s4] =	stream.indirect.scatter.add.f32 [tilespmem:s15], [sflag:$0x2], $0x80, s17, s17, $0xb8;
	[tilespmem:$0x17D00] =	vst v63  }
0x63: {  	_ =	swait.ge [sflag:s16], $0x4000  }
0x64: {  	s21 =	sadd.s32 $0x1, s21;
	[sflag:s16] =	ssyncset.done $0x0  }
0x65: {  	p0 =	sne.s32 s21, s13;
	[sflag:s16] =	ssyncadd.s32 $0xFFFFC000  }
.Ltmp2:
0x66: {  	[bflag:$0x0] =	sbarrier.arrive $0xFFFF;
	(pc) =	sbr.rel @p0 .LBB2_1-.Ltmp2, $4  }
0x67: {  	[hbm:s12], [sflag:s19] =	dma.local [spmem:s20], $0x2780  }
0x68: {  	_ =	swait.ge [sflag:s16], $0x2780  }
0x69: {  	[sflag:s16] =	ssyncset.done $0x0  }
0x6a: {  	[sflag:s16] =	ssyncadd.s32 $0xFFFFD880  }
0x6b: {  	_ =	sfence.sel $0x180000  }
0x6c: {  	[bflag:$0x0] =	sbarrier.arrive $0xFFFF  }
0x6d: {  	p0 =	sne.s32 s2, $0x0;
	_ =	strace $0x9000004A  }
0x6e: {  	s0 =	sadd.s32 @!p0 $0x100000, s1;
	[bflag:$0x2] =	sbarrier.arrive $0xFFFF  }
0x6f: {  	[sflag:s0] =	ssyncadd.tile.s32 @!p0 $0x1;
	_ =	shalt  }
.Lfunc_end2:
_tile_overlayer_lowered:
.L_overlay_start_2:
0x70: {  	(tag) =	ssettag $0x2  }
0x71: {  	s0 =	rddreg [dreg:$0x0];
	s2 =	stileid.u32  }
0x72: {  	s1 =	rddreg [dreg:$0x1];
	p0 =	sne.s32 s2, $0x0  }
0x73: {  	s3 =	rddreg [dreg:$0x2];
	[bflag:$0x3] =	sbarrier.arrive $0xFFFF;
	s2 =	simm.s32 @!p0 $0x1C02  }
0x74: {  	[timem:s3], [sflag:s2] =	dma.local @!p0 [hbm:s0], s1  }
0x75: {  	s0 =	simm.s32 @!p0 $0x2  }
0x76: {  	_ =	swait.ge @!p0 [sflag:s0], s1  }
0x77: {  	s1 =	ssub.s32 @!p0 $0x0, s1;
	[sflag:s0] =	ssyncset.done @!p0 $0x0  }
0x78: {  	[sflag:s0] =	ssyncadd.s32 @!p0 s1  }
0x79: {  	[bflag:$0x3] =	sbarrier.arrive $0xFFFF  }
0x7a: {  	_ =	shalt  }

// kernel: kernel.25.cloned.1.call-start
scs
__scs_entry_jumppad:
0x0: {  	(pc) =	sbr.rel $0x88, $3  }
0x1: {  	(tag) =	ssettag $0x0;
	lr =	simm.s32 $0x1  }
0x2: {  	[smem:$0x3F93] =	sst lr;
	_ =	strace $0xD0000000  }
0x3: {  	_ = 	snop  }
0x4: {  	_ = 	snop  }
0x5: {  	_ = 	snop  }
0x6: {  	_ = 	snop  }
0x7: {  	_ = 	snop  }
__scs_overlays_trampoline_lowered:
0x8: {  	[smem:$0x3FA2] =	sst s0  }
0x9: {  	[smem:$0x3FA3] =	sst s1  }
0xa: {  	[smem:$0x3FA4] =	sst s2  }
0xb: {  	[smem:$0x3FA5] =	sst s3  }
0xc: {  	[smem:$0x3FA6] =	sst s4  }
0xd: {  	[smem:$0x3FA7] =	sst s5  }
0xe: {  	[smem:$0x3FA8] =	sst s6  }
0xf: {  	[smem:$0x3FA9] =	sst s7  }
0x10: {  	[smem:$0x3FAA] =	sst s8  }
0x11: {  	[smem:$0x3FAB] =	sst s9;
	s0 =	simm.s32 @!p0 $0x0  }
0x12: {  	s1 =	sld [smem:$0x3F91];
	s0 =	simm.s32 @p0 $0x1  }
0x13: {  	[smem:$0x3FAC] =	sst s0;
	s0 =	simm.s32 @!p1 $0x0  }
0x14: {  	s2 =	sld [smem:$0x3F90];
	s0 =	simm.s32 @p1 $0x1  }
0x15: {  	[smem:$0x3FAD] =	sst s0;
	s0 =	simm.s32 @!p2 $0x0  }
0x16: {  	s3 =	sld [smem:$0x3FDB];
	s0 =	simm.s32 @p2 $0x1  }
0x17: {  	s4 =	simm.s32 $0x1BF5;
	[smem:$0x3FAF] =	sst s0  }
0x18: {  	s0 =	sld [smem:$0x3F92];
	_ =	swait.ge [sflag:s4], $0x0  }
0x19: {  	s7 =	sld [smem:$0x3F93]  }
0x1a: {  	s8 =	sadd.s32 $0xFFFFE003, lr  }
0x1b: {  	s9 =	sadd.s32 $0xFFFFFEF7, lr;
	s5 =	simm.s32 $0xFFFFFFFF;
	p2 =	slt.u32 s8, $0xFFFFF086  }
0x1c: {  	p1 =	slt.u32 s9, $0xF7A;
	s5 =	simm.s32 @!p2 $0x0  }
0x1d: {  	s5 =	simm.s32 @p1 $0x1;
	p0 =	seq.s32 s7, s2  }
0x1e: {  	s7 =	smul.u32 @!p0 $0xF7A, s2;
	p2 =	seq.s32 @!p0 s5, $0x0  }
0x1f: {  	s9 =	smul.u32 $0xF7A, s1;
	s8 =	simm.s32 @!p0 $0x1BF5;
	p2 =	por !p2, p0  }
0x20: {  	[sflag:s8] =	ssyncset.s32 @!p0 $0xFFFFF086;
	s6 =	sadd.s32 @!p0 s3, s7;
	s7 =	simm.s32 @!p0 $0x108  }
0x21: {  	s3 =	sadd.s32 s3, s9;
	s6 =	sadd.s32 @!p0 $0x88, s6;
	s7 =	simm.s32 @p2 $0x1082  }
0x22: {  	[simem:s7], [sflag:s8] =	dma.local @!p0 [hbm:s6], $0xF7A  }
0x23: {  	s9 =	sor.u32 $0xD0000000, s2;
	s6 =	simm.s32 $0x108;
	_ =	swait.ge @!p0 [sflag:s8], $0x0  }
0x24: {  	s3 =	sadd.s32 $0x88, s3;
	s6 =	simm.s32 @!p1 $0x1082;
	[sflag:s4] =	ssyncset.s32 $0xFFFFF086  }
0x25: {  	[simem:s6], [sflag:s4] =	dma.local [hbm:s3], $0xF7A  }
0x26: {  	[smem:$0x3F93] =	sst s1;
	(tag) =	ssettag s2;
	_ =	strace s9  }
0x27: {  	s1 =	sld [smem:$0x3FA3]  }
0x28: {  	s2 =	sld [smem:$0x3FA4]  }
0x29: {  	s4 =	sld [smem:$0x3FA6]  }
0x2a: {  	p0 =	seq.s32 s5, $0x0;
	s5 =	sld [smem:$0x3FA7]  }
0x2b: {  	s6 =	sld [smem:$0x3FA8]  }
0x2c: {  	s7 =	sld [smem:$0x3FA9]  }
0x2d: {  	s3 =	simm.s32 $0x108;
	s8 =	sld [smem:$0x3FAA]  }
0x2e: {  	s3 =	simm.s32 @!p0 $0x1082;
	s9 =	sld [smem:$0x3FAB]  }
0x2f: {  	lr =	sadd.s32 s0, s3;
	s0 =	sld [smem:$0x3FA2]  }
0x30: {  	s3 =	sld [smem:$0x3FA5]  }
0x31: {  	[smem:$0x3FAE] =	sst s10  }
0x32: {  	s10 =	sld [smem:$0x3FAC];
	_ =	sdelay $0x3  }
0x33: {  	p0 =	seq.s32 s10, $0x1;
	s10 =	sld [smem:$0x3FAE];
	_ =	sdelay $0x3  }
0x34: {  	[smem:$0x3FAE] =	sst s10  }
0x35: {  	s10 =	sld [smem:$0x3FAD];
	_ =	sdelay $0x3  }
0x36: {  	p1 =	seq.s32 s10, $0x1;
	s10 =	sld [smem:$0x3FAE];
	_ =	sdelay $0x3  }
0x37: {  	[smem:$0x3FAE] =	sst s10  }
0x38: {  	s10 =	sld [smem:$0x3FAF]  }
0x39: {  	_ = 	snop;
	(pc) =	sbr.ind lr, $3  }
0x3a: {  	_ = 	snop  }
0x3b: {  	_ = 	snop  }
0x3c: {  	p2 =	seq.s32 s10, $0x1;
	s10 =	sld [smem:$0x3FAE]  }
0x3d: {  	_ =	shalt  }
0x3e: {  	_ =	shalt  }
0x3f: {  	_ =	shalt  }
0x40: {  	_ =	shalt  }
0x41: {  	_ =	shalt  }
0x42: {  	_ =	shalt  }
0x43: {  	_ =	shalt  }
0x44: {  	_ =	shalt  }
0x45: {  	_ =	shalt  }
0x46: {  	_ =	shalt  }
0x47: {  	_ =	shalt  }
0x48: {  	_ =	shalt  }
0x49: {  	_ =	shalt  }
0x4a: {  	_ =	shalt  }
0x4b: {  	_ =	shalt  }
0x4c: {  	_ =	shalt  }
0x4d: {  	_ =	shalt  }
0x4e: {  	_ =	shalt  }
0x4f: {  	_ =	shalt  }
0x50: {  	_ =	shalt  }
0x51: {  	_ =	shalt  }
0x52: {  	_ =	shalt  }
0x53: {  	_ =	shalt  }
0x54: {  	_ =	shalt  }
0x55: {  	_ =	shalt  }
0x56: {  	_ =	shalt  }
0x57: {  	_ =	shalt  }
0x58: {  	_ =	shalt  }
0x59: {  	_ =	shalt  }
0x5a: {  	_ =	shalt  }
0x5b: {  	_ =	shalt  }
0x5c: {  	_ =	shalt  }
0x5d: {  	_ =	shalt  }
0x5e: {  	_ =	shalt  }
0x5f: {  	_ =	shalt  }
0x60: {  	_ =	shalt  }
0x61: {  	_ =	shalt  }
0x62: {  	_ =	shalt  }
0x63: {  	_ =	shalt  }
0x64: {  	_ =	shalt  }
0x65: {  	_ =	shalt  }
0x66: {  	_ =	shalt  }
0x67: {  	_ =	shalt  }
0x68: {  	_ =	shalt  }
0x69: {  	_ =	shalt  }
0x6a: {  	_ =	shalt  }
0x6b: {  	_ =	shalt  }
0x6c: {  	_ =	shalt  }
0x6d: {  	_ =	shalt  }
0x6e: {  	_ =	shalt  }
0x6f: {  	_ =	shalt  }
0x70: {  	_ =	shalt  }
0x71: {  	_ =	shalt  }
0x72: {  	_ =	shalt  }
0x73: {  	_ =	shalt  }
0x74: {  	_ =	shalt  }
0x75: {  	_ =	shalt  }
0x76: {  	_ =	shalt  }
0x77: {  	_ =	shalt  }
0x78: {  	_ =	shalt  }
0x79: {  	_ =	shalt  }
0x7a: {  	_ =	shalt  }
0x7b: {  	_ =	shalt  }
0x7c: {  	_ =	shalt  }
0x7d: {  	_ =	shalt  }
0x7e: {  	_ =	shalt  }
0x7f: {  	_ =	shalt  }
0x80: {  	_ =	shalt  }
0x81: {  	_ =	shalt  }
0x82: {  	_ =	shalt  }
0x83: {  	_ =	shalt  }
0x84: {  	_ =	shalt  }
0x85: {  	_ =	shalt  }
0x86: {  	_ =	shalt  }
0x87: {  	_ =	shalt  }
.Lfunc_end0:
.L_simem_size_0:
called_computation.2_lowered:
.L_overlay_start_0:
0x88: {  	s2 =	sld [smem:$0x3FD9]  }
0x89: {  	s3 =	sld [smem:$0x3FFE];
	_ =	sdelay $0x1  }
0x8a: {  	s1 =	srdreg.scid  }
0x8b: {  	s0 =	sand.u32 $0x1, s1  }
0x8c: {  	s16 =	sshll.u32 s0, $0xA;
	s2 =	sadd.s32 s3, s2  }
0x8d: {  	s2 =	sadd.s32 s2, s16  }
0x8e: {  	[smem:$0x3FBA] =	sst s2  }
0x8f: {  	_ = 	snop  }
0x90: {  	(tm) =	ssettm $0x1  }
0x91: {  	s17 =	sld [smem:$0x3FFB];
	_ =	sdelay $0x3  }
0x92: {  	_ =	strace s17  }
0x93: {  	s2 =	sld [smem:$0x3FFC];
	_ =	sdelay $0x3  }
0x94: {  	_ =	strace s2  }
0x95: {  	s2 =	sld [smem:$0x3FFD];
	_ =	sdelay $0x3  }
0x96: {  	_ =	strace s2  }
0x97: {  	_ =	strace $0x8FFFFFFF  }
0x98: {  	s18 =	sld [smem:$0x3FDB];
	_ =	sdelay $0x1  }
0x99: {  	s19 =	simm.s32 $_scs_section_size  }
0x9a: {  	s4 =	simm.s32 $_size__tile_overlayer_lowered;
	s5 =	simm.s32 $_tile_overlayer_lowered  }
0x9b: {  	s22 =	simm.s32 $0x1BFF;
	s21 =	sshll.u32 s5, $0x1;
	s2 =	sadd.s32 s19, s18  }
0x9c: {  	s6 =	simm.s32 $0x0;
	s20 =	sshll.u32 s4, $0x1;
	s4 =	sadd.s32 s21, s2  }
0x9d: {  	[timem:s6], [sflag:s22] =	dma.local [hbm:s4], s20  }
0x9e: {  	_ =	swait.ge [sflag:s22], s20  }
0x9f: {  	s3 =	ssub.s32 $0x0, s20;
	[sflag:s22] =	ssyncset.done $0x0  }
0xa0: {  	[sflag:s22] =	ssyncadd.s32 s3;
	_ =	sdelay $0x1  }
0xa1: {  	s23 =	simm.s32 $0x1B8B  }
0xa2: {  	_ =	swait.ge [sflag:s23], $0x1  }
0xa3: {  	[sflag:s23] =	ssyncset.done $0x0  }
0xa4: {  	s25 =	simm.s32 $0x1B8E;
	s24 =	sld [smem:$0x3FFE];
	[sflag:s23] =	ssyncadd.s32 $0xFFFFFFFF  }
0xa5: {  	s26 =	simm.s32 $execute0_lowered;
	[smem:$0x3FD2] =	sst s25  }
0xa6: {  	s4 =	sshll.u32 s26, $0x1;
	_ =	strace $0x8000004C;
	[dreg:$0x1] =	wrdreg $0xFFFFFFFF  }
0xa7: {  	s28 =	simm.s32 $_size_execute0_lowered;
	s2 =	sadd.s32 s2, s4;
	[dreg:$0x0] =	wrdreg $0x0  }
0xa8: {  	s4 =	sshll.u32 s28, $0x1;
	[dreg:$0x2] =	wrdreg s2  }
0xa9: {  	[dreg:$0x3] =	wrdreg s4  }
0xaa: {  	[dreg:$0x4] =	wrdreg $0xC0  }
0xab: {  	_ =	task [dreg:s6], $0x5FFFF  }
0xac: {  	[dreg:$0x1] =	wrdreg $0xFFFFFFFF  }
0xad: {  	[dreg:$0x0] =	wrdreg $0x60  }
0xae: {  	[dreg:$0x2] =	wrdreg s24  }
0xaf: {  	[dreg:$0x3] =	wrdreg $0x41000  }
0xb0: {  	[dreg:$0x4] =	wrdreg $0x9  }
0xb1: {  	_ =	task.clear_ibuf [dreg:s6], $0x5FFFF;
	_ =	strace $0x9000004C  }
0xb2: {  	s29 =	simm.s32 $0x9;
	_ =	strace $0x8000004E  }
0xb3: {  	_ =	swait.ge [sflag:s29], $0x1  }
0xb4: {  	[sflag:s29] =	ssyncadd.s32 $0xFFFFFFFF  }
0xb5: {  	_ =	strace $0x9000004E  }
0xb6: {  	_ =	sfence  }
0xb7: {  	s30 =	sld [smem:$0x0];
	_ =	sdelay $0x2  }
0xb8: {  	s31 =	sshll.u32 s1, $0xD;
	s1 =	sshrl.u32 s1, $0x2  }
0xb9: {  	s3 =	sand.u32 $0x4000, s31;
	s1 =	sadd.s32 s1, s30  }
0xba: {  	s0 =	sor.u32 s3, s0;
	s1 =	sshll.u32 s1, $0x11  }
0xbb: {  	s0 =	sor.u32 s1, s0  }
0xbc: {  	s0 =	sadd.s32 $0x8F2B, s0  }
0xbd: {  	[sflag:s0] =	ssyncadd.remote.s32 $0x1  }
0xbe: {  	_ =	sfence.sel $0xFFFF  }
0xbf: {  	[dreg:$0x0] =	wrdreg $0xFFFFFFFF;
	(pc) =	sbr.abs _section_cstart, $3  }
0xc0: {  	[dreg:$0x1] =	wrdreg $0xFFFFFFFF  }
0xc1: {  	_ =	task.clear_ibuf [dreg:s6], $0x2FFFF;
	_ =	strace $0x9FFFFFFF  }
0xc2: {  	(tm) =	ssettm $0x7FFFFFFF  }
0xc3: {  	_ =	shalt  }
tec
execute0_lowered:
.L_overlay_start_1:
0x0: {  	(tag) =	ssettag $0x1  }
0x1: {  	s1 =	rddreg [dreg:$0x0]  }
0x2: {  	s2 =	rddreg [dreg:$0x1];
	s3 =	srdreg.scid  }
0x3: {  	s0 =	rddreg [dreg:$0x2];
	s4 =	simm.s32 $0x0;
	s16 =	simm.s32 $0x2  }
0x4: {  	s17 =	simm.s32 $0x80;
	s18 =	simm.s32 $0x1;
	s9 =	sand.u32 $0x1, s3  }
0x5: {  	s21 =	simm.s32 $0x0;
	s3 =	stileid.u32;
	s7 =	smul.u32 $0x13C000, s9  }
0x6: {  	[smem:$0x7FF] =	sst s4;
	s5 =	sadd.s32 $0x16000, s1;
	s8 =	smul.u32 $0x13C00, s3  }
0x7: {  	s6 =	sadd.s32 $0xA000, s1;
	_ =	strace $0x8000004D;
	s10 =	smul.u32 $0x4F000, s3  }
0x8: {  	s31 =	ssub.s32 $0x2, s9;
	s14 =	smul.u32 $0x5000, s9;
	s19 =	sshll.u32 s3, $0x6  }
0x9: {  	s15 =	smul.u32 $0x500, s3;
	s11 =	sshrl.u32 s31, $0x1;
	s19 =	sor.u32 $0x1C02, s19  }
0xa: {  	s7 =	sadd.s32 s8, s7;
	s10 =	sshrl.u32 s10, $0x2;
	s13 =	ssub.s32 s31, s11  }
0xb: {  	s14 =	sadd.s32 s15, s14;
	s15 =	simm.s32 $0x100;
	s7 =	sshrl.u32 s7, $0x3  }
0xc: {  	s13 =	smax.u32 s13, $0x1;
	s12 =	sadd.s32 s7, s1;
	s7 =	sadd.s32 s10, s2  }
0xd: {  	s8 =	sadd.s32 $0x4000, s7;
	s9 =	sadd.s32 $0x8000, s7;
	s10 =	sadd.s32 $0xC000, s7  }
0xe: {  	v0 =	vimm.f32 $0.0e+00;
	s11 =	sadd.s32 $0x10000, s7;
	s12 =	sadd.s32 $0xB1400, s12;
	s20 =	sshrl.u32 s7, $0x3  }
.LBB2_1:
0xf: {  	s22 =	simm.s32 $0x0;
	s23 =	simm.s32 $0x200  }
.LBB2_2:
0x10: {  	p0 =	sne.s32 s23, $0xFE00;
	[tilespmem:s22+$0x170] =	vst v0  }
0x11: {  	[tilespmem:s22+$0x100] =	vst v0  }
0x12: {  	[tilespmem:s22+$0x110] =	vst v0  }
.Ltmp0:
0x13: {  	[tilespmem:s22+$0x120] =	vst v0;
	(pc) =	sbr.rel @p0 .LBB2_2-.Ltmp0, $4  }
0x14: {  	[tilespmem:s22+$0x130] =	vst v0  }
0x15: {  	[tilespmem:s22+$0x140] =	vst v0  }
0x16: {  	[tilespmem:s22+$0x150] =	vst v0  }
0x17: {  	[tilespmem:s22+$0x160] =	vst v0;
	s22 =	sshra.s32 s23, $0x2;
	s23 =	sadd.s32 $0x200, s23  }
0x18: {  	[tilespmem:s22+$0x170] =	vst v0  }
0x19: {  	[tilespmem:s22+$0x100] =	vst v0  }
0x1a: {  	[tilespmem:s22+$0x110] =	vst v0  }
0x1b: {  	[tilespmem:s22+$0x120] =	vst v0  }
0x1c: {  	[tilespmem:s22+$0x130] =	vst v0  }
0x1d: {  	[tilespmem:s22+$0x140] =	vst v0  }
0x1e: {  	[tilespmem:s22+$0x150] =	vst v0  }
0x1f: {  	[tilespmem:s22+$0x160] =	vst v0  }
0x20: {  	[spmem:s7] =	stream.linear.scatter [tilespmem:s15], [sflag:$0x2], $0x4000, $0x38;
	[tilespmem:$0x17D00] =	vst v63  }
0x21: {  	_ =	swait.ge [sflag:s16], $0x4000  }
0x22: {  	[sflag:s16] =	ssyncset.done $0x0  }
0x23: {  	[sflag:s16] =	ssyncadd.s32 $0xFFFFC000  }
0x24: {  	[spmem:s8] =	stream.linear.scatter [tilespmem:s15], [sflag:$0x2], $0x4000, $0x38;
	[tilespmem:$0x17D00] =	vst v63  }
0x25: {  	_ =	swait.ge [sflag:s16], $0x4000  }
0x26: {  	[sflag:s16] =	ssyncset.done $0x0  }
0x27: {  	[sflag:s16] =	ssyncadd.s32 $0xFFFFC000  }
0x28: {  	[spmem:s9] =	stream.linear.scatter [tilespmem:s15], [sflag:$0x2], $0x4000, $0x38;
	[tilespmem:$0x17D00] =	vst v63  }
0x29: {  	_ =	swait.ge [sflag:s16], $0x4000  }
0x2a: {  	[sflag:s16] =	ssyncset.done $0x0  }
0x2b: {  	[sflag:s16] =	ssyncadd.s32 $0xFFFFC000  }
0x2c: {  	[spmem:s10] =	stream.linear.scatter [tilespmem:s15], [sflag:$0x2], $0x4000, $0x38;
	[tilespmem:$0x17D00] =	vst v63  }
0x2d: {  	_ =	swait.ge [sflag:s16], $0x4000  }
0x2e: {  	[sflag:s16] =	ssyncset.done $0x0  }
0x2f: {  	[sflag:s16] =	ssyncadd.s32 $0xFFFFC000  }
0x30: {  	[spmem:s11] =	stream.linear.scatter [tilespmem:s15], [sflag:$0x2], $0x3C00, $0x38;
	[tilespmem:$0x17D00] =	vst v63  }
0x31: {  	s29 =	simm.s32 $0x0;
	s23 =	sadd.s32 $0x0, s14;
	_ =	swait.ge [sflag:s16], $0x3C00  }
0x32: {  	s23 =	sand.u32 $0xFFFFF80, s23;
	s22 =	sand.u32 $0x70, s29;
	[sflag:s16] =	ssyncset.done $0x0  }
0x33: {  	s22 =	sor.u32 s22, s23;
	[sflag:s16] =	ssyncadd.s32 $0xFFFFC400  }
0x34: {  	s23 =	sadd.s32 s1, s22;
	[bflag:$0x0] =	sbarrier.arrive $0xFFFF  }
0x35: {  	[tilespmem:s4], [sflag:$0x2] =	stream.linear.gather [hbm4b:s23+s4], $0x80, $0x38;
	[tilespmem:$0x17D00] =	vst v63  }
0x36: {  	_ =	swait.ge [sflag:s16], $0x80  }
0x37: {  	[sflag:s16] =	ssyncset.done $0x0  }
0x38: {  	s22 =	sadd.s32 s6, s22;
	[sflag:s16] =	ssyncadd.s32 $0xFFFFFF80  }
0x39: {  	[tilespmem:s17], [sflag:$0x2] =	stream.linear.gather [hbm4b:s22+s4], $0x80, $0x38;
	[tilespmem:$0x17D00] =	vst v63  }
0x3a: {  	_ =	swait.ge [sflag:s16], $0x80  }
0x3b: {  	[sflag:s16] =	ssyncset.done $0x0  }
0x3c: {  	[sflag:s16] =	ssyncadd.s32 $0xFFFFFF80  }
0x3d: {  	[tilespmem:s15], [sflag:$0x1] =	stream.indirect.gather [hbm4b:s5+s17], $0x80, s4, s17, $0xb8;
	[tilespmem:$0x17D00] =	vst v63  }
0x3e: {  	_ =	swait.ge [sflag:s18], $0x4000  }
0x3f: {  	[sflag:s18] =	ssyncset.done $0x0  }
0x40: {  	s30 =	simm.s32 $0x10;
	s31 =	sadd.s32 $0x10, s14;
	[sflag:s18] =	ssyncadd.s32 $0xFFFFC000  }
0x41: {  	[spmem:s2] =	stream.indirect.scatter.add.f32 [tilespmem:s15], [sflag:$0x2], $0x80, s17, s17, $0xb8;
	[tilespmem:$0x17D00] =	vst v63  }
0x42: {  	s24 =	sand.u32 $0xFFFFF80, s31;
	s22 =	sand.u32 $0x70, s30;
	_ =	swait.ge [sflag:s16], $0x4000  }
0x43: {  	s23 =	simm.s32 $0x20;
	s22 =	sor.u32 s22, s24;
	[sflag:s16] =	ssyncset.done $0x0  }
.LBB2_4:
0x44: {  	s24 =	sadd.s32 s1, s22  }
0x45: {  	[sflag:s16] =	ssyncadd.s32 $0xFFFFC000;
	s25 =	smov.u32 s23;
	s26 =	sadd.s32 $0x10, s23  }
0x46: {  	[tilespmem:s4], [sflag:$0x2] =	stream.linear.gather [hbm4b:s24+s4], $0x80, $0x38;
	[tilespmem:$0x17D00] =	vst v63  }
0x47: {  	p0 =	sne.s32 s23, $0x4F0;
	_ =	swait.ge [sflag:s16], $0x80  }
0x48: {  	[sflag:s16] =	ssyncset.done $0x0  }
0x49: {  	s22 =	sadd.s32 s6, s22;
	[sflag:s16] =	ssyncadd.s32 $0xFFFFFF80  }
0x4a: {  	[tilespmem:s17], [sflag:$0x2] =	stream.linear.gather [hbm4b:s22+s4], $0x80, $0x38;
	[tilespmem:$0x17D00] =	vst v63  }
0x4b: {  	_ =	swait.ge [sflag:s16], $0x80  }
0x4c: {  	[sflag:s16] =	ssyncset.done $0x0  }
0x4d: {  	[sflag:s16] =	ssyncadd.s32 $0xFFFFFF80  }
0x4e: {  	[tilespmem:s15], [sflag:$0x1] =	stream.indirect.gather [hbm4b:s5+s17], $0x80, s4, s17, $0xb8;
	[tilespmem:$0x17D00] =	vst v63  }
0x4f: {  	_ =	swait.ge [sflag:s18], $0x4000  }
.Ltmp1:
0x50: {  	[sflag:s18] =	ssyncset.done $0x0;
	(pc) =	sbr.rel @p0 .LBB2_4-.Ltmp1, $4  }
0x51: {  	s22 =	sadd.s32 s25, s14;
	[sflag:s18] =	ssyncadd.s32 $0xFFFFC000  }
0x52: {  	[spmem:s2] =	stream.indirect.scatter.add.f32 [tilespmem:s15], [sflag:$0x2], $0x80, s17, s17, $0xb8;
	[tilespmem:$0x17D00] =	vst v63  }
0x53: {  	s23 =	sand.u32 $0x70, s25;
	s22 =	sand.u32 $0xFFFFF80, s22;
	_ =	swait.ge [sflag:s16], $0x4000  }
0x54: {  	s22 =	sor.u32 s23, s22;
	s23 =	smov.u32 s26;
	[sflag:s16] =	ssyncset.done $0x0  }
0x55: {  	s23 =	sadd.s32 s1, s22;
	[sflag:s16] =	ssyncadd.s32 $0xFFFFC000  }
0x56: {  	[tilespmem:s4], [sflag:$0x2] =	stream.linear.gather [hbm4b:s23+s4], $0x80, $0x38;
	[tilespmem:$0x17D00] =	vst v63  }
0x57: {  	_ =	swait.ge [sflag:s16], $0x80  }
0x58: {  	[sflag:s16] =	ssyncset.done $0x0  }
0x59: {  	s31 =	sadd.s32 s6, s22;
	[sflag:s16] =	ssyncadd.s32 $0xFFFFFF80  }
0x5a: {  	[tilespmem:s17], [sflag:$0x2] =	stream.linear.gather [hbm4b:s31+s4], $0x80, $0x38;
	[tilespmem:$0x17D00] =	vst v63  }
0x5b: {  	_ =	swait.ge [sflag:s16], $0x80  }
0x5c: {  	[sflag:s16] =	ssyncset.done $0x0  }
0x5d: {  	[sflag:s16] =	ssyncadd.s32 $0xFFFFFF80  }
0x5e: {  	[tilespmem:s15], [sflag:$0x1] =	stream.indirect.gather [hbm4b:s5+s17], $0x80, s4, s17, $0xb8;
	[tilespmem:$0x17D00] =	vst v63  }
0x5f: {  	_ =	swait.ge [sflag:s18], $0x4000  }
0x60: {  	[sflag:s18] =	ssyncset.done $0x0  }
0x61: {  	[sflag:s18] =	ssyncadd.s32 $0xFFFFC000  }
0x62: {  	[spmem:s2] =	stream.indirect.scatter.add.f32 [tilespmem:s15], [sflag:$0x2], $0x80, s17, s17, $0xb8;
	[tilespmem:$0x17D00] =	vst v63  }
0x63: {  	_ =	swait.ge [sflag:s16], $0x4000  }
0x64: {  	s21 =	sadd.s32 $0x1, s21;
	[sflag:s16] =	ssyncset.done $0x0  }
0x65: {  	p0 =	sne.s32 s21, s13;
	[sflag:s16] =	ssyncadd.s32 $0xFFFFC000  }
.Ltmp2:
0x66: {  	[bflag:$0x0] =	sbarrier.arrive $0xFFFF;
	(pc) =	sbr.rel @p0 .LBB2_1-.Ltmp2, $4  }
0x67: {  	[hbm:s12], [sflag:s19] =	dma.local [spmem:s20], $0x2780  }
0x68: {  	_ =	swait.ge [sflag:s16], $0x2780  }
0x69: {  	[sflag:s16] =	ssyncset.done $0x0  }
0x6a: {  	[sflag:s16] =	ssyncadd.s32 $0xFFFFD880  }
0x6b: {  	_ =	sfence.sel $0x180000  }
0x6c: {  	[bflag:$0x0] =	sbarrier.arrive $0xFFFF  }
0x6d: {  	p0 =	sne.s32 s3, $0x0;
	_ =	strace $0x9000004D  }
0x6e: {  	s0 =	sadd.s32 @!p0 $0x100000, s0;
	[bflag:$0x2] =	sbarrier.arrive $0xFFFF  }
0x6f: {  	[sflag:s0] =	ssyncadd.tile.s32 @!p0 $0x1;
	_ =	shalt  }
.Lfunc_end2:
_tile_overlayer_lowered:
.L_overlay_start_2:
0x70: {  	(tag) =	ssettag $0x2  }
0x71: {  	s0 =	rddreg [dreg:$0x0];
	s2 =	stileid.u32  }
0x72: {  	s1 =	rddreg [dreg:$0x1];
	p0 =	sne.s32 s2, $0x0  }
0x73: {  	s3 =	rddreg [dreg:$0x2];
	[bflag:$0x3] =	sbarrier.arrive $0xFFFF;
	s2 =	simm.s32 @!p0 $0x1C02  }
0x74: {  	[timem:s3], [sflag:s2] =	dma.local @!p0 [hbm:s0], s1  }
0x75: {  	s0 =	simm.s32 @!p0 $0x2  }
0x76: {  	_ =	swait.ge @!p0 [sflag:s0], s1  }
0x77: {  	s1 =	ssub.s32 @!p0 $0x0, s1;
	[sflag:s0] =	ssyncset.done @!p0 $0x0  }
0x78: {  	[sflag:s0] =	ssyncadd.s32 @!p0 s1  }
0x79: {  	[bflag:$0x3] =	sbarrier.arrive $0xFFFF  }
0x7a: {  	_ =	shalt  }

// kernel: kernel.28.cloned.1.call-start
scs
__scs_entry_jumppad:
0x0: {  	(pc) =	sbr.rel $0x88, $3  }
0x1: {  	(tag) =	ssettag $0x0;
	lr =	simm.s32 $0x1  }
0x2: {  	[smem:$0x3F93] =	sst lr;
	_ =	strace $0xD0000000  }
0x3: {  	_ = 	snop  }
0x4: {  	_ = 	snop  }
0x5: {  	_ = 	snop  }
0x6: {  	_ = 	snop  }
0x7: {  	_ = 	snop  }
__scs_overlays_trampoline_lowered:
0x8: {  	[smem:$0x3FA2] =	sst s0  }
0x9: {  	[smem:$0x3FA3] =	sst s1  }
0xa: {  	[smem:$0x3FA4] =	sst s2  }
0xb: {  	[smem:$0x3FA5] =	sst s3  }
0xc: {  	[smem:$0x3FA6] =	sst s4  }
0xd: {  	[smem:$0x3FA7] =	sst s5  }
0xe: {  	[smem:$0x3FA8] =	sst s6  }
0xf: {  	[smem:$0x3FA9] =	sst s7  }
0x10: {  	[smem:$0x3FAA] =	sst s8  }
0x11: {  	[smem:$0x3FAB] =	sst s9;
	s0 =	simm.s32 @!p0 $0x0  }
0x12: {  	s1 =	sld [smem:$0x3F91];
	s0 =	simm.s32 @p0 $0x1  }
0x13: {  	[smem:$0x3FAC] =	sst s0;
	s0 =	simm.s32 @!p1 $0x0  }
0x14: {  	s2 =	sld [smem:$0x3F90];
	s0 =	simm.s32 @p1 $0x1  }
0x15: {  	[smem:$0x3FAD] =	sst s0;
	s0 =	simm.s32 @!p2 $0x0  }
0x16: {  	s3 =	sld [smem:$0x3FDB];
	s0 =	simm.s32 @p2 $0x1  }
0x17: {  	s4 =	simm.s32 $0x1BF5;
	[smem:$0x3FAF] =	sst s0  }
0x18: {  	s0 =	sld [smem:$0x3F92];
	_ =	swait.ge [sflag:s4], $0x0  }
0x19: {  	s7 =	sld [smem:$0x3F93]  }
0x1a: {  	s8 =	sadd.s32 $0xFFFFE003, lr  }
0x1b: {  	s9 =	sadd.s32 $0xFFFFFEF7, lr;
	s5 =	simm.s32 $0xFFFFFFFF;
	p2 =	slt.u32 s8, $0xFFFFF086  }
0x1c: {  	p1 =	slt.u32 s9, $0xF7A;
	s5 =	simm.s32 @!p2 $0x0  }
0x1d: {  	s5 =	simm.s32 @p1 $0x1;
	p0 =	seq.s32 s7, s2  }
0x1e: {  	s7 =	smul.u32 @!p0 $0xF7A, s2;
	p2 =	seq.s32 @!p0 s5, $0x0  }
0x1f: {  	s9 =	smul.u32 $0xF7A, s1;
	s8 =	simm.s32 @!p0 $0x1BF5;
	p2 =	por !p2, p0  }
0x20: {  	[sflag:s8] =	ssyncset.s32 @!p0 $0xFFFFF086;
	s6 =	sadd.s32 @!p0 s3, s7;
	s7 =	simm.s32 @!p0 $0x108  }
0x21: {  	s3 =	sadd.s32 s3, s9;
	s6 =	sadd.s32 @!p0 $0x88, s6;
	s7 =	simm.s32 @p2 $0x1082  }
0x22: {  	[simem:s7], [sflag:s8] =	dma.local @!p0 [hbm:s6], $0xF7A  }
0x23: {  	s9 =	sor.u32 $0xD0000000, s2;
	s6 =	simm.s32 $0x108;
	_ =	swait.ge @!p0 [sflag:s8], $0x0  }
0x24: {  	s3 =	sadd.s32 $0x88, s3;
	s6 =	simm.s32 @!p1 $0x1082;
	[sflag:s4] =	ssyncset.s32 $0xFFFFF086  }
0x25: {  	[simem:s6], [sflag:s4] =	dma.local [hbm:s3], $0xF7A  }
0x26: {  	[smem:$0x3F93] =	sst s1;
	(tag) =	ssettag s2;
	_ =	strace s9  }
0x27: {  	s1 =	sld [smem:$0x3FA3]  }
0x28: {  	s2 =	sld [smem:$0x3FA4]  }
0x29: {  	s4 =	sld [smem:$0x3FA6]  }
0x2a: {  	p0 =	seq.s32 s5, $0x0;
	s5 =	sld [smem:$0x3FA7]  }
0x2b: {  	s6 =	sld [smem:$0x3FA8]  }
0x2c: {  	s7 =	sld [smem:$0x3FA9]  }
0x2d: {  	s3 =	simm.s32 $0x108;
	s8 =	sld [smem:$0x3FAA]  }
0x2e: {  	s3 =	simm.s32 @!p0 $0x1082;
	s9 =	sld [smem:$0x3FAB]  }
0x2f: {  	lr =	sadd.s32 s0, s3;
	s0 =	sld [smem:$0x3FA2]  }
0x30: {  	s3 =	sld [smem:$0x3FA5]  }
0x31: {  	[smem:$0x3FAE] =	sst s10  }
0x32: {  	s10 =	sld [smem:$0x3FAC];
	_ =	sdelay $0x3  }
0x33: {  	p0 =	seq.s32 s10, $0x1;
	s10 =	sld [smem:$0x3FAE];
	_ =	sdelay $0x3  }
0x34: {  	[smem:$0x3FAE] =	sst s10  }
0x35: {  	s10 =	sld [smem:$0x3FAD];
	_ =	sdelay $0x3  }
0x36: {  	p1 =	seq.s32 s10, $0x1;
	s10 =	sld [smem:$0x3FAE];
	_ =	sdelay $0x3  }
0x37: {  	[smem:$0x3FAE] =	sst s10  }
0x38: {  	s10 =	sld [smem:$0x3FAF]  }
0x39: {  	_ = 	snop;
	(pc) =	sbr.ind lr, $3  }
0x3a: {  	_ = 	snop  }
0x3b: {  	_ = 	snop  }
0x3c: {  	p2 =	seq.s32 s10, $0x1;
	s10 =	sld [smem:$0x3FAE]  }
0x3d: {  	_ =	shalt  }
0x3e: {  	_ =	shalt  }
0x3f: {  	_ =	shalt  }
0x40: {  	_ =	shalt  }
0x41: {  	_ =	shalt  }
0x42: {  	_ =	shalt  }
0x43: {  	_ =	shalt  }
0x44: {  	_ =	shalt  }
0x45: {  	_ =	shalt  }
0x46: {  	_ =	shalt  }
0x47: {  	_ =	shalt  }
0x48: {  	_ =	shalt  }
0x49: {  	_ =	shalt  }
0x4a: {  	_ =	shalt  }
0x4b: {  	_ =	shalt  }
0x4c: {  	_ =	shalt  }
0x4d: {  	_ =	shalt  }
0x4e: {  	_ =	shalt  }
0x4f: {  	_ =	shalt  }
0x50: {  	_ =	shalt  }
0x51: {  	_ =	shalt  }
0x52: {  	_ =	shalt  }
0x53: {  	_ =	shalt  }
0x54: {  	_ =	shalt  }
0x55: {  	_ =	shalt  }
0x56: {  	_ =	shalt  }
0x57: {  	_ =	shalt  }
0x58: {  	_ =	shalt  }
0x59: {  	_ =	shalt  }
0x5a: {  	_ =	shalt  }
0x5b: {  	_ =	shalt  }
0x5c: {  	_ =	shalt  }
0x5d: {  	_ =	shalt  }
0x5e: {  	_ =	shalt  }
0x5f: {  	_ =	shalt  }
0x60: {  	_ =	shalt  }
0x61: {  	_ =	shalt  }
0x62: {  	_ =	shalt  }
0x63: {  	_ =	shalt  }
0x64: {  	_ =	shalt  }
0x65: {  	_ =	shalt  }
0x66: {  	_ =	shalt  }
0x67: {  	_ =	shalt  }
0x68: {  	_ =	shalt  }
0x69: {  	_ =	shalt  }
0x6a: {  	_ =	shalt  }
0x6b: {  	_ =	shalt  }
0x6c: {  	_ =	shalt  }
0x6d: {  	_ =	shalt  }
0x6e: {  	_ =	shalt  }
0x6f: {  	_ =	shalt  }
0x70: {  	_ =	shalt  }
0x71: {  	_ =	shalt  }
0x72: {  	_ =	shalt  }
0x73: {  	_ =	shalt  }
0x74: {  	_ =	shalt  }
0x75: {  	_ =	shalt  }
0x76: {  	_ =	shalt  }
0x77: {  	_ =	shalt  }
0x78: {  	_ =	shalt  }
0x79: {  	_ =	shalt  }
0x7a: {  	_ =	shalt  }
0x7b: {  	_ =	shalt  }
0x7c: {  	_ =	shalt  }
0x7d: {  	_ =	shalt  }
0x7e: {  	_ =	shalt  }
0x7f: {  	_ =	shalt  }
0x80: {  	_ =	shalt  }
0x81: {  	_ =	shalt  }
0x82: {  	_ =	shalt  }
0x83: {  	_ =	shalt  }
0x84: {  	_ =	shalt  }
0x85: {  	_ =	shalt  }
0x86: {  	_ =	shalt  }
0x87: {  	_ =	shalt  }
.Lfunc_end0:
.L_simem_size_0:
called_computation.3_lowered:
.L_overlay_start_0:
0x88: {  	s2 =	sld [smem:$0x3FD9]  }
0x89: {  	s3 =	sld [smem:$0x3FFE];
	_ =	sdelay $0x1  }
0x8a: {  	s1 =	srdreg.scid  }
0x8b: {  	s0 =	sand.u32 $0x1, s1  }
0x8c: {  	s16 =	sshll.u32 s0, $0xA;
	s2 =	sadd.s32 s3, s2  }
0x8d: {  	s2 =	sadd.s32 s2, s16  }
0x8e: {  	[smem:$0x3FBA] =	sst s2  }
0x8f: {  	_ = 	snop  }
0x90: {  	(tm) =	ssettm $0x1  }
0x91: {  	s17 =	sld [smem:$0x3FFB];
	_ =	sdelay $0x3  }
0x92: {  	_ =	strace s17  }
0x93: {  	s2 =	sld [smem:$0x3FFC];
	_ =	sdelay $0x3  }
0x94: {  	_ =	strace s2  }
0x95: {  	s2 =	sld [smem:$0x3FFD];
	_ =	sdelay $0x3  }
0x96: {  	_ =	strace s2  }
0x97: {  	_ =	strace $0x8FFFFFFF  }
0x98: {  	s18 =	sld [smem:$0x3FDB];
	_ =	sdelay $0x1  }
0x99: {  	s19 =	simm.s32 $_scs_section_size  }
0x9a: {  	s4 =	simm.s32 $_size__tile_overlayer_lowered;
	s5 =	simm.s32 $_tile_overlayer_lowered  }
0x9b: {  	s22 =	simm.s32 $0x1BFF;
	s21 =	sshll.u32 s5, $0x1;
	s2 =	sadd.s32 s19, s18  }
0x9c: {  	s6 =	simm.s32 $0x0;
	s20 =	sshll.u32 s4, $0x1;
	s4 =	sadd.s32 s21, s2  }
0x9d: {  	[timem:s6], [sflag:s22] =	dma.local [hbm:s4], s20  }
0x9e: {  	_ =	swait.ge [sflag:s22], s20  }
0x9f: {  	s3 =	ssub.s32 $0x0, s20;
	[sflag:s22] =	ssyncset.done $0x0  }
0xa0: {  	[sflag:s22] =	ssyncadd.s32 s3;
	_ =	sdelay $0x1  }
0xa1: {  	s23 =	simm.s32 $0x1B8B  }
0xa2: {  	_ =	swait.ge [sflag:s23], $0x1  }
0xa3: {  	[sflag:s23] =	ssyncset.done $0x0  }
0xa4: {  	s25 =	simm.s32 $0x1B8E;
	s24 =	sld [smem:$0x3FFE];
	[sflag:s23] =	ssyncadd.s32 $0xFFFFFFFF  }
0xa5: {  	s26 =	simm.s32 $execute0_lowered;
	[smem:$0x3FD2] =	sst s25  }
0xa6: {  	s4 =	sshll.u32 s26, $0x1;
	_ =	strace $0x8000004F;
	[dreg:$0x1] =	wrdreg $0xFFFFFFFF  }
0xa7: {  	s28 =	simm.s32 $_size_execute0_lowered;
	s2 =	sadd.s32 s2, s4;
	[dreg:$0x0] =	wrdreg $0x0  }
0xa8: {  	s4 =	sshll.u32 s28, $0x1;
	[dreg:$0x2] =	wrdreg s2  }
0xa9: {  	[dreg:$0x3] =	wrdreg s4  }
0xaa: {  	[dreg:$0x4] =	wrdreg $0xC0  }
0xab: {  	_ =	task [dreg:s6], $0x5FFFF  }
0xac: {  	[dreg:$0x1] =	wrdreg $0xFFFFFFFF  }
0xad: {  	[dreg:$0x0] =	wrdreg $0x60  }
0xae: {  	[dreg:$0x2] =	wrdreg s24  }
0xaf: {  	[dreg:$0x3] =	wrdreg $0x41000  }
0xb0: {  	[dreg:$0x4] =	wrdreg $0x9  }
0xb1: {  	_ =	task.clear_ibuf [dreg:s6], $0x5FFFF;
	_ =	strace $0x9000004F  }
0xb2: {  	s29 =	simm.s32 $0x9;
	_ =	strace $0x80000051  }
0xb3: {  	_ =	swait.ge [sflag:s29], $0x1  }
0xb4: {  	[sflag:s29] =	ssyncadd.s32 $0xFFFFFFFF  }
0xb5: {  	_ =	strace $0x90000051  }
0xb6: {  	_ =	sfence  }
0xb7: {  	s30 =	sld [smem:$0x0];
	_ =	sdelay $0x2  }
0xb8: {  	s31 =	sshll.u32 s1, $0xD;
	s1 =	sshrl.u32 s1, $0x2  }
0xb9: {  	s3 =	sand.u32 $0x4000, s31;
	s1 =	sadd.s32 s1, s30  }
0xba: {  	s0 =	sor.u32 s3, s0;
	s1 =	sshll.u32 s1, $0x11  }
0xbb: {  	s0 =	sor.u32 s1, s0  }
0xbc: {  	s0 =	sadd.s32 $0x8F2B, s0  }
0xbd: {  	[sflag:s0] =	ssyncadd.remote.s32 $0x1  }
0xbe: {  	_ =	sfence.sel $0xFFFF  }
0xbf: {  	[dreg:$0x0] =	wrdreg $0xFFFFFFFF;
	(pc) =	sbr.abs _section_cstart, $3  }
0xc0: {  	[dreg:$0x1] =	wrdreg $0xFFFFFFFF  }
0xc1: {  	_ =	task.clear_ibuf [dreg:s6], $0x2FFFF;
	_ =	strace $0x9FFFFFFF  }
0xc2: {  	(tm) =	ssettm $0x7FFFFFFF  }
0xc3: {  	_ =	shalt  }
tec
execute0_lowered:
.L_overlay_start_1:
0x0: {  	(tag) =	ssettag $0x1  }
0x1: {  	s1 =	rddreg [dreg:$0x0]  }
0x2: {  	s2 =	rddreg [dreg:$0x1];
	s3 =	srdreg.scid  }
0x3: {  	s0 =	rddreg [dreg:$0x2];
	s4 =	simm.s32 $0x0;
	s16 =	simm.s32 $0x2  }
0x4: {  	s17 =	simm.s32 $0x80;
	s18 =	simm.s32 $0x1;
	s9 =	sand.u32 $0x1, s3  }
0x5: {  	s21 =	simm.s32 $0x0;
	s3 =	stileid.u32;
	s7 =	smul.u32 $0x13C000, s9  }
0x6: {  	[smem:$0x7FF] =	sst s4;
	s5 =	sadd.s32 $0xB1400, s1;
	s8 =	smul.u32 $0x13C00, s3  }
0x7: {  	s6 =	sadd.s32 $0xA000, s1;
	_ =	strace $0x80000050;
	s10 =	smul.u32 $0x4F000, s3  }
0x8: {  	s31 =	ssub.s32 $0x2, s9;
	s14 =	smul.u32 $0x5000, s9;
	s19 =	sshll.u32 s3, $0x6  }
0x9: {  	s15 =	smul.u32 $0x500, s3;
	s11 =	sshrl.u32 s31, $0x1;
	s19 =	sor.u32 $0x1C02, s19  }
0xa: {  	s7 =	sadd.s32 s8, s7;
	s10 =	sshrl.u32 s10, $0x2;
	s13 =	ssub.s32 s31, s11  }
0xb: {  	s14 =	sadd.s32 s15, s14;
	s15 =	simm.s32 $0x100;
	s7 =	sshrl.u32 s7, $0x3  }
0xc: {  	s13 =	smax.u32 s13, $0x1;
	s12 =	sadd.s32 s7, s1;
	s7 =	sadd.s32 s10, s2  }
0xd: {  	s8 =	sadd.s32 $0x4000, s7;
	s9 =	sadd.s32 $0x8000, s7;
	s10 =	sadd.s32 $0xC000, s7  }
0xe: {  	v0 =	vimm.f32 $0.0e+00;
	s11 =	sadd.s32 $0x10000, s7;
	s12 =	sadd.s32 $0xD8600, s12;
	s20 =	sshrl.u32 s7, $0x3  }
.LBB2_1:
0xf: {  	s22 =	simm.s32 $0x0;
	s23 =	simm.s32 $0x200  }
.LBB2_2:
0x10: {  	p0 =	sne.s32 s23, $0xFE00;
	[tilespmem:s22+$0x170] =	vst v0  }
0x11: {  	[tilespmem:s22+$0x100] =	vst v0  }
0x12: {  	[tilespmem:s22+$0x110] =	vst v0  }
.Ltmp0:
0x13: {  	[tilespmem:s22+$0x120] =	vst v0;
	(pc) =	sbr.rel @p0 .LBB2_2-.Ltmp0, $4  }
0x14: {  	[tilespmem:s22+$0x130] =	vst v0  }
0x15: {  	[tilespmem:s22+$0x140] =	vst v0  }
0x16: {  	[tilespmem:s22+$0x150] =	vst v0  }
0x17: {  	[tilespmem:s22+$0x160] =	vst v0;
	s22 =	sshra.s32 s23, $0x2;
	s23 =	sadd.s32 $0x200, s23  }
0x18: {  	[tilespmem:s22+$0x170] =	vst v0  }
0x19: {  	[tilespmem:s22+$0x100] =	vst v0  }
0x1a: {  	[tilespmem:s22+$0x110] =	vst v0  }
0x1b: {  	[tilespmem:s22+$0x120] =	vst v0  }
0x1c: {  	[tilespmem:s22+$0x130] =	vst v0  }
0x1d: {  	[tilespmem:s22+$0x140] =	vst v0  }
0x1e: {  	[tilespmem:s22+$0x150] =	vst v0  }
0x1f: {  	[tilespmem:s22+$0x160] =	vst v0  }
0x20: {  	[spmem:s7] =	stream.linear.scatter [tilespmem:s15], [sflag:$0x2], $0x4000, $0x38;
	[tilespmem:$0x17D00] =	vst v63  }
0x21: {  	_ =	swait.ge [sflag:s16], $0x4000  }
0x22: {  	[sflag:s16] =	ssyncset.done $0x0  }
0x23: {  	[sflag:s16] =	ssyncadd.s32 $0xFFFFC000  }
0x24: {  	[spmem:s8] =	stream.linear.scatter [tilespmem:s15], [sflag:$0x2], $0x4000, $0x38;
	[tilespmem:$0x17D00] =	vst v63  }
0x25: {  	_ =	swait.ge [sflag:s16], $0x4000  }
0x26: {  	[sflag:s16] =	ssyncset.done $0x0  }
0x27: {  	[sflag:s16] =	ssyncadd.s32 $0xFFFFC000  }
0x28: {  	[spmem:s9] =	stream.linear.scatter [tilespmem:s15], [sflag:$0x2], $0x4000, $0x38;
	[tilespmem:$0x17D00] =	vst v63  }
0x29: {  	_ =	swait.ge [sflag:s16], $0x4000  }
0x2a: {  	[sflag:s16] =	ssyncset.done $0x0  }
0x2b: {  	[sflag:s16] =	ssyncadd.s32 $0xFFFFC000  }
0x2c: {  	[spmem:s10] =	stream.linear.scatter [tilespmem:s15], [sflag:$0x2], $0x4000, $0x38;
	[tilespmem:$0x17D00] =	vst v63  }
0x2d: {  	_ =	swait.ge [sflag:s16], $0x4000  }
0x2e: {  	[sflag:s16] =	ssyncset.done $0x0  }
0x2f: {  	[sflag:s16] =	ssyncadd.s32 $0xFFFFC000  }
0x30: {  	[spmem:s11] =	stream.linear.scatter [tilespmem:s15], [sflag:$0x2], $0x3C00, $0x38;
	[tilespmem:$0x17D00] =	vst v63  }
0x31: {  	s29 =	simm.s32 $0x0;
	s23 =	sadd.s32 $0x0, s14;
	_ =	swait.ge [sflag:s16], $0x3C00  }
0x32: {  	s23 =	sand.u32 $0xFFFFF80, s23;
	s22 =	sand.u32 $0x70, s29;
	[sflag:s16] =	ssyncset.done $0x0  }
0x33: {  	s22 =	sor.u32 s22, s23;
	[sflag:s16] =	ssyncadd.s32 $0xFFFFC400  }
0x34: {  	s23 =	sadd.s32 s1, s22;
	[bflag:$0x0] =	sbarrier.arrive $0xFFFF  }
0x35: {  	[tilespmem:s4], [sflag:$0x2] =	stream.linear.gather [hbm4b:s23+s4], $0x80, $0x38;
	[tilespmem:$0x17D00] =	vst v63  }
0x36: {  	_ =	swait.ge [sflag:s16], $0x80  }
0x37: {  	[sflag:s16] =	ssyncset.done $0x0  }
0x38: {  	s22 =	sadd.s32 s6, s22;
	[sflag:s16] =	ssyncadd.s32 $0xFFFFFF80  }
0x39: {  	[tilespmem:s17], [sflag:$0x2] =	stream.linear.gather [hbm4b:s22+s4], $0x80, $0x38;
	[tilespmem:$0x17D00] =	vst v63  }
0x3a: {  	_ =	swait.ge [sflag:s16], $0x80  }
0x3b: {  	[sflag:s16] =	ssyncset.done $0x0  }
0x3c: {  	[sflag:s16] =	ssyncadd.s32 $0xFFFFFF80  }
0x3d: {  	[tilespmem:s15], [sflag:$0x1] =	stream.indirect.gather [hbm4b:s5+s17], $0x80, s4, s17, $0xb8;
	[tilespmem:$0x17D00] =	vst v63  }
0x3e: {  	_ =	swait.ge [sflag:s18], $0x4000  }
0x3f: {  	[sflag:s18] =	ssyncset.done $0x0  }
0x40: {  	s30 =	simm.s32 $0x10;
	s31 =	sadd.s32 $0x10, s14;
	[sflag:s18] =	ssyncadd.s32 $0xFFFFC000  }
0x41: {  	[spmem:s2] =	stream.indirect.scatter.add.f32 [tilespmem:s15], [sflag:$0x2], $0x80, s17, s17, $0xb8;
	[tilespmem:$0x17D00] =	vst v63  }
0x42: {  	s24 =	sand.u32 $0xFFFFF80, s31;
	s22 =	sand.u32 $0x70, s30;
	_ =	swait.ge [sflag:s16], $0x4000  }
0x43: {  	s23 =	simm.s32 $0x20;
	s22 =	sor.u32 s22, s24;
	[sflag:s16] =	ssyncset.done $0x0  }
.LBB2_4:
0x44: {  	s24 =	sadd.s32 s1, s22  }
0x45: {  	[sflag:s16] =	ssyncadd.s32 $0xFFFFC000;
	s25 =	smov.u32 s23;
	s26 =	sadd.s32 $0x10, s23  }
0x46: {  	[tilespmem:s4], [sflag:$0x2] =	stream.linear.gather [hbm4b:s24+s4], $0x80, $0x38;
	[tilespmem:$0x17D00] =	vst v63  }
0x47: {  	p0 =	sne.s32 s23, $0x4F0;
	_ =	swait.ge [sflag:s16], $0x80  }
0x48: {  	[sflag:s16] =	ssyncset.done $0x0  }
0x49: {  	s22 =	sadd.s32 s6, s22;
	[sflag:s16] =	ssyncadd.s32 $0xFFFFFF80  }
0x4a: {  	[tilespmem:s17], [sflag:$0x2] =	stream.linear.gather [hbm4b:s22+s4], $0x80, $0x38;
	[tilespmem:$0x17D00] =	vst v63  }
0x4b: {  	_ =	swait.ge [sflag:s16], $0x80  }
0x4c: {  	[sflag:s16] =	ssyncset.done $0x0  }
0x4d: {  	[sflag:s16] =	ssyncadd.s32 $0xFFFFFF80  }
0x4e: {  	[tilespmem:s15], [sflag:$0x1] =	stream.indirect.gather [hbm4b:s5+s17], $0x80, s4, s17, $0xb8;
	[tilespmem:$0x17D00] =	vst v63  }
0x4f: {  	_ =	swait.ge [sflag:s18], $0x4000  }
.Ltmp1:
0x50: {  	[sflag:s18] =	ssyncset.done $0x0;
	(pc) =	sbr.rel @p0 .LBB2_4-.Ltmp1, $4  }
0x51: {  	s22 =	sadd.s32 s25, s14;
	[sflag:s18] =	ssyncadd.s32 $0xFFFFC000  }
0x52: {  	[spmem:s2] =	stream.indirect.scatter.add.f32 [tilespmem:s15], [sflag:$0x2], $0x80, s17, s17, $0xb8;
	[tilespmem:$0x17D00] =	vst v63  }
0x53: {  	s23 =	sand.u32 $0x70, s25;
	s22 =	sand.u32 $0xFFFFF80, s22;
	_ =	swait.ge [sflag:s16], $0x4000  }
0x54: {  	s22 =	sor.u32 s23, s22;
	s23 =	smov.u32 s26;
	[sflag:s16] =	ssyncset.done $0x0  }
0x55: {  	s23 =	sadd.s32 s1, s22;
	[sflag:s16] =	ssyncadd.s32 $0xFFFFC000  }
0x56: {  	[tilespmem:s4], [sflag:$0x2] =	stream.linear.gather [hbm4b:s23+s4], $0x80, $0x38;
	[tilespmem:$0x17D00] =	vst v63  }
0x57: {  	_ =	swait.ge [sflag:s16], $0x80  }
0x58: {  	[sflag:s16] =	ssyncset.done $0x0  }
0x59: {  	s31 =	sadd.s32 s6, s22;
	[sflag:s16] =	ssyncadd.s32 $0xFFFFFF80  }
0x5a: {  	[tilespmem:s17], [sflag:$0x2] =	stream.linear.gather [hbm4b:s31+s4], $0x80, $0x38;
	[tilespmem:$0x17D00] =	vst v63  }
0x5b: {  	_ =	swait.ge [sflag:s16], $0x80  }
0x5c: {  	[sflag:s16] =	ssyncset.done $0x0  }
0x5d: {  	[sflag:s16] =	ssyncadd.s32 $0xFFFFFF80  }
0x5e: {  	[tilespmem:s15], [sflag:$0x1] =	stream.indirect.gather [hbm4b:s5+s17], $0x80, s4, s17, $0xb8;
	[tilespmem:$0x17D00] =	vst v63  }
0x5f: {  	_ =	swait.ge [sflag:s18], $0x4000  }
0x60: {  	[sflag:s18] =	ssyncset.done $0x0  }
0x61: {  	[sflag:s18] =	ssyncadd.s32 $0xFFFFC000  }
0x62: {  	[spmem:s2] =	stream.indirect.scatter.add.f32 [tilespmem:s15], [sflag:$0x2], $0x80, s17, s17, $0xb8;
	[tilespmem:$0x17D00] =	vst v63  }
0x63: {  	_ =	swait.ge [sflag:s16], $0x4000  }
0x64: {  	s21 =	sadd.s32 $0x1, s21;
	[sflag:s16] =	ssyncset.done $0x0  }
0x65: {  	p0 =	sne.s32 s21, s13;
	[sflag:s16] =	ssyncadd.s32 $0xFFFFC000  }
.Ltmp2:
0x66: {  	[bflag:$0x0] =	sbarrier.arrive $0xFFFF;
	(pc) =	sbr.rel @p0 .LBB2_1-.Ltmp2, $4  }
0x67: {  	[hbm:s12], [sflag:s19] =	dma.local [spmem:s20], $0x2780  }
0x68: {  	_ =	swait.ge [sflag:s16], $0x2780  }
0x69: {  	[sflag:s16] =	ssyncset.done $0x0  }
0x6a: {  	[sflag:s16] =	ssyncadd.s32 $0xFFFFD880  }
0x6b: {  	_ =	sfence.sel $0x180000  }
0x6c: {  	[bflag:$0x0] =	sbarrier.arrive $0xFFFF  }
0x6d: {  	p0 =	sne.s32 s3, $0x0;
	_ =	strace $0x90000050  }
0x6e: {  	s0 =	sadd.s32 @!p0 $0x100000, s0;
	[bflag:$0x2] =	sbarrier.arrive $0xFFFF  }
0x6f: {  	[sflag:s0] =	ssyncadd.tile.s32 @!p0 $0x1;
	_ =	shalt  }
.Lfunc_end2:
_tile_overlayer_lowered:
.L_overlay_start_2:
0x70: {  	(tag) =	ssettag $0x2  }
0x71: {  	s0 =	rddreg [dreg:$0x0];
	s2 =	stileid.u32  }
0x72: {  	s1 =	rddreg [dreg:$0x1];
	p0 =	sne.s32 s2, $0x0  }
0x73: {  	s3 =	rddreg [dreg:$0x2];
	[bflag:$0x3] =	sbarrier.arrive $0xFFFF;
	s2 =	simm.s32 @!p0 $0x1C02  }
0x74: {  	[timem:s3], [sflag:s2] =	dma.local @!p0 [hbm:s0], s1  }
0x75: {  	s0 =	simm.s32 @!p0 $0x2  }
0x76: {  	_ =	swait.ge @!p0 [sflag:s0], s1  }
0x77: {  	s1 =	ssub.s32 @!p0 $0x0, s1;
	[sflag:s0] =	ssyncset.done @!p0 $0x0  }
0x78: {  	[sflag:s0] =	ssyncadd.s32 @!p0 s1  }
0x79: {  	[bflag:$0x3] =	sbarrier.arrive $0xFFFF  }
0x7a: {  	_ =	shalt  }

// kernel: kernel.31.cloned.1.call-start
scs
__scs_entry_jumppad:
0x0: {  	(pc) =	sbr.rel $0x88, $3  }
0x1: {  	(tag) =	ssettag $0x0;
	lr =	simm.s32 $0x1  }
0x2: {  	[smem:$0x3F93] =	sst lr;
	_ =	strace $0xD0000000  }
0x3: {  	_ = 	snop  }
0x4: {  	_ = 	snop  }
0x5: {  	_ = 	snop  }
0x6: {  	_ = 	snop  }
0x7: {  	_ = 	snop  }
__scs_overlays_trampoline_lowered:
0x8: {  	[smem:$0x3FA2] =	sst s0  }
0x9: {  	[smem:$0x3FA3] =	sst s1  }
0xa: {  	[smem:$0x3FA4] =	sst s2  }
0xb: {  	[smem:$0x3FA5] =	sst s3  }
0xc: {  	[smem:$0x3FA6] =	sst s4  }
0xd: {  	[smem:$0x3FA7] =	sst s5  }
0xe: {  	[smem:$0x3FA8] =	sst s6  }
0xf: {  	[smem:$0x3FA9] =	sst s7  }
0x10: {  	[smem:$0x3FAA] =	sst s8  }
0x11: {  	[smem:$0x3FAB] =	sst s9;
	s0 =	simm.s32 @!p0 $0x0  }
0x12: {  	s1 =	sld [smem:$0x3F91];
	s0 =	simm.s32 @p0 $0x1  }
0x13: {  	[smem:$0x3FAC] =	sst s0;
	s0 =	simm.s32 @!p1 $0x0  }
0x14: {  	s2 =	sld [smem:$0x3F90];
	s0 =	simm.s32 @p1 $0x1  }
0x15: {  	[smem:$0x3FAD] =	sst s0;
	s0 =	simm.s32 @!p2 $0x0  }
0x16: {  	s3 =	sld [smem:$0x3FDB];
	s0 =	simm.s32 @p2 $0x1  }
0x17: {  	s4 =	simm.s32 $0x1BF5;
	[smem:$0x3FAF] =	sst s0  }
0x18: {  	s0 =	sld [smem:$0x3F92];
	_ =	swait.ge [sflag:s4], $0x0  }
0x19: {  	s7 =	sld [smem:$0x3F93]  }
0x1a: {  	s8 =	sadd.s32 $0xFFFFE003, lr  }
0x1b: {  	s9 =	sadd.s32 $0xFFFFFEF7, lr;
	s5 =	simm.s32 $0xFFFFFFFF;
	p2 =	slt.u32 s8, $0xFFFFF086  }
0x1c: {  	p1 =	slt.u32 s9, $0xF7A;
	s5 =	simm.s32 @!p2 $0x0  }
0x1d: {  	s5 =	simm.s32 @p1 $0x1;
	p0 =	seq.s32 s7, s2  }
0x1e: {  	s7 =	smul.u32 @!p0 $0xF7A, s2;
	p2 =	seq.s32 @!p0 s5, $0x0  }
0x1f: {  	s9 =	smul.u32 $0xF7A, s1;
	s8 =	simm.s32 @!p0 $0x1BF5;
	p2 =	por !p2, p0  }
0x20: {  	[sflag:s8] =	ssyncset.s32 @!p0 $0xFFFFF086;
	s6 =	sadd.s32 @!p0 s3, s7;
	s7 =	simm.s32 @!p0 $0x108  }
0x21: {  	s3 =	sadd.s32 s3, s9;
	s6 =	sadd.s32 @!p0 $0x88, s6;
	s7 =	simm.s32 @p2 $0x1082  }
0x22: {  	[simem:s7], [sflag:s8] =	dma.local @!p0 [hbm:s6], $0xF7A  }
0x23: {  	s9 =	sor.u32 $0xD0000000, s2;
	s6 =	simm.s32 $0x108;
	_ =	swait.ge @!p0 [sflag:s8], $0x0  }
0x24: {  	s3 =	sadd.s32 $0x88, s3;
	s6 =	simm.s32 @!p1 $0x1082;
	[sflag:s4] =	ssyncset.s32 $0xFFFFF086  }
0x25: {  	[simem:s6], [sflag:s4] =	dma.local [hbm:s3], $0xF7A  }
0x26: {  	[smem:$0x3F93] =	sst s1;
	(tag) =	ssettag s2;
	_ =	strace s9  }
0x27: {  	s1 =	sld [smem:$0x3FA3]  }
0x28: {  	s2 =	sld [smem:$0x3FA4]  }
0x29: {  	s4 =	sld [smem:$0x3FA6]  }
0x2a: {  	p0 =	seq.s32 s5, $0x0;
	s5 =	sld [smem:$0x3FA7]  }
0x2b: {  	s6 =	sld [smem:$0x3FA8]  }
0x2c: {  	s7 =	sld [smem:$0x3FA9]  }
0x2d: {  	s3 =	simm.s32 $0x108;
	s8 =	sld [smem:$0x3FAA]  }
0x2e: {  	s3 =	simm.s32 @!p0 $0x1082;
	s9 =	sld [smem:$0x3FAB]  }
0x2f: {  	lr =	sadd.s32 s0, s3;
	s0 =	sld [smem:$0x3FA2]  }
0x30: {  	s3 =	sld [smem:$0x3FA5]  }
0x31: {  	[smem:$0x3FAE] =	sst s10  }
0x32: {  	s10 =	sld [smem:$0x3FAC];
	_ =	sdelay $0x3  }
0x33: {  	p0 =	seq.s32 s10, $0x1;
	s10 =	sld [smem:$0x3FAE];
	_ =	sdelay $0x3  }
0x34: {  	[smem:$0x3FAE] =	sst s10  }
0x35: {  	s10 =	sld [smem:$0x3FAD];
	_ =	sdelay $0x3  }
0x36: {  	p1 =	seq.s32 s10, $0x1;
	s10 =	sld [smem:$0x3FAE];
	_ =	sdelay $0x3  }
0x37: {  	[smem:$0x3FAE] =	sst s10  }
0x38: {  	s10 =	sld [smem:$0x3FAF]  }
0x39: {  	_ = 	snop;
	(pc) =	sbr.ind lr, $3  }
0x3a: {  	_ = 	snop  }
0x3b: {  	_ = 	snop  }
0x3c: {  	p2 =	seq.s32 s10, $0x1;
	s10 =	sld [smem:$0x3FAE]  }
0x3d: {  	_ =	shalt  }
0x3e: {  	_ =	shalt  }
0x3f: {  	_ =	shalt  }
0x40: {  	_ =	shalt  }
0x41: {  	_ =	shalt  }
0x42: {  	_ =	shalt  }
0x43: {  	_ =	shalt  }
0x44: {  	_ =	shalt  }
0x45: {  	_ =	shalt  }
0x46: {  	_ =	shalt  }
0x47: {  	_ =	shalt  }
0x48: {  	_ =	shalt  }
0x49: {  	_ =	shalt  }
0x4a: {  	_ =	shalt  }
0x4b: {  	_ =	shalt  }
0x4c: {  	_ =	shalt  }
0x4d: {  	_ =	shalt  }
0x4e: {  	_ =	shalt  }
0x4f: {  	_ =	shalt  }
0x50: {  	_ =	shalt  }
0x51: {  	_ =	shalt  }
0x52: {  	_ =	shalt  }
0x53: {  	_ =	shalt  }
0x54: {  	_ =	shalt  }
0x55: {  	_ =	shalt  }
0x56: {  	_ =	shalt  }
0x57: {  	_ =	shalt  }
0x58: {  	_ =	shalt  }
0x59: {  	_ =	shalt  }
0x5a: {  	_ =	shalt  }
0x5b: {  	_ =	shalt  }
0x5c: {  	_ =	shalt  }
0x5d: {  	_ =	shalt  }
0x5e: {  	_ =	shalt  }
0x5f: {  	_ =	shalt  }
0x60: {  	_ =	shalt  }
0x61: {  	_ =	shalt  }
0x62: {  	_ =	shalt  }
0x63: {  	_ =	shalt  }
0x64: {  	_ =	shalt  }
0x65: {  	_ =	shalt  }
0x66: {  	_ =	shalt  }
0x67: {  	_ =	shalt  }
0x68: {  	_ =	shalt  }
0x69: {  	_ =	shalt  }
0x6a: {  	_ =	shalt  }
0x6b: {  	_ =	shalt  }
0x6c: {  	_ =	shalt  }
0x6d: {  	_ =	shalt  }
0x6e: {  	_ =	shalt  }
0x6f: {  	_ =	shalt  }
0x70: {  	_ =	shalt  }
0x71: {  	_ =	shalt  }
0x72: {  	_ =	shalt  }
0x73: {  	_ =	shalt  }
0x74: {  	_ =	shalt  }
0x75: {  	_ =	shalt  }
0x76: {  	_ =	shalt  }
0x77: {  	_ =	shalt  }
0x78: {  	_ =	shalt  }
0x79: {  	_ =	shalt  }
0x7a: {  	_ =	shalt  }
0x7b: {  	_ =	shalt  }
0x7c: {  	_ =	shalt  }
0x7d: {  	_ =	shalt  }
0x7e: {  	_ =	shalt  }
0x7f: {  	_ =	shalt  }
0x80: {  	_ =	shalt  }
0x81: {  	_ =	shalt  }
0x82: {  	_ =	shalt  }
0x83: {  	_ =	shalt  }
0x84: {  	_ =	shalt  }
0x85: {  	_ =	shalt  }
0x86: {  	_ =	shalt  }
0x87: {  	_ =	shalt  }
.Lfunc_end0:
.L_simem_size_0:
called_computation.4_lowered:
.L_overlay_start_0:
0x88: {  	s2 =	sld [smem:$0x3FD9]  }
0x89: {  	s3 =	sld [smem:$0x3FFE];
	_ =	sdelay $0x1  }
0x8a: {  	s1 =	srdreg.scid  }
0x8b: {  	s0 =	sand.u32 $0x1, s1  }
0x8c: {  	s16 =	sshll.u32 s0, $0xA;
	s2 =	sadd.s32 s3, s2  }
0x8d: {  	s2 =	sadd.s32 s2, s16  }
0x8e: {  	[smem:$0x3FBA] =	sst s2  }
0x8f: {  	_ = 	snop  }
0x90: {  	(tm) =	ssettm $0x1  }
0x91: {  	s17 =	sld [smem:$0x3FFB];
	_ =	sdelay $0x3  }
0x92: {  	_ =	strace s17  }
0x93: {  	s2 =	sld [smem:$0x3FFC];
	_ =	sdelay $0x3  }
0x94: {  	_ =	strace s2  }
0x95: {  	s2 =	sld [smem:$0x3FFD];
	_ =	sdelay $0x3  }
0x96: {  	_ =	strace s2  }
0x97: {  	_ =	strace $0x8FFFFFFF  }
0x98: {  	s18 =	sld [smem:$0x3FDB];
	_ =	sdelay $0x1  }
0x99: {  	s19 =	simm.s32 $_scs_section_size  }
0x9a: {  	s4 =	simm.s32 $_size__tile_overlayer_lowered;
	s5 =	simm.s32 $_tile_overlayer_lowered  }
0x9b: {  	s22 =	simm.s32 $0x1BFF;
	s21 =	sshll.u32 s5, $0x1;
	s2 =	sadd.s32 s19, s18  }
0x9c: {  	s6 =	simm.s32 $0x0;
	s20 =	sshll.u32 s4, $0x1;
	s4 =	sadd.s32 s21, s2  }
0x9d: {  	[timem:s6], [sflag:s22] =	dma.local [hbm:s4], s20  }
0x9e: {  	_ =	swait.ge [sflag:s22], s20  }
0x9f: {  	s3 =	ssub.s32 $0x0, s20;
	[sflag:s22] =	ssyncset.done $0x0  }
0xa0: {  	[sflag:s22] =	ssyncadd.s32 s3;
	_ =	sdelay $0x1  }
0xa1: {  	s23 =	simm.s32 $0x1B8B  }
0xa2: {  	_ =	swait.ge [sflag:s23], $0x1  }
0xa3: {  	[sflag:s23] =	ssyncset.done $0x0  }
0xa4: {  	s25 =	simm.s32 $0x1B8E;
	s24 =	sld [smem:$0x3FFE];
	[sflag:s23] =	ssyncadd.s32 $0xFFFFFFFF  }
0xa5: {  	s26 =	simm.s32 $execute0_lowered;
	[smem:$0x3FD2] =	sst s25  }
0xa6: {  	s4 =	sshll.u32 s26, $0x1;
	_ =	strace $0x80000052;
	[dreg:$0x1] =	wrdreg $0xFFFFFFFF  }
0xa7: {  	s28 =	simm.s32 $_size_execute0_lowered;
	s2 =	sadd.s32 s2, s4;
	[dreg:$0x0] =	wrdreg $0x0  }
0xa8: {  	s4 =	sshll.u32 s28, $0x1;
	[dreg:$0x2] =	wrdreg s2  }
0xa9: {  	[dreg:$0x3] =	wrdreg s4  }
0xaa: {  	[dreg:$0x4] =	wrdreg $0xC0  }
0xab: {  	_ =	task [dreg:s6], $0x5FFFF  }
0xac: {  	[dreg:$0x1] =	wrdreg $0xFFFFFFFF  }
0xad: {  	[dreg:$0x0] =	wrdreg $0x60  }
0xae: {  	[dreg:$0x2] =	wrdreg s24  }
0xaf: {  	[dreg:$0x3] =	wrdreg $0x41000  }
0xb0: {  	[dreg:$0x4] =	wrdreg $0x9  }
0xb1: {  	_ =	task.clear_ibuf [dreg:s6], $0x5FFFF;
	_ =	strace $0x90000052  }
0xb2: {  	s29 =	simm.s32 $0x9;
	_ =	strace $0x80000054  }
0xb3: {  	_ =	swait.ge [sflag:s29], $0x1  }
0xb4: {  	[sflag:s29] =	ssyncadd.s32 $0xFFFFFFFF  }
0xb5: {  	_ =	strace $0x90000054  }
0xb6: {  	_ =	sfence  }
0xb7: {  	s30 =	sld [smem:$0x0];
	_ =	sdelay $0x2  }
0xb8: {  	s31 =	sshll.u32 s1, $0xD;
	s1 =	sshrl.u32 s1, $0x2  }
0xb9: {  	s3 =	sand.u32 $0x4000, s31;
	s1 =	sadd.s32 s1, s30  }
0xba: {  	s0 =	sor.u32 s3, s0;
	s1 =	sshll.u32 s1, $0x11  }
0xbb: {  	s0 =	sor.u32 s1, s0  }
0xbc: {  	s0 =	sadd.s32 $0x8F2B, s0  }
0xbd: {  	[sflag:s0] =	ssyncadd.remote.s32 $0x1  }
0xbe: {  	_ =	sfence.sel $0xFFFF  }
0xbf: {  	[dreg:$0x0] =	wrdreg $0xFFFFFFFF;
	(pc) =	sbr.abs _section_cstart, $3  }
0xc0: {  	[dreg:$0x1] =	wrdreg $0xFFFFFFFF  }
0xc1: {  	_ =	task.clear_ibuf [dreg:s6], $0x2FFFF;
	_ =	strace $0x9FFFFFFF  }
0xc2: {  	(tm) =	ssettm $0x7FFFFFFF  }
0xc3: {  	_ =	shalt  }
tec
execute0_lowered:
.L_overlay_start_1:
0x0: {  	(tag) =	ssettag $0x1  }
0x1: {  	s1 =	rddreg [dreg:$0x0]  }
0x2: {  	s2 =	rddreg [dreg:$0x1];
	s3 =	srdreg.scid  }
0x3: {  	s0 =	rddreg [dreg:$0x2];
	s4 =	simm.s32 $0x0;
	s16 =	simm.s32 $0x2  }
0x4: {  	s17 =	simm.s32 $0x80;
	s18 =	simm.s32 $0x1;
	s9 =	sand.u32 $0x1, s3  }
0x5: {  	s21 =	simm.s32 $0x0;
	s3 =	stileid.u32;
	s7 =	smul.u32 $0x13C000, s9  }
0x6: {  	[smem:$0x7FF] =	sst s4;
	s5 =	sadd.s32 $0x8A200, s1;
	s8 =	smul.u32 $0x13C00, s3  }
0x7: {  	s6 =	sadd.s32 $0xA000, s1;
	_ =	strace $0x80000053;
	s10 =	smul.u32 $0x4F000, s3  }
0x8: {  	s31 =	ssub.s32 $0x2, s9;
	s14 =	smul.u32 $0x5000, s9;
	s19 =	sshll.u32 s3, $0x6  }
0x9: {  	s15 =	smul.u32 $0x500, s3;
	s11 =	sshrl.u32 s31, $0x1;
	s19 =	sor.u32 $0x1C02, s19  }
0xa: {  	s7 =	sadd.s32 s8, s7;
	s10 =	sshrl.u32 s10, $0x2;
	s13 =	ssub.s32 s31, s11  }
0xb: {  	s14 =	sadd.s32 s15, s14;
	s15 =	simm.s32 $0x100;
	s7 =	sshrl.u32 s7, $0x3  }
0xc: {  	s13 =	smax.u32 s13, $0x1;
	s12 =	sadd.s32 s7, s1;
	s7 =	sadd.s32 s10, s2  }
0xd: {  	s8 =	sadd.s32 $0x4000, s7;
	s9 =	sadd.s32 $0x8000, s7;
	s10 =	sadd.s32 $0xC000, s7  }
0xe: {  	v0 =	vimm.f32 $0.0e+00;
	s11 =	sadd.s32 $0x10000, s7;
	s12 =	sadd.s32 $0xD8600, s12;
	s20 =	sshrl.u32 s7, $0x3  }
.LBB2_1:
0xf: {  	s22 =	simm.s32 $0x0;
	s23 =	simm.s32 $0x200  }
.LBB2_2:
0x10: {  	p0 =	sne.s32 s23, $0xFE00;
	[tilespmem:s22+$0x170] =	vst v0  }
0x11: {  	[tilespmem:s22+$0x100] =	vst v0  }
0x12: {  	[tilespmem:s22+$0x110] =	vst v0  }
.Ltmp0:
0x13: {  	[tilespmem:s22+$0x120] =	vst v0;
	(pc) =	sbr.rel @p0 .LBB2_2-.Ltmp0, $4  }
0x14: {  	[tilespmem:s22+$0x130] =	vst v0  }
0x15: {  	[tilespmem:s22+$0x140] =	vst v0  }
0x16: {  	[tilespmem:s22+$0x150] =	vst v0  }
0x17: {  	[tilespmem:s22+$0x160] =	vst v0;
	s22 =	sshra.s32 s23, $0x2;
	s23 =	sadd.s32 $0x200, s23  }
0x18: {  	[tilespmem:s22+$0x170] =	vst v0  }
0x19: {  	[tilespmem:s22+$0x100] =	vst v0  }
0x1a: {  	[tilespmem:s22+$0x110] =	vst v0  }
0x1b: {  	[tilespmem:s22+$0x120] =	vst v0  }
0x1c: {  	[tilespmem:s22+$0x130] =	vst v0  }
0x1d: {  	[tilespmem:s22+$0x140] =	vst v0  }
0x1e: {  	[tilespmem:s22+$0x150] =	vst v0  }
0x1f: {  	[tilespmem:s22+$0x160] =	vst v0  }
0x20: {  	[spmem:s7] =	stream.linear.scatter [tilespmem:s15], [sflag:$0x2], $0x4000, $0x38;
	[tilespmem:$0x17D00] =	vst v63  }
0x21: {  	_ =	swait.ge [sflag:s16], $0x4000  }
0x22: {  	[sflag:s16] =	ssyncset.done $0x0  }
0x23: {  	[sflag:s16] =	ssyncadd.s32 $0xFFFFC000  }
0x24: {  	[spmem:s8] =	stream.linear.scatter [tilespmem:s15], [sflag:$0x2], $0x4000, $0x38;
	[tilespmem:$0x17D00] =	vst v63  }
0x25: {  	_ =	swait.ge [sflag:s16], $0x4000  }
0x26: {  	[sflag:s16] =	ssyncset.done $0x0  }
0x27: {  	[sflag:s16] =	ssyncadd.s32 $0xFFFFC000  }
0x28: {  	[spmem:s9] =	stream.linear.scatter [tilespmem:s15], [sflag:$0x2], $0x4000, $0x38;
	[tilespmem:$0x17D00] =	vst v63  }
0x29: {  	_ =	swait.ge [sflag:s16], $0x4000  }
0x2a: {  	[sflag:s16] =	ssyncset.done $0x0  }
0x2b: {  	[sflag:s16] =	ssyncadd.s32 $0xFFFFC000  }
0x2c: {  	[spmem:s10] =	stream.linear.scatter [tilespmem:s15], [sflag:$0x2], $0x4000, $0x38;
	[tilespmem:$0x17D00] =	vst v63  }
0x2d: {  	_ =	swait.ge [sflag:s16], $0x4000  }
0x2e: {  	[sflag:s16] =	ssyncset.done $0x0  }
0x2f: {  	[sflag:s16] =	ssyncadd.s32 $0xFFFFC000  }
0x30: {  	[spmem:s11] =	stream.linear.scatter [tilespmem:s15], [sflag:$0x2], $0x3C00, $0x38;
	[tilespmem:$0x17D00] =	vst v63  }
0x31: {  	s29 =	simm.s32 $0x0;
	s23 =	sadd.s32 $0x0, s14;
	_ =	swait.ge [sflag:s16], $0x3C00  }
0x32: {  	s23 =	sand.u32 $0xFFFFF80, s23;
	s22 =	sand.u32 $0x70, s29;
	[sflag:s16] =	ssyncset.done $0x0  }
0x33: {  	s22 =	sor.u32 s22, s23;
	[sflag:s16] =	ssyncadd.s32 $0xFFFFC400  }
0x34: {  	s23 =	sadd.s32 s1, s22;
	[bflag:$0x0] =	sbarrier.arrive $0xFFFF  }
0x35: {  	[tilespmem:s4], [sflag:$0x2] =	stream.linear.gather [hbm4b:s23+s4], $0x80, $0x38;
	[tilespmem:$0x17D00] =	vst v63  }
0x36: {  	_ =	swait.ge [sflag:s16], $0x80  }
0x37: {  	[sflag:s16] =	ssyncset.done $0x0  }
0x38: {  	s22 =	sadd.s32 s6, s22;
	[sflag:s16] =	ssyncadd.s32 $0xFFFFFF80  }
0x39: {  	[tilespmem:s17], [sflag:$0x2] =	stream.linear.gather [hbm4b:s22+s4], $0x80, $0x38;
	[tilespmem:$0x17D00] =	vst v63  }
0x3a: {  	_ =	swait.ge [sflag:s16], $0x80  }
0x3b: {  	[sflag:s16] =	ssyncset.done $0x0  }
0x3c: {  	[sflag:s16] =	ssyncadd.s32 $0xFFFFFF80  }
0x3d: {  	[tilespmem:s15], [sflag:$0x1] =	stream.indirect.gather [hbm4b:s5+s17], $0x80, s4, s17, $0xb8;
	[tilespmem:$0x17D00] =	vst v63  }
0x3e: {  	_ =	swait.ge [sflag:s18], $0x4000  }
0x3f: {  	[sflag:s18] =	ssyncset.done $0x0  }
0x40: {  	s30 =	simm.s32 $0x10;
	s31 =	sadd.s32 $0x10, s14;
	[sflag:s18] =	ssyncadd.s32 $0xFFFFC000  }
0x41: {  	[spmem:s2] =	stream.indirect.scatter.add.f32 [tilespmem:s15], [sflag:$0x2], $0x80, s17, s17, $0xb8;
	[tilespmem:$0x17D00] =	vst v63  }
0x42: {  	s24 =	sand.u32 $0xFFFFF80, s31;
	s22 =	sand.u32 $0x70, s30;
	_ =	swait.ge [sflag:s16], $0x4000  }
0x43: {  	s23 =	simm.s32 $0x20;
	s22 =	sor.u32 s22, s24;
	[sflag:s16] =	ssyncset.done $0x0  }
.LBB2_4:
0x44: {  	s24 =	sadd.s32 s1, s22  }
0x45: {  	[sflag:s16] =	ssyncadd.s32 $0xFFFFC000;
	s25 =	smov.u32 s23;
	s26 =	sadd.s32 $0x10, s23  }
0x46: {  	[tilespmem:s4], [sflag:$0x2] =	stream.linear.gather [hbm4b:s24+s4], $0x80, $0x38;
	[tilespmem:$0x17D00] =	vst v63  }
0x47: {  	p0 =	sne.s32 s23, $0x4F0;
	_ =	swait.ge [sflag:s16], $0x80  }
0x48: {  	[sflag:s16] =	ssyncset.done $0x0  }
0x49: {  	s22 =	sadd.s32 s6, s22;
	[sflag:s16] =	ssyncadd.s32 $0xFFFFFF80  }
0x4a: {  	[tilespmem:s17], [sflag:$0x2] =	stream.linear.gather [hbm4b:s22+s4], $0x80, $0x38;
	[tilespmem:$0x17D00] =	vst v63  }
0x4b: {  	_ =	swait.ge [sflag:s16], $0x80  }
0x4c: {  	[sflag:s16] =	ssyncset.done $0x0  }
0x4d: {  	[sflag:s16] =	ssyncadd.s32 $0xFFFFFF80  }
0x4e: {  	[tilespmem:s15], [sflag:$0x1] =	stream.indirect.gather [hbm4b:s5+s17], $0x80, s4, s17, $0xb8;
	[tilespmem:$0x17D00] =	vst v63  }
0x4f: {  	_ =	swait.ge [sflag:s18], $0x4000  }
.Ltmp1:
0x50: {  	[sflag:s18] =	ssyncset.done $0x0;
	(pc) =	sbr.rel @p0 .LBB2_4-.Ltmp1, $4  }
0x51: {  	s22 =	sadd.s32 s25, s14;
	[sflag:s18] =	ssyncadd.s32 $0xFFFFC000  }
0x52: {  	[spmem:s2] =	stream.indirect.scatter.add.f32 [tilespmem:s15], [sflag:$0x2], $0x80, s17, s17, $0xb8;
	[tilespmem:$0x17D00] =	vst v63  }
0x53: {  	s23 =	sand.u32 $0x70, s25;
	s22 =	sand.u32 $0xFFFFF80, s22;
	_ =	swait.ge [sflag:s16], $0x4000  }
0x54: {  	s22 =	sor.u32 s23, s22;
	s23 =	smov.u32 s26;
	[sflag:s16] =	ssyncset.done $0x0  }
0x55: {  	s23 =	sadd.s32 s1, s22;
	[sflag:s16] =	ssyncadd.s32 $0xFFFFC000  }
0x56: {  	[tilespmem:s4], [sflag:$0x2] =	stream.linear.gather [hbm4b:s23+s4], $0x80, $0x38;
	[tilespmem:$0x17D00] =	vst v63  }
0x57: {  	_ =	swait.ge [sflag:s16], $0x80  }
0x58: {  	[sflag:s16] =	ssyncset.done $0x0  }
0x59: {  	s31 =	sadd.s32 s6, s22;
	[sflag:s16] =	ssyncadd.s32 $0xFFFFFF80  }
0x5a: {  	[tilespmem:s17], [sflag:$0x2] =	stream.linear.gather [hbm4b:s31+s4], $0x80, $0x38;
	[tilespmem:$0x17D00] =	vst v63  }
0x5b: {  	_ =	swait.ge [sflag:s16], $0x80  }
0x5c: {  	[sflag:s16] =	ssyncset.done $0x0  }
0x5d: {  	[sflag:s16] =	ssyncadd.s32 $0xFFFFFF80  }
0x5e: {  	[tilespmem:s15], [sflag:$0x1] =	stream.indirect.gather [hbm4b:s5+s17], $0x80, s4, s17, $0xb8;
	[tilespmem:$0x17D00] =	vst v63  }
0x5f: {  	_ =	swait.ge [sflag:s18], $0x4000  }
0x60: {  	[sflag:s18] =	ssyncset.done $0x0  }
0x61: {  	[sflag:s18] =	ssyncadd.s32 $0xFFFFC000  }
0x62: {  	[spmem:s2] =	stream.indirect.scatter.add.f32 [tilespmem:s15], [sflag:$0x2], $0x80, s17, s17, $0xb8;
	[tilespmem:$0x17D00] =	vst v63  }
0x63: {  	_ =	swait.ge [sflag:s16], $0x4000  }
0x64: {  	s21 =	sadd.s32 $0x1, s21;
	[sflag:s16] =	ssyncset.done $0x0  }
0x65: {  	p0 =	sne.s32 s21, s13;
	[sflag:s16] =	ssyncadd.s32 $0xFFFFC000  }
.Ltmp2:
0x66: {  	[bflag:$0x0] =	sbarrier.arrive $0xFFFF;
	(pc) =	sbr.rel @p0 .LBB2_1-.Ltmp2, $4  }
0x67: {  	[hbm:s12], [sflag:s19] =	dma.local [spmem:s20], $0x2780  }
0x68: {  	_ =	swait.ge [sflag:s16], $0x2780  }
0x69: {  	[sflag:s16] =	ssyncset.done $0x0  }
0x6a: {  	[sflag:s16] =	ssyncadd.s32 $0xFFFFD880  }
0x6b: {  	_ =	sfence.sel $0x180000  }
0x6c: {  	[bflag:$0x0] =	sbarrier.arrive $0xFFFF  }
0x6d: {  	p0 =	sne.s32 s3, $0x0;
	_ =	strace $0x90000053  }
0x6e: {  	s0 =	sadd.s32 @!p0 $0x100000, s0;
	[bflag:$0x2] =	sbarrier.arrive $0xFFFF  }
0x6f: {  	[sflag:s0] =	ssyncadd.tile.s32 @!p0 $0x1;
	_ =	shalt  }
.Lfunc_end2:
_tile_overlayer_lowered:
.L_overlay_start_2:
0x70: {  	(tag) =	ssettag $0x2  }
0x71: {  	s0 =	rddreg [dreg:$0x0];
	s2 =	stileid.u32  }
0x72: {  	s1 =	rddreg [dreg:$0x1];
	p0 =	sne.s32 s2, $0x0  }
0x73: {  	s3 =	rddreg [dreg:$0x2];
	[bflag:$0x3] =	sbarrier.arrive $0xFFFF;
	s2 =	simm.s32 @!p0 $0x1C02  }
0x74: {  	[timem:s3], [sflag:s2] =	dma.local @!p0 [hbm:s0], s1  }
0x75: {  	s0 =	simm.s32 @!p0 $0x2  }
0x76: {  	_ =	swait.ge @!p0 [sflag:s0], s1  }
0x77: {  	s1 =	ssub.s32 @!p0 $0x0, s1;
	[sflag:s0] =	ssyncset.done @!p0 $0x0  }
0x78: {  	[sflag:s0] =	ssyncadd.s32 @!p0 s1  }
0x79: {  	[bflag:$0x3] =	sbarrier.arrive $0xFFFF  }
0x7a: {  	_ =	shalt  }

</sc_bundles>
